<compile_context>
chip_gen: v7x
topology: tpu7x:2x2x1
jax: 0.10.2.dev20260603
libtpu: 0.0.44.dev20260713+nightly
codegen_flags: <defaults>
</compile_context>

<pallas_src>
import functools

import jax
import jax.numpy as jnp
from jax import lax
from jax.experimental import pallas as pl
from jax.experimental.pallas import tpu as pltpu
from jax.experimental.pallas import tpu_sc as plsc

N = 10000
E = 320000
NUM_GRAPHS = 256
NPAD = 10240
EPAD = 327680
NC = 2
NS = 16
CHUNK = 128
EPT = EPAD // NS
EPW = EPAD // (NC * NS)
RPT = NPAD // NS
NSEG = 4
SEGC = EPT // CHUNK // NSEG
RBLK = 512
NBLK = NPAD // RBLK

_mesh = plsc.VectorSubcoreMesh(core_axis_name="c", subcore_axis_name="s",
                               num_cores=NC, num_subcores=NS)


def _fill2d(ref, nrows, ncols, val):
    vec = jnp.full((16,), val, jnp.float32)

    def body(r, _):
        for k in range(ncols // 16):
            ref[r, pl.ds(k * 16, 16)] = vec
        return 0

    lax.fori_loop(0, nrows, body, 0)


def _deg_body(dstd_hbm, out_hbm, idx_v, ones_v, zer_v, acc_sh, sem):
    c = lax.axis_index("c")
    s = lax.axis_index("s")
    wid = c * NS + s
    _fill2d(ones_v, CHUNK, 128, 1.0)
    _fill2d(zer_v, CHUNK, 128, 0.0)
    for k in range(RPT // CHUNK):
        pltpu.sync_copy(zer_v, acc_sh.at[pl.ds(s * RPT + k * CHUNK, CHUNK)])
    plsc.subcore_barrier()
    pltpu.sync_copy(dstd_hbm.at[wid], idx_v)

    def body(j, _):
        pltpu.sync_copy(ones_v, acc_sh.at[idx_v.at[j]], add=True)
        return 0

    lax.fori_loop(0, EPW // CHUNK, body, 0)
    plsc.subcore_barrier()
    pltpu.sync_copy(acc_sh.at[pl.ds(s * RPT, RPT)],
                    out_hbm.at[pl.ds(c * NPAD + s * RPT, RPT)])


_deg_pass = functools.partial(
    pl.kernel,
    out_type=jax.ShapeDtypeStruct((NC * NPAD, 128), jnp.float32),
    mesh=_mesh,
    scratch_types=[
        pltpu.VMEM((EPW // CHUNK, CHUNK), jnp.int32),
        pltpu.VMEM((CHUNK, 128), jnp.float32),
        pltpu.VMEM((CHUNK, 128), jnp.float32),
        pltpu.VMEM_SHARED((NPAD, 128), jnp.float32),
        pltpu.SemaphoreType.DMA,
    ],
)(_deg_body)


def _mp_body(y_hbm, src_hbm, dst_hbm, out_hbm, src_v, dst_v, rows_v, acc_sh, sem):
    c = lax.axis_index("c")
    s = lax.axis_index("s")
    wid = c * NS + s
    _fill2d(rows_v, CHUNK, 128, 0.0)
    for k in range(RPT // CHUNK):
        pltpu.sync_copy(rows_v, acc_sh.at[pl.ds(s * RPT + k * CHUNK, CHUNK)])
    plsc.subcore_barrier()

    def seg_body(g, _):
        pltpu.sync_copy(src_hbm.at[wid, g], src_v)
        pltpu.sync_copy(dst_hbm.at[s, g], dst_v)

        def body(j, _):
            pltpu.async_copy(y_hbm.at[src_v.at[j]], rows_v, sem).wait()
            pltpu.sync_copy(rows_v, acc_sh.at[dst_v.at[j]], add=True)
            return 0

        lax.fori_loop(0, SEGC, body, 0)
        return 0

    lax.fori_loop(0, NSEG, seg_body, 0)
    plsc.subcore_barrier()
    pltpu.sync_copy(acc_sh.at[pl.ds(s * RPT, RPT)],
                    out_hbm.at[pl.ds(c * NPAD + s * RPT, RPT)])


_mp_pass = functools.partial(
    pl.kernel,
    out_type=jax.ShapeDtypeStruct((NC * NPAD, 128), jnp.float32),
    mesh=_mesh,
    scratch_types=[
        pltpu.VMEM((SEGC, CHUNK), jnp.int32),
        pltpu.VMEM((SEGC, CHUNK), jnp.int32),
        pltpu.VMEM((CHUNK, 128), jnp.float32),
        pltpu.VMEM_SHARED((NPAD, 128), jnp.float32),
        pltpu.SemaphoreType.DMA,
    ],
)(_mp_body)


def _dinv_of(degp_ref):
    deg = 1.0 + jnp.sum(degp_ref[:, :, 0:1], axis=0)
    return lax.rsqrt(jnp.maximum(deg, 1.0))


def _embed_body(x_ref, we_ref, be_ref, wg_ref, degp_ref, out_ref):
    dinv = _dinv_of(degp_ref)
    h = jnp.dot(x_ref[...], we_ref[...], preferred_element_type=jnp.float32,
                precision=lax.Precision.HIGHEST)
    h = h + be_ref[...]
    y = jnp.dot(h, wg_ref[...], preferred_element_type=jnp.float32,
                precision=lax.Precision.HIGHEST) * dinv
    out_ref[0] = y[:, :128]
    out_ref[1] = y[:, 128:]


def _mid_body(es_ref, y_ref, degp_ref, b_ref, w_ref, out_ref):
    dinv = _dinv_of(degp_ref)
    z = jnp.concatenate([es_ref[0] + y_ref[0], es_ref[1] + y_ref[1]], axis=1)
    h = jnp.maximum(z * dinv + b_ref[...], 0.0)
    y = jnp.dot(h, w_ref[...], preferred_element_type=jnp.float32,
                precision=lax.Precision.HIGHEST) * dinv
    out_ref[0] = y[:, :128]
    out_ref[1] = y[:, 128:]


def _tail_body(es_ref, y_ref, degp_ref, b_ref, batch_ref, wt1_ref, bt1_ref,
               wt2_ref, bt2_ref, out_ref, sum_ref, cnt_ref):
    i = pl.program_id(0)

    @pl.when(i == 0)
    def _():
        sum_ref[...] = jnp.zeros_like(sum_ref)
        cnt_ref[...] = jnp.zeros_like(cnt_ref)

    dinv = _dinv_of(degp_ref)
    z = jnp.concatenate([es_ref[0] + y_ref[0], es_ref[1] + y_ref[1]], axis=1)
    h = z * dinv + b_ref[...]
    gids = lax.broadcasted_iota(jnp.int32, (NUM_GRAPHS, RBLK), 0)
    onehot = (gids == batch_ref[0]).astype(jnp.float32)
    sum_ref[...] += jnp.dot(onehot, h, preferred_element_type=jnp.float32,
                precision=lax.Precision.HIGHEST)
    cnt_ref[...] += jnp.sum(onehot, axis=1, keepdims=True)

    @pl.when(i == NBLK - 1)
    def _():
        pooled = sum_ref[...] / jnp.maximum(cnt_ref[...], 1.0)
        t = jnp.dot(pooled, wt1_ref[...], preferred_element_type=jnp.float32,
                precision=lax.Precision.HIGHEST)
        t = jnp.maximum(t + bt1_ref[...], 0.0)
        o = jnp.dot(t, wt2_ref[...], preferred_element_type=jnp.float32,
                precision=lax.Precision.HIGHEST)
        out_ref[...] = o + bt2_ref[...]


def kernel(x, edge_index, batch, W_embed, b_embed, W_g0, b_g0, W_g1, b_g1,
           W_g2, b_g2, W_t1, b_t1, W_t2, b_t2):
    f32 = jnp.float32
    x_pad = jnp.pad(x, ((0, NPAD - N), (0, 0)))
    src = edge_index[0]
    dst = edge_index[1]
    pad = jnp.full((EPAD - E,), N, jnp.int32)
    srcp = jnp.concatenate([src, pad])
    dstp = jnp.concatenate([dst, pad])
    src2 = jnp.concatenate([srcp, srcp + NPAD]).reshape(NC * NS, NSEG, SEGC, CHUNK)
    dst3 = dstp.reshape(NS, NSEG, SEGC, CHUNK)
    dstd = dstp.reshape(NC * NS, EPW // CHUNK, CHUNK)
    batch3 = jnp.concatenate(
        [batch, jnp.full((NPAD - N,), NUM_GRAPHS, jnp.int32)]).reshape(NBLK, 1, RBLK)

    be = b_embed.reshape(1, -1)
    bg0 = b_g0.reshape(1, -1)
    bg1 = b_g1.reshape(1, -1)
    bg2 = b_g2.reshape(1, -1)
    bt1 = b_t1.reshape(1, -1)
    bt2 = b_t2.reshape(1, 1)

    degp = _deg_pass(dstd).reshape(NC, NPAD, 128)

    full = lambda shp: pl.BlockSpec(shp, lambda i: tuple(0 for _ in shp))
    rows2 = pl.BlockSpec((2, RBLK, 128), lambda i: (0, i, 0))
    degs = pl.BlockSpec((2, RBLK, 128), lambda i: (0, i, 0))

    y0 = pl.pallas_call(
        _embed_body,
        grid=(NBLK,),
        in_specs=[pl.BlockSpec((RBLK, 128), lambda i: (i, 0)),
                  full((128, 256)), full((1, 256)), full((256, 256)), degs],
        out_specs=rows2,
        out_shape=jax.ShapeDtypeStruct((2, NPAD, 128), f32),
    )(x_pad, W_embed, be, W_g0, degp)

    def mid(es, y, b, w):
        return pl.pallas_call(
            _mid_body,
            grid=(NBLK,),
            in_specs=[rows2, rows2, degs, full((1, 256)), full((256, 256))],
            out_specs=rows2,
            out_shape=jax.ShapeDtypeStruct((2, NPAD, 128), f32),
        )(es, y, degp, b, w)

    es0 = _mp_pass(y0.reshape(NC * NPAD, 128), src2, dst3).reshape(NC, NPAD, 128)
    y1 = mid(es0, y0, bg0, W_g1)
    es1 = _mp_pass(y1.reshape(NC * NPAD, 128), src2, dst3).reshape(NC, NPAD, 128)
    y2 = mid(es1, y1, bg1, W_g2)
    es2 = _mp_pass(y2.reshape(NC * NPAD, 128), src2, dst3).reshape(NC, NPAD, 128)

    out = pl.pallas_call(
        _tail_body,
        grid=(NBLK,),
        in_specs=[rows2, rows2, degs, full((1, 256)),
                  pl.BlockSpec((1, 1, RBLK), lambda i: (i, 0, 0)),
                  full((256, 128)), full((1, 128)), full((128, 1)), full((1, 1))],
        out_specs=pl.BlockSpec((NUM_GRAPHS, 1), lambda i: (0, 0)),
        out_shape=jax.ShapeDtypeStruct((NUM_GRAPHS, 1), f32),
        scratch_shapes=[pltpu.VMEM((NUM_GRAPHS, 256), f32),
                        pltpu.VMEM((NUM_GRAPHS, 1), f32)],
        compiler_params=pltpu.CompilerParams(
            dimension_semantics=("arbitrary",)),
    )(es2, y2, degp, bg2, batch3, W_t1, bt1, W_t2, bt2)
    return out

# --- scband reference (transcript-rebuilt; emitter-appended) ---
"""Pipeline reference for scband-py-ggcn-42322607735315 (READ-ONLY COPY).

The authoritative reference and input builder live on the scoring server;
editing this copy changes nothing except your own understanding.
"""

import jax, jax.numpy as jnp
import numpy as np

N = 10000
E = 320000
NUM_GRAPHS = 256
D_ATOM = 128
D_IN = 256
D_HID = 256
D_FP = 256
D_DNN = 128
D_OUT = 1


def _glorot(k, shape):
    lim = float(np.sqrt(6.0 / (shape[0] + shape[1])))
    return jax.random.uniform(k, shape, jnp.float32, -lim, lim)


def setup_inputs(seed: int = 0) -> dict:
    key = jax.random.key(seed)
    ks = jax.random.split(key, 16)
    x = jax.random.normal(ks[0], (N, D_ATOM), dtype=jnp.float32)
    edge_index = jax.random.randint(ks[1], (2, E), 0, N, dtype=jnp.int32)
    batch = jnp.sort(jax.random.randint(ks[2], (N,), 0, NUM_GRAPHS, dtype=jnp.int32))
    return {
        'x': x,
        'edge_index': edge_index,
        'batch': batch,
        'W_embed': _glorot(ks[3], (D_ATOM, D_IN)),
        'b_embed': jnp.zeros((D_IN,), jnp.float32),
        'W_g0': _glorot(ks[4], (D_IN, D_HID)),
        'b_g0': jnp.zeros((D_HID,), jnp.float32),
        'W_g1': _glorot(ks[5], (D_HID, D_HID)),
        'b_g1': jnp.zeros((D_HID,), jnp.float32),
        'W_g2': _glorot(ks[6], (D_HID, D_FP)),
        'b_g2': jnp.zeros((D_FP,), jnp.float32),
        'W_t1': _glorot(ks[7], (D_FP, D_DNN)),
        'b_t1': jnp.zeros((D_DNN,), jnp.float32),
        'W_t2': _glorot(ks[8], (D_DNN, D_OUT)),
        'b_t2': jnp.zeros((D_OUT,), jnp.float32),
    }


def _gcn_conv(x, src, dst, W, b, n):
    # GCNConv: x' = D^{-1/2} (A + I) D^{-1/2} (x W) + b
    x = x @ W
    loop = jnp.arange(n, dtype=src.dtype)
    src2 = jnp.concatenate([src, loop])
    dst2 = jnp.concatenate([dst, loop])
    deg = jnp.zeros((n,), jnp.float32).at[dst2].add(1.0)
    dinv = jax.lax.rsqrt(jnp.maximum(deg, 1.0))
    norm = dinv[src2] * dinv[dst2]
    msg = x[src2] * norm[:, None]
    out = jax.ops.segment_sum(msg, dst2, num_segments=n)
    return out + b


def reference(x, edge_index, batch, W_embed, b_embed, W_g0, b_g0, W_g1, b_g1, W_g2, b_g2, W_t1, b_t1, W_t2, b_t2):
    src = edge_index[0]
    dst = edge_index[1]
    n = x.shape[0]
    # NodeFeatEmbed: MLP([AtomFeatureSize, GCNInputSize]) -> single linear (plain last)
    h = x @ W_embed + b_embed
    # GCN stack: conv -> relu for all but last layer; last layer conv only (dropout=0)
    h = jax.nn.relu(_gcn_conv(h, src, dst, W_g0, b_g0, n))
    h = jax.nn.relu(_gcn_conv(h, src, dst, W_g1, b_g1, n))
    h = _gcn_conv(h, src, dst, W_g2, b_g2, n)
    # global_mean_pool over batch vector
    summed = jax.ops.segment_sum(h, batch, num_segments=NUM_GRAPHS)
    counts = jax.ops.segment_sum(jnp.ones((n,), jnp.float32), batch, num_segments=NUM_GRAPHS)
    pooled = summed / jnp.maximum(counts, 1.0)[:, None]
    # TaskLayer: MLP([FPSize, 128, 1]) -> linear-relu-linear (dropout=0, plain last)
    out = jax.nn.relu(pooled @ W_t1 + b_t1) @ W_t2 + b_t2
    return out

if __name__ == "__main__":
    import jax
    _d = setup_inputs()
    print(jax.jit(kernel)(*tuple(_d.values())))

</pallas_src>

<mosaic_0001>
#map = affine_map<(d0, d1) -> (0, 0, 0)>
#map1 = affine_map<(d0, d1) -> (0, 0)>
module attributes {stable_mosaic.version = 14 : i64} {
  func.func @_deg_body(%arg0: i32, %arg1: i32, %arg2: memref<32x80x128xi32, #tpu.memory_space<hbm>>, %arg3: memref<20480x128xf32, #tpu.memory_space<hbm>>, %arg4: memref<80x128xi32, #tpu.memory_space<vmem>>, %arg5: memref<128x128xf32, #tpu.memory_space<vmem>>, %arg6: memref<128x128xf32, #tpu.memory_space<vmem>>, %arg7: memref<10240x128xf32, #tpu.memory_space<vmem_shared>>, %arg8: memref<!tpu.dma_semaphore, #tpu.memory_space<semaphore_mem>>) attributes {dimension_semantics = [#tpu.dimension_semantics<core_parallel>, #tpu.dimension_semantics<subcore_parallel>], iteration_bounds = array<i64: 2, 16>, scalar_prefetch = 0 : i64, scratch_operands = 5 : i64, tpu.core_type = #tpu.core_type<sc_vector_subcore>, window_params = [{transform_indices = #map}, {transform_indices = #map1}]} {
    %mul3A = arith.constant 16 : i32
    %mul3A_0 = arith.muli %arg0, %mul3A : i32
    %add3A = arith.addi %mul3A_0, %arg1 : i32
    %broadcast_in_dim3A = arith.constant 1.000000e+00 : f32
    %broadcast_in_dim3A_1 = vector.broadcast %broadcast_in_dim3A : f32 to vector<16xf32>
    %scan3A = arith.constant 0 : i32
    %scan3A_2 = arith.constant 0 : i32
    %scan3A_3 = arith.constant 128 : i32
    %scan3A_4 = arith.addi %scan3A_2, %scan3A_3 : i32
    %scan3A_5 = arith.constant 1 : i32
    %scan3A_6 = scf.for %scan3A_52 = %scan3A_2 to %scan3A_4 step %scan3A_5 iter_args(%scan3A_53 = %scan3A) -> (i32)  : i32 {
      %swap3A = arith.index_cast %scan3A_52 : i32 to index
      %swap3A_54 = arith.constant 0 : index
      %swap3A_55 = tpu.vector_load %arg5[%swap3A, %swap3A_54] {strides = array<i32>} : memref<128x128xf32, #tpu.memory_space<vmem>>, vector<1x16xf32>,
      %swap3A_56 = vector.shape_cast %swap3A_55 : vector<1x16xf32> to vector<16xf32>
      %swap3A_57 = vector.shape_cast %broadcast_in_dim3A_1 : vector<16xf32> to vector<1x16xf32>
      tpu.vector_store %arg5[%swap3A, %swap3A_54], %swap3A_57 {strides = array<i32>} : memref<128x128xf32, #tpu.memory_space<vmem>>, vector<1x16xf32>,
      %swap3A_58 = arith.index_cast %scan3A_52 : i32 to index
      %swap3A_59 = arith.constant 16 : index
      %swap3A_60 = tpu.vector_load %arg5[%swap3A_58, %swap3A_59] {strides = array<i32>} : memref<128x128xf32, #tpu.memory_space<vmem>>, vector<1x16xf32>,
      %swap3A_61 = vector.shape_cast %swap3A_60 : vector<1x16xf32> to vector<16xf32>
      %swap3A_62 = vector.shape_cast %broadcast_in_dim3A_1 : vector<16xf32> to vector<1x16xf32>
      tpu.vector_store %arg5[%swap3A_58, %swap3A_59], %swap3A_62 {strides = array<i32>} : memref<128x128xf32, #tpu.memory_space<vmem>>, vector<1x16xf32>,
      %swap3A_63 = arith.index_cast %scan3A_52 : i32 to index
      %swap3A_64 = arith.constant 32 : index
      %swap3A_65 = tpu.vector_load %arg5[%swap3A_63, %swap3A_64] {strides = array<i32>} : memref<128x128xf32, #tpu.memory_space<vmem>>, vector<1x16xf32>,
      %swap3A_66 = vector.shape_cast %swap3A_65 : vector<1x16xf32> to vector<16xf32>
      %swap3A_67 = vector.shape_cast %broadcast_in_dim3A_1 : vector<16xf32> to vector<1x16xf32>
      tpu.vector_store %arg5[%swap3A_63, %swap3A_64], %swap3A_67 {strides = array<i32>} : memref<128x128xf32, #tpu.memory_space<vmem>>, vector<1x16xf32>,
      %swap3A_68 = arith.index_cast %scan3A_52 : i32 to index
      %swap3A_69 = arith.constant 48 : index
      %swap3A_70 = tpu.vector_load %arg5[%swap3A_68, %swap3A_69] {strides = array<i32>} : memref<128x128xf32, #tpu.memory_space<vmem>>, vector<1x16xf32>,
      %swap3A_71 = vector.shape_cast %swap3A_70 : vector<1x16xf32> to vector<16xf32>
      %swap3A_72 = vector.shape_cast %broadcast_in_dim3A_1 : vector<16xf32> to vector<1x16xf32>
      tpu.vector_store %arg5[%swap3A_68, %swap3A_69], %swap3A_72 {strides = array<i32>} : memref<128x128xf32, #tpu.memory_space<vmem>>, vector<1x16xf32>,
      %swap3A_73 = arith.index_cast %scan3A_52 : i32 to index
      %swap3A_74 = arith.constant 64 : index
      %swap3A_75 = tpu.vector_load %arg5[%swap3A_73, %swap3A_74] {strides = array<i32>} : memref<128x128xf32, #tpu.memory_space<vmem>>, vector<1x16xf32>,
      %swap3A_76 = vector.shape_cast %swap3A_75 : vector<1x16xf32> to vector<16xf32>
      %swap3A_77 = vector.shape_cast %broadcast_in_dim3A_1 : vector<16xf32> to vector<1x16xf32>
      tpu.vector_store %arg5[%swap3A_73, %swap3A_74], %swap3A_77 {strides = array<i32>} : memref<128x128xf32, #tpu.memory_space<vmem>>, vector<1x16xf32>,
      %swap3A_78 = arith.index_cast %scan3A_52 : i32 to index
      %swap3A_79 = arith.constant 80 : index
      %swap3A_80 = tpu.vector_load %arg5[%swap3A_78, %swap3A_79] {strides = array<i32>} : memref<128x128xf32, #tpu.memory_space<vmem>>, vector<1x16xf32>,
      %swap3A_81 = vector.shape_cast %swap3A_80 : vector<1x16xf32> to vector<16xf32>
      %swap3A_82 = vector.shape_cast %broadcast_in_dim3A_1 : vector<16xf32> to vector<1x16xf32>
      tpu.vector_store %arg5[%swap3A_78, %swap3A_79], %swap3A_82 {strides = array<i32>} : memref<128x128xf32, #tpu.memory_space<vmem>>, vector<1x16xf32>,
      %swap3A_83 = arith.index_cast %scan3A_52 : i32 to index
      %swap3A_84 = arith.constant 96 : index
      %swap3A_85 = tpu.vector_load %arg5[%swap3A_83, %swap3A_84] {strides = array<i32>} : memref<128x128xf32, #tpu.memory_space<vmem>>, vector<1x16xf32>,
      %swap3A_86 = vector.shape_cast %swap3A_85 : vector<1x16xf32> to vector<16xf32>
      %swap3A_87 = vector.shape_cast %broadcast_in_dim3A_1 : vector<16xf32> to vector<1x16xf32>
      tpu.vector_store %arg5[%swap3A_83, %swap3A_84], %swap3A_87 {strides = array<i32>} : memref<128x128xf32, #tpu.memory_space<vmem>>, vector<1x16xf32>,
      %swap3A_88 = arith.index_cast %scan3A_52 : i32 to index
      %swap3A_89 = arith.constant 112 : index
      %swap3A_90 = tpu.vector_load %arg5[%swap3A_88, %swap3A_89] {strides = array<i32>} : memref<128x128xf32, #tpu.memory_space<vmem>>, vector<1x16xf32>,
      %swap3A_91 = vector.shape_cast %swap3A_90 : vector<1x16xf32> to vector<16xf32>
      %swap3A_92 = vector.shape_cast %broadcast_in_dim3A_1 : vector<16xf32> to vector<1x16xf32>
      tpu.vector_store %arg5[%swap3A_88, %swap3A_89], %swap3A_92 {strides = array<i32>} : memref<128x128xf32, #tpu.memory_space<vmem>>, vector<1x16xf32>,
      %scan3A_93 = arith.constant 0 : i32
      scf.yield %scan3A_93 : i32
    }
    %scan3A_7 = arith.constant 128 : i32
    %broadcast_in_dim3A_8 = arith.constant 0.000000e+00 : f32
    %broadcast_in_dim3A_9 = vector.broadcast %broadcast_in_dim3A_8 : f32 to vector<16xf32>
    %scan3A_10 = arith.constant 0 : i32
    %scan3A_11 = arith.constant 0 : i32
    %scan3A_12 = arith.constant 128 : i32
    %scan3A_13 = arith.addi %scan3A_11, %scan3A_12 : i32
    %scan3A_14 = arith.constant 1 : i32
    %scan3A_15 = scf.for %scan3A_52 = %scan3A_11 to %scan3A_13 step %scan3A_14 iter_args(%scan3A_53 = %scan3A_10) -> (i32)  : i32 {
      %swap3A = arith.index_cast %scan3A_52 : i32 to index
      %swap3A_54 = arith.constant 0 : index
      %swap3A_55 = tpu.vector_load %arg6[%swap3A, %swap3A_54] {strides = array<i32>} : memref<128x128xf32, #tpu.memory_space<vmem>>, vector<1x16xf32>,
      %swap3A_56 = vector.shape_cast %swap3A_55 : vector<1x16xf32> to vector<16xf32>
      %swap3A_57 = vector.shape_cast %broadcast_in_dim3A_9 : vector<16xf32> to vector<1x16xf32>
      tpu.vector_store %arg6[%swap3A, %swap3A_54], %swap3A_57 {strides = array<i32>} : memref<128x128xf32, #tpu.memory_space<vmem>>, vector<1x16xf32>,
      %swap3A_58 = arith.index_cast %scan3A_52 : i32 to index
      %swap3A_59 = arith.constant 16 : index
      %swap3A_60 = tpu.vector_load %arg6[%swap3A_58, %swap3A_59] {strides = array<i32>} : memref<128x128xf32, #tpu.memory_space<vmem>>, vector<1x16xf32>,
      %swap3A_61 = vector.shape_cast %swap3A_60 : vector<1x16xf32> to vector<16xf32>
      %swap3A_62 = vector.shape_cast %broadcast_in_dim3A_9 : vector<16xf32> to vector<1x16xf32>
      tpu.vector_store %arg6[%swap3A_58, %swap3A_59], %swap3A_62 {strides = array<i32>} : memref<128x128xf32, #tpu.memory_space<vmem>>, vector<1x16xf32>,
      %swap3A_63 = arith.index_cast %scan3A_52 : i32 to index
      %swap3A_64 = arith.constant 32 : index
      %swap3A_65 = tpu.vector_load %arg6[%swap3A_63, %swap3A_64] {strides = array<i32>} : memref<128x128xf32, #tpu.memory_space<vmem>>, vector<1x16xf32>,
      %swap3A_66 = vector.shape_cast %swap3A_65 : vector<1x16xf32> to vector<16xf32>
      %swap3A_67 = vector.shape_cast %broadcast_in_dim3A_9 : vector<16xf32> to vector<1x16xf32>
      tpu.vector_store %arg6[%swap3A_63, %swap3A_64], %swap3A_67 {strides = array<i32>} : memref<128x128xf32, #tpu.memory_space<vmem>>, vector<1x16xf32>,
      %swap3A_68 = arith.index_cast %scan3A_52 : i32 to index
      %swap3A_69 = arith.constant 48 : index
      %swap3A_70 = tpu.vector_load %arg6[%swap3A_68, %swap3A_69] {strides = array<i32>} : memref<128x128xf32, #tpu.memory_space<vmem>>, vector<1x16xf32>,
      %swap3A_71 = vector.shape_cast %swap3A_70 : vector<1x16xf32> to vector<16xf32>
      %swap3A_72 = vector.shape_cast %broadcast_in_dim3A_9 : vector<16xf32> to vector<1x16xf32>
      tpu.vector_store %arg6[%swap3A_68, %swap3A_69], %swap3A_72 {strides = array<i32>} : memref<128x128xf32, #tpu.memory_space<vmem>>, vector<1x16xf32>,
      %swap3A_73 = arith.index_cast %scan3A_52 : i32 to index
      %swap3A_74 = arith.constant 64 : index
      %swap3A_75 = tpu.vector_load %arg6[%swap3A_73, %swap3A_74] {strides = array<i32>} : memref<128x128xf32, #tpu.memory_space<vmem>>, vector<1x16xf32>,
      %swap3A_76 = vector.shape_cast %swap3A_75 : vector<1x16xf32> to vector<16xf32>
      %swap3A_77 = vector.shape_cast %broadcast_in_dim3A_9 : vector<16xf32> to vector<1x16xf32>
      tpu.vector_store %arg6[%swap3A_73, %swap3A_74], %swap3A_77 {strides = array<i32>} : memref<128x128xf32, #tpu.memory_space<vmem>>, vector<1x16xf32>,
      %swap3A_78 = arith.index_cast %scan3A_52 : i32 to index
      %swap3A_79 = arith.constant 80 : index
      %swap3A_80 = tpu.vector_load %arg6[%swap3A_78, %swap3A_79] {strides = array<i32>} : memref<128x128xf32, #tpu.memory_space<vmem>>, vector<1x16xf32>,
      %swap3A_81 = vector.shape_cast %swap3A_80 : vector<1x16xf32> to vector<16xf32>
      %swap3A_82 = vector.shape_cast %broadcast_in_dim3A_9 : vector<16xf32> to vector<1x16xf32>
      tpu.vector_store %arg6[%swap3A_78, %swap3A_79], %swap3A_82 {strides = array<i32>} : memref<128x128xf32, #tpu.memory_space<vmem>>, vector<1x16xf32>,
      %swap3A_83 = arith.index_cast %scan3A_52 : i32 to index
      %swap3A_84 = arith.constant 96 : index
      %swap3A_85 = tpu.vector_load %arg6[%swap3A_83, %swap3A_84] {strides = array<i32>} : memref<128x128xf32, #tpu.memory_space<vmem>>, vector<1x16xf32>,
      %swap3A_86 = vector.shape_cast %swap3A_85 : vector<1x16xf32> to vector<16xf32>
      %swap3A_87 = vector.shape_cast %broadcast_in_dim3A_9 : vector<16xf32> to vector<1x16xf32>
      tpu.vector_store %arg6[%swap3A_83, %swap3A_84], %swap3A_87 {strides = array<i32>} : memref<128x128xf32, #tpu.memory_space<vmem>>, vector<1x16xf32>,
      %swap3A_88 = arith.index_cast %scan3A_52 : i32 to index
      %swap3A_89 = arith.constant 112 : index
      %swap3A_90 = tpu.vector_load %arg6[%swap3A_88, %swap3A_89] {strides = array<i32>} : memref<128x128xf32, #tpu.memory_space<vmem>>, vector<1x16xf32>,
      %swap3A_91 = vector.shape_cast %swap3A_90 : vector<1x16xf32> to vector<16xf32>
      %swap3A_92 = vector.shape_cast %broadcast_in_dim3A_9 : vector<16xf32> to vector<1x16xf32>
      tpu.vector_store %arg6[%swap3A_88, %swap3A_89], %swap3A_92 {strides = array<i32>} : memref<128x128xf32, #tpu.memory_space<vmem>>, vector<1x16xf32>,
      %scan3A_93 = arith.constant 0 : i32
      scf.yield %scan3A_93 : i32
    }
    %scan3A_16 = arith.constant 128 : i32
    %mul3A_17 = arith.constant 640 : i32
    %mul3A_18 = arith.muli %arg1, %mul3A_17 : i32
    %add3A_19 = arith.constant 0 : i32
    %add3A_20 = arith.addi %mul3A_18, %add3A_19 : i32
    "tpu.region"() ({
      %run_scoped3A = tpu.sem_alloc : memref<!tpu.dma_semaphore, #tpu.memory_space<semaphore_mem>>
      %dma_start3A = arith.constant 0 : i32
      %dma_start3A_52 = tpu.memref_slice %arg7[%add3A_20, %dma_start3A] : memref<10240x128xf32, #tpu.memory_space<vmem_shared>> -> memref<128x128xf32, #tpu.memory_space<vmem_shared>>
      %dma_start3A_53 = arith.constant 0 : i32
      %dma_start3A_54 = tpu.memref_slice %arg7[%add3A_20, %dma_start3A_53] : memref<10240x128xf32, #tpu.memory_space<vmem_shared>> -> memref<128x128xf32, #tpu.memory_space<vmem_shared>>
      tpu.enqueue_dma source(%arg6 : memref<128x128xf32, #tpu.memory_space<vmem>>) target(%dma_start3A_54 : memref<128x128xf32, #tpu.memory_space<vmem_shared>>) target_semaphore(%run_scoped3A : memref<!tpu.dma_semaphore, #tpu.memory_space<semaphore_mem>>)
      %dma_wait3A = arith.constant 0 : i32
      %dma_wait3A_55 = tpu.memref_slice %arg7[%add3A_20, %dma_wait3A] : memref<10240x128xf32, #tpu.memory_space<vmem_shared>> -> memref<128x128xf32, #tpu.memory_space<vmem_shared>>
      %dma_wait3A_56 = arith.constant 0 : i32
      %dma_wait3A_57 = tpu.memref_slice %arg7[%add3A_20, %dma_wait3A_56] : memref<10240x128xf32, #tpu.memory_space<vmem_shared>> -> memref<128x128xf32, #tpu.memory_space<vmem_shared>>
      tpu.wait_dma2 semaphore(%run_scoped3A : memref<!tpu.dma_semaphore, #tpu.memory_space<semaphore_mem>>) src(%arg6 : memref<128x128xf32, #tpu.memory_space<vmem>>) dst(%dma_wait3A_57 : memref<128x128xf32, #tpu.memory_space<vmem_shared>>)
      tpu.yield
    }) : () -> ()
    %mul3A_21 = arith.constant 640 : i32
    %mul3A_22 = arith.muli %arg1, %mul3A_21 : i32
    %add3A_23 = arith.constant 128 : i32
    %add3A_24 = arith.addi %mul3A_22, %add3A_23 : i32
    "tpu.region"() ({
      %run_scoped3A = tpu.sem_alloc : memref<!tpu.dma_semaphore, #tpu.memory_space<semaphore_mem>>
      %dma_start3A = arith.constant 0 : i32
      %dma_start3A_52 = tpu.memref_slice %arg7[%add3A_24, %dma_start3A] : memref<10240x128xf32, #tpu.memory_space<vmem_shared>> -> memref<128x128xf32, #tpu.memory_space<vmem_shared>>
      %dma_start3A_53 = arith.constant 0 : i32
      %dma_start3A_54 = tpu.memref_slice %arg7[%add3A_24, %dma_start3A_53] : memref<10240x128xf32, #tpu.memory_space<vmem_shared>> -> memref<128x128xf32, #tpu.memory_space<vmem_shared>>
      tpu.enqueue_dma source(%arg6 : memref<128x128xf32, #tpu.memory_space<vmem>>) target(%dma_start3A_54 : memref<128x128xf32, #tpu.memory_space<vmem_shared>>) target_semaphore(%run_scoped3A : memref<!tpu.dma_semaphore, #tpu.memory_space<semaphore_mem>>)
      %dma_wait3A = arith.constant 0 : i32
      %dma_wait3A_55 = tpu.memref_slice %arg7[%add3A_24, %dma_wait3A] : memref<10240x128xf32, #tpu.memory_space<vmem_shared>> -> memref<128x128xf32, #tpu.memory_space<vmem_shared>>
      %dma_wait3A_56 = arith.constant 0 : i32
      %dma_wait3A_57 = tpu.memref_slice %arg7[%add3A_24, %dma_wait3A_56] : memref<10240x128xf32, #tpu.memory_space<vmem_shared>> -> memref<128x128xf32, #tpu.memory_space<vmem_shared>>
      tpu.wait_dma2 semaphore(%run_scoped3A : memref<!tpu.dma_semaphore, #tpu.memory_space<semaphore_mem>>) src(%arg6 : memref<128x128xf32, #tpu.memory_space<vmem>>) dst(%dma_wait3A_57 : memref<128x128xf32, #tpu.memory_space<vmem_shared>>)
      tpu.yield
    }) : () -> ()
    %mul3A_25 = arith.constant 640 : i32
    %mul3A_26 = arith.muli %arg1, %mul3A_25 : i32
    %add3A_27 = arith.constant 256 : i32
    %add3A_28 = arith.addi %mul3A_26, %add3A_27 : i32
    "tpu.region"() ({
      %run_scoped3A = tpu.sem_alloc : memref<!tpu.dma_semaphore, #tpu.memory_space<semaphore_mem>>
      %dma_start3A = arith.constant 0 : i32
      %dma_start3A_52 = tpu.memref_slice %arg7[%add3A_28, %dma_start3A] : memref<10240x128xf32, #tpu.memory_space<vmem_shared>> -> memref<128x128xf32, #tpu.memory_space<vmem_shared>>
      %dma_start3A_53 = arith.constant 0 : i32
      %dma_start3A_54 = tpu.memref_slice %arg7[%add3A_28, %dma_start3A_53] : memref<10240x128xf32, #tpu.memory_space<vmem_shared>> -> memref<128x128xf32, #tpu.memory_space<vmem_shared>>
      tpu.enqueue_dma source(%arg6 : memref<128x128xf32, #tpu.memory_space<vmem>>) target(%dma_start3A_54 : memref<128x128xf32, #tpu.memory_space<vmem_shared>>) target_semaphore(%run_scoped3A : memref<!tpu.dma_semaphore, #tpu.memory_space<semaphore_mem>>)
      %dma_wait3A = arith.constant 0 : i32
      %dma_wait3A_55 = tpu.memref_slice %arg7[%add3A_28, %dma_wait3A] : memref<10240x128xf32, #tpu.memory_space<vmem_shared>> -> memref<128x128xf32, #tpu.memory_space<vmem_shared>>
      %dma_wait3A_56 = arith.constant 0 : i32
      %dma_wait3A_57 = tpu.memref_slice %arg7[%add3A_28, %dma_wait3A_56] : memref<10240x128xf32, #tpu.memory_space<vmem_shared>> -> memref<128x128xf32, #tpu.memory_space<vmem_shared>>
      tpu.wait_dma2 semaphore(%run_scoped3A : memref<!tpu.dma_semaphore, #tpu.memory_space<semaphore_mem>>) src(%arg6 : memref<128x128xf32, #tpu.memory_space<vmem>>) dst(%dma_wait3A_57 : memref<128x128xf32, #tpu.memory_space<vmem_shared>>)
      tpu.yield
    }) : () -> ()
    %mul3A_29 = arith.constant 640 : i32
    %mul3A_30 = arith.muli %arg1, %mul3A_29 : i32
    %add3A_31 = arith.constant 384 : i32
    %add3A_32 = arith.addi %mul3A_30, %add3A_31 : i32
    "tpu.region"() ({
      %run_scoped3A = tpu.sem_alloc : memref<!tpu.dma_semaphore, #tpu.memory_space<semaphore_mem>>
      %dma_start3A = arith.constant 0 : i32
      %dma_start3A_52 = tpu.memref_slice %arg7[%add3A_32, %dma_start3A] : memref<10240x128xf32, #tpu.memory_space<vmem_shared>> -> memref<128x128xf32, #tpu.memory_space<vmem_shared>>
      %dma_start3A_53 = arith.constant 0 : i32
      %dma_start3A_54 = tpu.memref_slice %arg7[%add3A_32, %dma_start3A_53] : memref<10240x128xf32, #tpu.memory_space<vmem_shared>> -> memref<128x128xf32, #tpu.memory_space<vmem_shared>>
      tpu.enqueue_dma source(%arg6 : memref<128x128xf32, #tpu.memory_space<vmem>>) target(%dma_start3A_54 : memref<128x128xf32, #tpu.memory_space<vmem_shared>>) target_semaphore(%run_scoped3A : memref<!tpu.dma_semaphore, #tpu.memory_space<semaphore_mem>>)
      %dma_wait3A = arith.constant 0 : i32
      %dma_wait3A_55 = tpu.memref_slice %arg7[%add3A_32, %dma_wait3A] : memref<10240x128xf32, #tpu.memory_space<vmem_shared>> -> memref<128x128xf32, #tpu.memory_space<vmem_shared>>
      %dma_wait3A_56 = arith.constant 0 : i32
      %dma_wait3A_57 = tpu.memref_slice %arg7[%add3A_32, %dma_wait3A_56] : memref<10240x128xf32, #tpu.memory_space<vmem_shared>> -> memref<128x128xf32, #tpu.memory_space<vmem_shared>>
      tpu.wait_dma2 semaphore(%run_scoped3A : memref<!tpu.dma_semaphore, #tpu.memory_space<semaphore_mem>>) src(%arg6 : memref<128x128xf32, #tpu.memory_space<vmem>>) dst(%dma_wait3A_57 : memref<128x128xf32, #tpu.memory_space<vmem_shared>>)
      tpu.yield
    }) : () -> ()
    %mul3A_33 = arith.constant 640 : i32
    %mul3A_34 = arith.muli %arg1, %mul3A_33 : i32
    %add3A_35 = arith.constant 512 : i32
    %add3A_36 = arith.addi %mul3A_34, %add3A_35 : i32
    "tpu.region"() ({
      %run_scoped3A = tpu.sem_alloc : memref<!tpu.dma_semaphore, #tpu.memory_space<semaphore_mem>>
      %dma_start3A = arith.constant 0 : i32
      %dma_start3A_52 = tpu.memref_slice %arg7[%add3A_36, %dma_start3A] : memref<10240x128xf32, #tpu.memory_space<vmem_shared>> -> memref<128x128xf32, #tpu.memory_space<vmem_shared>>
      %dma_start3A_53 = arith.constant 0 : i32
      %dma_start3A_54 = tpu.memref_slice %arg7[%add3A_36, %dma_start3A_53] : memref<10240x128xf32, #tpu.memory_space<vmem_shared>> -> memref<128x128xf32, #tpu.memory_space<vmem_shared>>
      tpu.enqueue_dma source(%arg6 : memref<128x128xf32, #tpu.memory_space<vmem>>) target(%dma_start3A_54 : memref<128x128xf32, #tpu.memory_space<vmem_shared>>) target_semaphore(%run_scoped3A : memref<!tpu.dma_semaphore, #tpu.memory_space<semaphore_mem>>)
      %dma_wait3A = arith.constant 0 : i32
      %dma_wait3A_55 = tpu.memref_slice %arg7[%add3A_36, %dma_wait3A] : memref<10240x128xf32, #tpu.memory_space<vmem_shared>> -> memref<128x128xf32, #tpu.memory_space<vmem_shared>>
      %dma_wait3A_56 = arith.constant 0 : i32
      %dma_wait3A_57 = tpu.memref_slice %arg7[%add3A_36, %dma_wait3A_56] : memref<10240x128xf32, #tpu.memory_space<vmem_shared>> -> memref<128x128xf32, #tpu.memory_space<vmem_shared>>
      tpu.wait_dma2 semaphore(%run_scoped3A : memref<!tpu.dma_semaphore, #tpu.memory_space<semaphore_mem>>) src(%arg6 : memref<128x128xf32, #tpu.memory_space<vmem>>) dst(%dma_wait3A_57 : memref<128x128xf32, #tpu.memory_space<vmem_shared>>)
      tpu.yield
    }) : () -> ()
    %barrier3A = arith.constant 0 : index
    tpu.barrier barrier_id(%barrier3A)
    "tpu.region"() ({
      %run_scoped3A = tpu.sem_alloc : memref<!tpu.dma_semaphore, #tpu.memory_space<semaphore_mem>>
      %dma_start3A = arith.constant 0 : i32
      %dma_start3A_52 = arith.constant 0 : i32
      %dma_start3A_53 = tpu.memref_slice %arg2[%add3A, %dma_start3A, %dma_start3A_52] : memref<32x80x128xi32, #tpu.memory_space<hbm>> -> memref<1x80x128xi32, #tpu.memory_space<hbm>>
      %dma_start3A_54 = tpu.memref_squeeze %dma_start3A_53 : memref<1x80x128xi32, #tpu.memory_space<hbm>> -> memref<80x128xi32, #tpu.memory_space<hbm>>
      %dma_start3A_55 = arith.constant 0 : i32
      %dma_start3A_56 = arith.constant 0 : i32
      %dma_start3A_57 = tpu.memref_slice %arg2[%add3A, %dma_start3A_55, %dma_start3A_56] : memref<32x80x128xi32, #tpu.memory_space<hbm>> -> memref<1x80x128xi32, #tpu.memory_space<hbm>>
      %dma_start3A_58 = tpu.memref_squeeze %dma_start3A_57 : memref<1x80x128xi32, #tpu.memory_space<hbm>> -> memref<80x128xi32, #tpu.memory_space<hbm>>
      tpu.enqueue_dma source(%dma_start3A_58 : memref<80x128xi32, #tpu.memory_space<hbm>>) target(%arg4 : memref<80x128xi32, #tpu.memory_space<vmem>>) target_semaphore(%run_scoped3A : memref<!tpu.dma_semaphore, #tpu.memory_space<semaphore_mem>>)
      %dma_wait3A = arith.constant 0 : i32
      %dma_wait3A_59 = arith.constant 0 : i32
      %dma_wait3A_60 = tpu.memref_slice %arg2[%add3A, %dma_wait3A, %dma_wait3A_59] : memref<32x80x128xi32, #tpu.memory_space<hbm>> -> memref<1x80x128xi32, #tpu.memory_space<hbm>>
      %dma_wait3A_61 = tpu.memref_squeeze %dma_wait3A_60 : memref<1x80x128xi32, #tpu.memory_space<hbm>> -> memref<80x128xi32, #tpu.memory_space<hbm>>
      %dma_wait3A_62 = arith.constant 0 : i32
      %dma_wait3A_63 = arith.constant 0 : i32
      %dma_wait3A_64 = tpu.memref_slice %arg2[%add3A, %dma_wait3A_62, %dma_wait3A_63] : memref<32x80x128xi32, #tpu.memory_space<hbm>> -> memref<1x80x128xi32, #tpu.memory_space<hbm>>
      %dma_wait3A_65 = tpu.memref_squeeze %dma_wait3A_64 : memref<1x80x128xi32, #tpu.memory_space<hbm>> -> memref<80x128xi32, #tpu.memory_space<hbm>>
      tpu.wait_dma2 semaphore(%run_scoped3A : memref<!tpu.dma_semaphore, #tpu.memory_space<semaphore_mem>>) src(%dma_wait3A_65 : memref<80x128xi32, #tpu.memory_space<hbm>>) dst(%arg4 : memref<80x128xi32, #tpu.memory_space<vmem>>)
      tpu.yield
    }) : () -> ()
    %scan3A_37 = arith.constant 0 : i32
    %scan3A_38 = arith.constant 0 : i32
    %scan3A_39 = arith.constant 80 : i32
    %scan3A_40 = arith.addi %scan3A_38, %scan3A_39 : i32
    %scan3A_41 = arith.constant 1 : i32
    %scan3A_42 = scf.for %scan3A_52 = %scan3A_38 to %scan3A_40 step %scan3A_41 iter_args(%scan3A_53 = %scan3A_37) -> (i32)  : i32 {
      "tpu.region"() ({
        %run_scoped3A = tpu.sem_alloc : memref<!tpu.dma_semaphore, #tpu.memory_space<semaphore_mem>>
        %dma_start3A = arith.constant 0 : i32
        %dma_start3A_55 = tpu.memref_slice %arg4[%scan3A_52, %dma_start3A] : memref<80x128xi32, #tpu.memory_space<vmem>> -> memref<1x128xi32, #tpu.memory_space<vmem>>
        %dma_start3A_56 = tpu.memref_squeeze %dma_start3A_55 : memref<1x128xi32, #tpu.memory_space<vmem>> -> memref<128xi32, #tpu.memory_space<vmem>>
        %dma_start3A_57 = arith.constant 0 : i32
        %dma_start3A_58 = arith.constant 0 : i32
        %dma_start3A_59 = tpu.memref_slice %arg7[%dma_start3A_57, %dma_start3A_58] : memref<10240x128xf32, #tpu.memory_space<vmem_shared>> -> memref<10240x128xf32, #tpu.memory_space<vmem_shared>>
        tpu.enqueue_indirect_dma source(%arg5 : memref<128x128xf32, #tpu.memory_space<vmem>>) target(%dma_start3A_59 : memref<10240x128xf32, #tpu.memory_space<vmem_shared>>) offsets(%dma_start3A_56 : memref<128xi32, #tpu.memory_space<vmem>>) semaphore(%run_scoped3A : memref<!tpu.dma_semaphore, #tpu.memory_space<semaphore_mem>>) {add = true}
        %dma_wait3A = arith.constant 0 : i32
        %dma_wait3A_60 = tpu.memref_slice %arg4[%scan3A_52, %dma_wait3A] : memref<80x128xi32, #tpu.memory_space<vmem>> -> memref<1x128xi32, #tpu.memory_space<vmem>>
        %dma_wait3A_61 = tpu.memref_squeeze %dma_wait3A_60 : memref<1x128xi32, #tpu.memory_space<vmem>> -> memref<128xi32, #tpu.memory_space<vmem>>
        %dma_wait3A_62 = arith.constant 0 : i32
        %dma_wait3A_63 = arith.constant 0 : i32
        %dma_wait3A_64 = tpu.memref_slice %arg7[%dma_wait3A_62, %dma_wait3A_63] : memref<10240x128xf32, #tpu.memory_space<vmem_shared>> -> memref<10240x128xf32, #tpu.memory_space<vmem_shared>>
        tpu.wait_indirect_dma semaphore(%run_scoped3A : memref<!tpu.dma_semaphore, #tpu.memory_space<semaphore_mem>>) src(%arg5 : memref<128x128xf32, #tpu.memory_space<vmem>>) dst(%dma_wait3A_64 : memref<10240x128xf32, #tpu.memory_space<vmem_shared>>)
        tpu.yield
      }) : () -> ()
      %scan3A_54 = arith.constant 0 : i32
      scf.yield %scan3A_54 : i32
    }
    %scan3A_43 = arith.constant 80 : i32
    %barrier3A_44 = arith.constant 0 : index
    tpu.barrier barrier_id(%barrier3A_44)
    %mul3A_45 = arith.constant 640 : i32
    %mul3A_46 = arith.muli %arg1, %mul3A_45 : i32
    %mul3A_47 = arith.constant 10240 : i32
    %mul3A_48 = arith.muli %arg0, %mul3A_47 : i32
    %mul3A_49 = arith.constant 640 : i32
    %mul3A_50 = arith.muli %arg1, %mul3A_49 : i32
    %add3A_51 = arith.addi %mul3A_48, %mul3A_50 : i32
    "tpu.region"() ({
      %run_scoped3A = tpu.sem_alloc : memref<!tpu.dma_semaphore, #tpu.memory_space<semaphore_mem>>
      %dma_start3A = arith.constant 0 : i32
      %dma_start3A_52 = tpu.memref_slice %arg3[%add3A_51, %dma_start3A] : memref<20480x128xf32, #tpu.memory_space<hbm>> -> memref<640x128xf32, #tpu.memory_space<hbm>>
      %dma_start3A_53 = arith.constant 0 : i32
      %dma_start3A_54 = tpu.memref_slice %arg7[%mul3A_46, %dma_start3A_53] : memref<10240x128xf32, #tpu.memory_space<vmem_shared>> -> memref<640x128xf32, #tpu.memory_space<vmem_shared>>
      tpu.enqueue_dma source(%dma_start3A_54 : memref<640x128xf32, #tpu.memory_space<vmem_shared>>) target(%dma_start3A_52 : memref<640x128xf32, #tpu.memory_space<hbm>>) target_semaphore(%run_scoped3A : memref<!tpu.dma_semaphore, #tpu.memory_space<semaphore_mem>>)
      %dma_wait3A = arith.constant 0 : i32
      %dma_wait3A_55 = tpu.memref_slice %arg3[%add3A_51, %dma_wait3A] : memref<20480x128xf32, #tpu.memory_space<hbm>> -> memref<640x128xf32, #tpu.memory_space<hbm>>
      %dma_wait3A_56 = arith.constant 0 : i32
      %dma_wait3A_57 = tpu.memref_slice %arg7[%mul3A_46, %dma_wait3A_56] : memref<10240x128xf32, #tpu.memory_space<vmem_shared>> -> memref<640x128xf32, #tpu.memory_space<vmem_shared>>
      tpu.wait_dma2 semaphore(%run_scoped3A : memref<!tpu.dma_semaphore, #tpu.memory_space<semaphore_mem>>) src(%dma_wait3A_57 : memref<640x128xf32, #tpu.memory_space<vmem_shared>>) dst(%dma_wait3A_55 : memref<640x128xf32, #tpu.memory_space<hbm>>)
      tpu.yield
    }) : () -> ()
    return
  }
}

#map = affine_map<(d0, d1) -> (0, 0)>
#map1 = affine_map<(d0, d1) -> (0, 0, 0, 0)>
module attributes {stable_mosaic.version = 14 : i64} {
  func.func @_mp_body(%arg0: i32, %arg1: i32, %arg2: memref<20480x128xf32, #tpu.memory_space<hbm>>, %arg3: memref<32x4x40x128xi32, #tpu.memory_space<hbm>>, %arg4: memref<16x4x40x128xi32, #tpu.memory_space<hbm>>, %arg5: memref<20480x128xf32, #tpu.memory_space<hbm>>, %arg6: memref<40x128xi32, #tpu.memory_space<vmem>>, %arg7: memref<40x128xi32, #tpu.memory_space<vmem>>, %arg8: memref<128x128xf32, #tpu.memory_space<vmem>>, %arg9: memref<10240x128xf32, #tpu.memory_space<vmem_shared>>, %arg10: memref<!tpu.dma_semaphore, #tpu.memory_space<semaphore_mem>>) attributes {dimension_semantics = [#tpu.dimension_semantics<core_parallel>, #tpu.dimension_semantics<subcore_parallel>], iteration_bounds = array<i64: 2, 16>, scalar_prefetch = 0 : i64, scratch_operands = 5 : i64, tpu.core_type = #tpu.core_type<sc_vector_subcore>, window_params = [{transform_indices = #map}, {transform_indices = #map1}, {transform_indices = #map1}, {transform_indices = #map}]} {
    %mul3A = arith.constant 16 : i32
    %mul3A_0 = arith.muli %arg0, %mul3A : i32
    %add3A = arith.addi %mul3A_0, %arg1 : i32
    %broadcast_in_dim3A = arith.constant 0.000000e+00 : f32
    %broadcast_in_dim3A_1 = vector.broadcast %broadcast_in_dim3A : f32 to vector<16xf32>
    %scan3A = arith.constant 0 : i32
    %scan3A_2 = arith.constant 0 : i32
    %scan3A_3 = arith.constant 128 : i32
    %scan3A_4 = arith.addi %scan3A_2, %scan3A_3 : i32
    %scan3A_5 = arith.constant 1 : i32
    %scan3A_6 = scf.for %scan3A_43 = %scan3A_2 to %scan3A_4 step %scan3A_5 iter_args(%scan3A_44 = %scan3A) -> (i32)  : i32 {
      %swap3A = arith.index_cast %scan3A_43 : i32 to index
      %swap3A_45 = arith.constant 0 : index
      %swap3A_46 = tpu.vector_load %arg8[%swap3A, %swap3A_45] {strides = array<i32>} : memref<128x128xf32, #tpu.memory_space<vmem>>, vector<1x16xf32>,
      %swap3A_47 = vector.shape_cast %swap3A_46 : vector<1x16xf32> to vector<16xf32>
      %swap3A_48 = vector.shape_cast %broadcast_in_dim3A_1 : vector<16xf32> to vector<1x16xf32>
      tpu.vector_store %arg8[%swap3A, %swap3A_45], %swap3A_48 {strides = array<i32>} : memref<128x128xf32, #tpu.memory_space<vmem>>, vector<1x16xf32>,
      %swap3A_49 = arith.index_cast %scan3A_43 : i32 to index
      %swap3A_50 = arith.constant 16 : index
      %swap3A_51 = tpu.vector_load %arg8[%swap3A_49, %swap3A_50] {strides = array<i32>} : memref<128x128xf32, #tpu.memory_space<vmem>>, vector<1x16xf32>,
      %swap3A_52 = vector.shape_cast %swap3A_51 : vector<1x16xf32> to vector<16xf32>
      %swap3A_53 = vector.shape_cast %broadcast_in_dim3A_1 : vector<16xf32> to vector<1x16xf32>
      tpu.vector_store %arg8[%swap3A_49, %swap3A_50], %swap3A_53 {strides = array<i32>} : memref<128x128xf32, #tpu.memory_space<vmem>>, vector<1x16xf32>,
      %swap3A_54 = arith.index_cast %scan3A_43 : i32 to index
      %swap3A_55 = arith.constant 32 : index
      %swap3A_56 = tpu.vector_load %arg8[%swap3A_54, %swap3A_55] {strides = array<i32>} : memref<128x128xf32, #tpu.memory_space<vmem>>, vector<1x16xf32>,
      %swap3A_57 = vector.shape_cast %swap3A_56 : vector<1x16xf32> to vector<16xf32>
      %swap3A_58 = vector.shape_cast %broadcast_in_dim3A_1 : vector<16xf32> to vector<1x16xf32>
      tpu.vector_store %arg8[%swap3A_54, %swap3A_55], %swap3A_58 {strides = array<i32>} : memref<128x128xf32, #tpu.memory_space<vmem>>, vector<1x16xf32>,
      %swap3A_59 = arith.index_cast %scan3A_43 : i32 to index
      %swap3A_60 = arith.constant 48 : index
      %swap3A_61 = tpu.vector_load %arg8[%swap3A_59, %swap3A_60] {strides = array<i32>} : memref<128x128xf32, #tpu.memory_space<vmem>>, vector<1x16xf32>,
      %swap3A_62 = vector.shape_cast %swap3A_61 : vector<1x16xf32> to vector<16xf32>
      %swap3A_63 = vector.shape_cast %broadcast_in_dim3A_1 : vector<16xf32> to vector<1x16xf32>
      tpu.vector_store %arg8[%swap3A_59, %swap3A_60], %swap3A_63 {strides = array<i32>} : memref<128x128xf32, #tpu.memory_space<vmem>>, vector<1x16xf32>,
      %swap3A_64 = arith.index_cast %scan3A_43 : i32 to index
      %swap3A_65 = arith.constant 64 : index
      %swap3A_66 = tpu.vector_load %arg8[%swap3A_64, %swap3A_65] {strides = array<i32>} : memref<128x128xf32, #tpu.memory_space<vmem>>, vector<1x16xf32>,
      %swap3A_67 = vector.shape_cast %swap3A_66 : vector<1x16xf32> to vector<16xf32>
      %swap3A_68 = vector.shape_cast %broadcast_in_dim3A_1 : vector<16xf32> to vector<1x16xf32>
      tpu.vector_store %arg8[%swap3A_64, %swap3A_65], %swap3A_68 {strides = array<i32>} : memref<128x128xf32, #tpu.memory_space<vmem>>, vector<1x16xf32>,
      %swap3A_69 = arith.index_cast %scan3A_43 : i32 to index
      %swap3A_70 = arith.constant 80 : index
      %swap3A_71 = tpu.vector_load %arg8[%swap3A_69, %swap3A_70] {strides = array<i32>} : memref<128x128xf32, #tpu.memory_space<vmem>>, vector<1x16xf32>,
      %swap3A_72 = vector.shape_cast %swap3A_71 : vector<1x16xf32> to vector<16xf32>
      %swap3A_73 = vector.shape_cast %broadcast_in_dim3A_1 : vector<16xf32> to vector<1x16xf32>
      tpu.vector_store %arg8[%swap3A_69, %swap3A_70], %swap3A_73 {strides = array<i32>} : memref<128x128xf32, #tpu.memory_space<vmem>>, vector<1x16xf32>,
      %swap3A_74 = arith.index_cast %scan3A_43 : i32 to index
      %swap3A_75 = arith.constant 96 : index
      %swap3A_76 = tpu.vector_load %arg8[%swap3A_74, %swap3A_75] {strides = array<i32>} : memref<128x128xf32, #tpu.memory_space<vmem>>, vector<1x16xf32>,
      %swap3A_77 = vector.shape_cast %swap3A_76 : vector<1x16xf32> to vector<16xf32>
      %swap3A_78 = vector.shape_cast %broadcast_in_dim3A_1 : vector<16xf32> to vector<1x16xf32>
      tpu.vector_store %arg8[%swap3A_74, %swap3A_75], %swap3A_78 {strides = array<i32>} : memref<128x128xf32, #tpu.memory_space<vmem>>, vector<1x16xf32>,
      %swap3A_79 = arith.index_cast %scan3A_43 : i32 to index
      %swap3A_80 = arith.constant 112 : index
      %swap3A_81 = tpu.vector_load %arg8[%swap3A_79, %swap3A_80] {strides = array<i32>} : memref<128x128xf32, #tpu.memory_space<vmem>>, vector<1x16xf32>,
      %swap3A_82 = vector.shape_cast %swap3A_81 : vector<1x16xf32> to vector<16xf32>
      %swap3A_83 = vector.shape_cast %broadcast_in_dim3A_1 : vector<16xf32> to vector<1x16xf32>
      tpu.vector_store %arg8[%swap3A_79, %swap3A_80], %swap3A_83 {strides = array<i32>} : memref<128x128xf32, #tpu.memory_space<vmem>>, vector<1x16xf32>,
      %scan3A_84 = arith.constant 0 : i32
      scf.yield %scan3A_84 : i32
    }
    %scan3A_7 = arith.constant 128 : i32
    %mul3A_8 = arith.constant 640 : i32
    %mul3A_9 = arith.muli %arg1, %mul3A_8 : i32
    %add3A_10 = arith.constant 0 : i32
    %add3A_11 = arith.addi %mul3A_9, %add3A_10 : i32
    "tpu.region"() ({
      %run_scoped3A = tpu.sem_alloc : memref<!tpu.dma_semaphore, #tpu.memory_space<semaphore_mem>>
      %dma_start3A = arith.constant 0 : i32
      %dma_start3A_43 = tpu.memref_slice %arg9[%add3A_11, %dma_start3A] : memref<10240x128xf32, #tpu.memory_space<vmem_shared>> -> memref<128x128xf32, #tpu.memory_space<vmem_shared>>
      %dma_start3A_44 = arith.constant 0 : i32
      %dma_start3A_45 = tpu.memref_slice %arg9[%add3A_11, %dma_start3A_44] : memref<10240x128xf32, #tpu.memory_space<vmem_shared>> -> memref<128x128xf32, #tpu.memory_space<vmem_shared>>
      tpu.enqueue_dma source(%arg8 : memref<128x128xf32, #tpu.memory_space<vmem>>) target(%dma_start3A_45 : memref<128x128xf32, #tpu.memory_space<vmem_shared>>) target_semaphore(%run_scoped3A : memref<!tpu.dma_semaphore, #tpu.memory_space<semaphore_mem>>)
      %dma_wait3A = arith.constant 0 : i32
      %dma_wait3A_46 = tpu.memref_slice %arg9[%add3A_11, %dma_wait3A] : memref<10240x128xf32, #tpu.memory_space<vmem_shared>> -> memref<128x128xf32, #tpu.memory_space<vmem_shared>>
      %dma_wait3A_47 = arith.constant 0 : i32
      %dma_wait3A_48 = tpu.memref_slice %arg9[%add3A_11, %dma_wait3A_47] : memref<10240x128xf32, #tpu.memory_space<vmem_shared>> -> memref<128x128xf32, #tpu.memory_space<vmem_shared>>
      tpu.wait_dma2 semaphore(%run_scoped3A : memref<!tpu.dma_semaphore, #tpu.memory_space<semaphore_mem>>) src(%arg8 : memref<128x128xf32, #tpu.memory_space<vmem>>) dst(%dma_wait3A_48 : memref<128x128xf32, #tpu.memory_space<vmem_shared>>)
      tpu.yield
    }) : () -> ()
    %mul3A_12 = arith.constant 640 : i32
    %mul3A_13 = arith.muli %arg1, %mul3A_12 : i32
    %add3A_14 = arith.constant 128 : i32
    %add3A_15 = arith.addi %mul3A_13, %add3A_14 : i32
    "tpu.region"() ({
      %run_scoped3A = tpu.sem_alloc : memref<!tpu.dma_semaphore, #tpu.memory_space<semaphore_mem>>
      %dma_start3A = arith.constant 0 : i32
      %dma_start3A_43 = tpu.memref_slice %arg9[%add3A_15, %dma_start3A] : memref<10240x128xf32, #tpu.memory_space<vmem_shared>> -> memref<128x128xf32, #tpu.memory_space<vmem_shared>>
      %dma_start3A_44 = arith.constant 0 : i32
      %dma_start3A_45 = tpu.memref_slice %arg9[%add3A_15, %dma_start3A_44] : memref<10240x128xf32, #tpu.memory_space<vmem_shared>> -> memref<128x128xf32, #tpu.memory_space<vmem_shared>>
      tpu.enqueue_dma source(%arg8 : memref<128x128xf32, #tpu.memory_space<vmem>>) target(%dma_start3A_45 : memref<128x128xf32, #tpu.memory_space<vmem_shared>>) target_semaphore(%run_scoped3A : memref<!tpu.dma_semaphore, #tpu.memory_space<semaphore_mem>>)
      %dma_wait3A = arith.constant 0 : i32
      %dma_wait3A_46 = tpu.memref_slice %arg9[%add3A_15, %dma_wait3A] : memref<10240x128xf32, #tpu.memory_space<vmem_shared>> -> memref<128x128xf32, #tpu.memory_space<vmem_shared>>
      %dma_wait3A_47 = arith.constant 0 : i32
      %dma_wait3A_48 = tpu.memref_slice %arg9[%add3A_15, %dma_wait3A_47] : memref<10240x128xf32, #tpu.memory_space<vmem_shared>> -> memref<128x128xf32, #tpu.memory_space<vmem_shared>>
      tpu.wait_dma2 semaphore(%run_scoped3A : memref<!tpu.dma_semaphore, #tpu.memory_space<semaphore_mem>>) src(%arg8 : memref<128x128xf32, #tpu.memory_space<vmem>>) dst(%dma_wait3A_48 : memref<128x128xf32, #tpu.memory_space<vmem_shared>>)
      tpu.yield
    }) : () -> ()
    %mul3A_16 = arith.constant 640 : i32
    %mul3A_17 = arith.muli %arg1, %mul3A_16 : i32
    %add3A_18 = arith.constant 256 : i32
    %add3A_19 = arith.addi %mul3A_17, %add3A_18 : i32
    "tpu.region"() ({
      %run_scoped3A = tpu.sem_alloc : memref<!tpu.dma_semaphore, #tpu.memory_space<semaphore_mem>>
      %dma_start3A = arith.constant 0 : i32
      %dma_start3A_43 = tpu.memref_slice %arg9[%add3A_19, %dma_start3A] : memref<10240x128xf32, #tpu.memory_space<vmem_shared>> -> memref<128x128xf32, #tpu.memory_space<vmem_shared>>
      %dma_start3A_44 = arith.constant 0 : i32
      %dma_start3A_45 = tpu.memref_slice %arg9[%add3A_19, %dma_start3A_44] : memref<10240x128xf32, #tpu.memory_space<vmem_shared>> -> memref<128x128xf32, #tpu.memory_space<vmem_shared>>
      tpu.enqueue_dma source(%arg8 : memref<128x128xf32, #tpu.memory_space<vmem>>) target(%dma_start3A_45 : memref<128x128xf32, #tpu.memory_space<vmem_shared>>) target_semaphore(%run_scoped3A : memref<!tpu.dma_semaphore, #tpu.memory_space<semaphore_mem>>)
      %dma_wait3A = arith.constant 0 : i32
      %dma_wait3A_46 = tpu.memref_slice %arg9[%add3A_19, %dma_wait3A] : memref<10240x128xf32, #tpu.memory_space<vmem_shared>> -> memref<128x128xf32, #tpu.memory_space<vmem_shared>>
      %dma_wait3A_47 = arith.constant 0 : i32
      %dma_wait3A_48 = tpu.memref_slice %arg9[%add3A_19, %dma_wait3A_47] : memref<10240x128xf32, #tpu.memory_space<vmem_shared>> -> memref<128x128xf32, #tpu.memory_space<vmem_shared>>
      tpu.wait_dma2 semaphore(%run_scoped3A : memref<!tpu.dma_semaphore, #tpu.memory_space<semaphore_mem>>) src(%arg8 : memref<128x128xf32, #tpu.memory_space<vmem>>) dst(%dma_wait3A_48 : memref<128x128xf32, #tpu.memory_space<vmem_shared>>)
      tpu.yield
    }) : () -> ()
    %mul3A_20 = arith.constant 640 : i32
    %mul3A_21 = arith.muli %arg1, %mul3A_20 : i32
    %add3A_22 = arith.constant 384 : i32
    %add3A_23 = arith.addi %mul3A_21, %add3A_22 : i32
    "tpu.region"() ({
      %run_scoped3A = tpu.sem_alloc : memref<!tpu.dma_semaphore, #tpu.memory_space<semaphore_mem>>
      %dma_start3A = arith.constant 0 : i32
      %dma_start3A_43 = tpu.memref_slice %arg9[%add3A_23, %dma_start3A] : memref<10240x128xf32, #tpu.memory_space<vmem_shared>> -> memref<128x128xf32, #tpu.memory_space<vmem_shared>>
      %dma_start3A_44 = arith.constant 0 : i32
      %dma_start3A_45 = tpu.memref_slice %arg9[%add3A_23, %dma_start3A_44] : memref<10240x128xf32, #tpu.memory_space<vmem_shared>> -> memref<128x128xf32, #tpu.memory_space<vmem_shared>>
      tpu.enqueue_dma source(%arg8 : memref<128x128xf32, #tpu.memory_space<vmem>>) target(%dma_start3A_45 : memref<128x128xf32, #tpu.memory_space<vmem_shared>>) target_semaphore(%run_scoped3A : memref<!tpu.dma_semaphore, #tpu.memory_space<semaphore_mem>>)
      %dma_wait3A = arith.constant 0 : i32
      %dma_wait3A_46 = tpu.memref_slice %arg9[%add3A_23, %dma_wait3A] : memref<10240x128xf32, #tpu.memory_space<vmem_shared>> -> memref<128x128xf32, #tpu.memory_space<vmem_shared>>
      %dma_wait3A_47 = arith.constant 0 : i32
      %dma_wait3A_48 = tpu.memref_slice %arg9[%add3A_23, %dma_wait3A_47] : memref<10240x128xf32, #tpu.memory_space<vmem_shared>> -> memref<128x128xf32, #tpu.memory_space<vmem_shared>>
      tpu.wait_dma2 semaphore(%run_scoped3A : memref<!tpu.dma_semaphore, #tpu.memory_space<semaphore_mem>>) src(%arg8 : memref<128x128xf32, #tpu.memory_space<vmem>>) dst(%dma_wait3A_48 : memref<128x128xf32, #tpu.memory_space<vmem_shared>>)
      tpu.yield
    }) : () -> ()
    %mul3A_24 = arith.constant 640 : i32
    %mul3A_25 = arith.muli %arg1, %mul3A_24 : i32
    %add3A_26 = arith.constant 512 : i32
    %add3A_27 = arith.addi %mul3A_25, %add3A_26 : i32
    "tpu.region"() ({
      %run_scoped3A = tpu.sem_alloc : memref<!tpu.dma_semaphore, #tpu.memory_space<semaphore_mem>>
      %dma_start3A = arith.constant 0 : i32
      %dma_start3A_43 = tpu.memref_slice %arg9[%add3A_27, %dma_start3A] : memref<10240x128xf32, #tpu.memory_space<vmem_shared>> -> memref<128x128xf32, #tpu.memory_space<vmem_shared>>
      %dma_start3A_44 = arith.constant 0 : i32
      %dma_start3A_45 = tpu.memref_slice %arg9[%add3A_27, %dma_start3A_44] : memref<10240x128xf32, #tpu.memory_space<vmem_shared>> -> memref<128x128xf32, #tpu.memory_space<vmem_shared>>
      tpu.enqueue_dma source(%arg8 : memref<128x128xf32, #tpu.memory_space<vmem>>) target(%dma_start3A_45 : memref<128x128xf32, #tpu.memory_space<vmem_shared>>) target_semaphore(%run_scoped3A : memref<!tpu.dma_semaphore, #tpu.memory_space<semaphore_mem>>)
      %dma_wait3A = arith.constant 0 : i32
      %dma_wait3A_46 = tpu.memref_slice %arg9[%add3A_27, %dma_wait3A] : memref<10240x128xf32, #tpu.memory_space<vmem_shared>> -> memref<128x128xf32, #tpu.memory_space<vmem_shared>>
      %dma_wait3A_47 = arith.constant 0 : i32
      %dma_wait3A_48 = tpu.memref_slice %arg9[%add3A_27, %dma_wait3A_47] : memref<10240x128xf32, #tpu.memory_space<vmem_shared>> -> memref<128x128xf32, #tpu.memory_space<vmem_shared>>
      tpu.wait_dma2 semaphore(%run_scoped3A : memref<!tpu.dma_semaphore, #tpu.memory_space<semaphore_mem>>) src(%arg8 : memref<128x128xf32, #tpu.memory_space<vmem>>) dst(%dma_wait3A_48 : memref<128x128xf32, #tpu.memory_space<vmem_shared>>)
      tpu.yield
    }) : () -> ()
    %barrier3A = arith.constant 0 : index
    tpu.barrier barrier_id(%barrier3A)
    %scan3A_28 = arith.constant 0 : i32
    %scan3A_29 = arith.constant 0 : i32
    %scan3A_30 = arith.constant 4 : i32
    %scan3A_31 = arith.addi %scan3A_29, %scan3A_30 : i32
    %scan3A_32 = arith.constant 1 : i32
    %scan3A_33 = scf.for %scan3A_43 = %scan3A_29 to %scan3A_31 step %scan3A_32 iter_args(%scan3A_44 = %scan3A_28) -> (i32)  : i32 {
      "tpu.region"() ({
        %run_scoped3A = tpu.sem_alloc : memref<!tpu.dma_semaphore, #tpu.memory_space<semaphore_mem>>
        %dma_start3A = arith.constant 0 : i32
        %dma_start3A_53 = arith.constant 0 : i32
        %dma_start3A_54 = tpu.memref_slice %arg3[%add3A, %scan3A_43, %dma_start3A, %dma_start3A_53] : memref<32x4x40x128xi32, #tpu.memory_space<hbm>> -> memref<1x1x40x128xi32, #tpu.memory_space<hbm>>
        %dma_start3A_55 = tpu.memref_squeeze %dma_start3A_54 : memref<1x1x40x128xi32, #tpu.memory_space<hbm>> -> memref<40x128xi32, #tpu.memory_space<hbm>>
        %dma_start3A_56 = arith.constant 0 : i32
        %dma_start3A_57 = arith.constant 0 : i32
        %dma_start3A_58 = tpu.memref_slice %arg3[%add3A, %scan3A_43, %dma_start3A_56, %dma_start3A_57] : memref<32x4x40x128xi32, #tpu.memory_space<hbm>> -> memref<1x1x40x128xi32, #tpu.memory_space<hbm>>
        %dma_start3A_59 = tpu.memref_squeeze %dma_start3A_58 : memref<1x1x40x128xi32, #tpu.memory_space<hbm>> -> memref<40x128xi32, #tpu.memory_space<hbm>>
        tpu.enqueue_dma source(%dma_start3A_59 : memref<40x128xi32, #tpu.memory_space<hbm>>) target(%arg6 : memref<40x128xi32, #tpu.memory_space<vmem>>) target_semaphore(%run_scoped3A : memref<!tpu.dma_semaphore, #tpu.memory_space<semaphore_mem>>)
        %dma_wait3A = arith.constant 0 : i32
        %dma_wait3A_60 = arith.constant 0 : i32
        %dma_wait3A_61 = tpu.memref_slice %arg3[%add3A, %scan3A_43, %dma_wait3A, %dma_wait3A_60] : memref<32x4x40x128xi32, #tpu.memory_space<hbm>> -> memref<1x1x40x128xi32, #tpu.memory_space<hbm>>
        %dma_wait3A_62 = tpu.memref_squeeze %dma_wait3A_61 : memref<1x1x40x128xi32, #tpu.memory_space<hbm>> -> memref<40x128xi32, #tpu.memory_space<hbm>>
        %dma_wait3A_63 = arith.constant 0 : i32
        %dma_wait3A_64 = arith.constant 0 : i32
        %dma_wait3A_65 = tpu.memref_slice %arg3[%add3A, %scan3A_43, %dma_wait3A_63, %dma_wait3A_64] : memref<32x4x40x128xi32, #tpu.memory_space<hbm>> -> memref<1x1x40x128xi32, #tpu.memory_space<hbm>>
        %dma_wait3A_66 = tpu.memref_squeeze %dma_wait3A_65 : memref<1x1x40x128xi32, #tpu.memory_space<hbm>> -> memref<40x128xi32, #tpu.memory_space<hbm>>
        tpu.wait_dma2 semaphore(%run_scoped3A : memref<!tpu.dma_semaphore, #tpu.memory_space<semaphore_mem>>) src(%dma_wait3A_66 : memref<40x128xi32, #tpu.memory_space<hbm>>) dst(%arg6 : memref<40x128xi32, #tpu.memory_space<vmem>>)
        tpu.yield
      }) : () -> ()
      "tpu.region"() ({
        %run_scoped3A = tpu.sem_alloc : memref<!tpu.dma_semaphore, #tpu.memory_space<semaphore_mem>>
        %dma_start3A = arith.constant 0 : i32
        %dma_start3A_53 = arith.constant 0 : i32
        %dma_start3A_54 = tpu.memref_slice %arg4[%arg1, %scan3A_43, %dma_start3A, %dma_start3A_53] : memref<16x4x40x128xi32, #tpu.memory_space<hbm>> -> memref<1x1x40x128xi32, #tpu.memory_space<hbm>>
        %dma_start3A_55 = tpu.memref_squeeze %dma_start3A_54 : memref<1x1x40x128xi32, #tpu.memory_space<hbm>> -> memref<40x128xi32, #tpu.memory_space<hbm>>
        %dma_start3A_56 = arith.constant 0 : i32
        %dma_start3A_57 = arith.constant 0 : i32
        %dma_start3A_58 = tpu.memref_slice %arg4[%arg1, %scan3A_43, %dma_start3A_56, %dma_start3A_57] : memref<16x4x40x128xi32, #tpu.memory_space<hbm>> -> memref<1x1x40x128xi32, #tpu.memory_space<hbm>>
        %dma_start3A_59 = tpu.memref_squeeze %dma_start3A_58 : memref<1x1x40x128xi32, #tpu.memory_space<hbm>> -> memref<40x128xi32, #tpu.memory_space<hbm>>
        tpu.enqueue_dma source(%dma_start3A_59 : memref<40x128xi32, #tpu.memory_space<hbm>>) target(%arg7 : memref<40x128xi32, #tpu.memory_space<vmem>>) target_semaphore(%run_scoped3A : memref<!tpu.dma_semaphore, #tpu.memory_space<semaphore_mem>>)
        %dma_wait3A = arith.constant 0 : i32
        %dma_wait3A_60 = arith.constant 0 : i32
        %dma_wait3A_61 = tpu.memref_slice %arg4[%arg1, %scan3A_43, %dma_wait3A, %dma_wait3A_60] : memref<16x4x40x128xi32, #tpu.memory_space<hbm>> -> memref<1x1x40x128xi32, #tpu.memory_space<hbm>>
        %dma_wait3A_62 = tpu.memref_squeeze %dma_wait3A_61 : memref<1x1x40x128xi32, #tpu.memory_space<hbm>> -> memref<40x128xi32, #tpu.memory_space<hbm>>
        %dma_wait3A_63 = arith.constant 0 : i32
        %dma_wait3A_64 = arith.constant 0 : i32
        %dma_wait3A_65 = tpu.memref_slice %arg4[%arg1, %scan3A_43, %dma_wait3A_63, %dma_wait3A_64] : memref<16x4x40x128xi32, #tpu.memory_space<hbm>> -> memref<1x1x40x128xi32, #tpu.memory_space<hbm>>
        %dma_wait3A_66 = tpu.memref_squeeze %dma_wait3A_65 : memref<1x1x40x128xi32, #tpu.memory_space<hbm>> -> memref<40x128xi32, #tpu.memory_space<hbm>>
        tpu.wait_dma2 semaphore(%run_scoped3A : memref<!tpu.dma_semaphore, #tpu.memory_space<semaphore_mem>>) src(%dma_wait3A_66 : memref<40x128xi32, #tpu.memory_space<hbm>>) dst(%arg7 : memref<40x128xi32, #tpu.memory_space<vmem>>)
        tpu.yield
      }) : () -> ()
      %scan3A_45 = arith.constant 0 : i32
      %scan3A_46 = arith.constant 0 : i32
      %scan3A_47 = arith.constant 40 : i32
      %scan3A_48 = arith.addi %scan3A_46, %scan3A_47 : i32
      %scan3A_49 = arith.constant 1 : i32
      %scan3A_50 = scf.for %scan3A_53 = %scan3A_46 to %scan3A_48 step %scan3A_49 iter_args(%scan3A_54 = %scan3A_45) -> (i32)  : i32 {
        %dma_start3A = arith.constant 0 : i32
        %dma_start3A_55 = tpu.memref_slice %arg6[%scan3A_53, %dma_start3A] : memref<40x128xi32, #tpu.memory_space<vmem>> -> memref<1x128xi32, #tpu.memory_space<vmem>>
        %dma_start3A_56 = tpu.memref_squeeze %dma_start3A_55 : memref<1x128xi32, #tpu.memory_space<vmem>> -> memref<128xi32, #tpu.memory_space<vmem>>
        %dma_start3A_57 = arith.constant 0 : i32
        %dma_start3A_58 = arith.constant 0 : i32
        %dma_start3A_59 = tpu.memref_slice %arg2[%dma_start3A_57, %dma_start3A_58] : memref<20480x128xf32, #tpu.memory_space<hbm>> -> memref<20480x128xf32, #tpu.memory_space<hbm>>
        tpu.enqueue_indirect_dma source(%dma_start3A_59 : memref<20480x128xf32, #tpu.memory_space<hbm>>) target(%arg8 : memref<128x128xf32, #tpu.memory_space<vmem>>) offsets(%dma_start3A_56 : memref<128xi32, #tpu.memory_space<vmem>>) semaphore(%arg10 : memref<!tpu.dma_semaphore, #tpu.memory_space<semaphore_mem>>)
        %dma_wait3A = arith.constant 0 : i32
        %dma_wait3A_60 = tpu.memref_slice %arg6[%scan3A_53, %dma_wait3A] : memref<40x128xi32, #tpu.memory_space<vmem>> -> memref<1x128xi32, #tpu.memory_space<vmem>>
        %dma_wait3A_61 = tpu.memref_squeeze %dma_wait3A_60 : memref<1x128xi32, #tpu.memory_space<vmem>> -> memref<128xi32, #tpu.memory_space<vmem>>
        %dma_wait3A_62 = arith.constant 0 : i32
        %dma_wait3A_63 = arith.constant 0 : i32
        %dma_wait3A_64 = tpu.memref_slice %arg2[%dma_wait3A_62, %dma_wait3A_63] : memref<20480x128xf32, #tpu.memory_space<hbm>> -> memref<20480x128xf32, #tpu.memory_space<hbm>>
        tpu.wait_indirect_dma semaphore(%arg10 : memref<!tpu.dma_semaphore, #tpu.memory_space<semaphore_mem>>) src(%dma_wait3A_64 : memref<20480x128xf32, #tpu.memory_space<hbm>>) dst(%arg8 : memref<128x128xf32, #tpu.memory_space<vmem>>)
        "tpu.region"() ({
          %run_scoped3A = tpu.sem_alloc : memref<!tpu.dma_semaphore, #tpu.memory_space<semaphore_mem>>
          %dma_start3A_66 = arith.constant 0 : i32
          %dma_start3A_67 = tpu.memref_slice %arg7[%scan3A_53, %dma_start3A_66] : memref<40x128xi32, #tpu.memory_space<vmem>> -> memref<1x128xi32, #tpu.memory_space<vmem>>
          %dma_start3A_68 = tpu.memref_squeeze %dma_start3A_67 : memref<1x128xi32, #tpu.memory_space<vmem>> -> memref<128xi32, #tpu.memory_space<vmem>>
          %dma_start3A_69 = arith.constant 0 : i32
          %dma_start3A_70 = arith.constant 0 : i32
          %dma_start3A_71 = tpu.memref_slice %arg9[%dma_start3A_69, %dma_start3A_70] : memref<10240x128xf32, #tpu.memory_space<vmem_shared>> -> memref<10240x128xf32, #tpu.memory_space<vmem_shared>>
          tpu.enqueue_indirect_dma source(%arg8 : memref<128x128xf32, #tpu.memory_space<vmem>>) target(%dma_start3A_71 : memref<10240x128xf32, #tpu.memory_space<vmem_shared>>) offsets(%dma_start3A_68 : memref<128xi32, #tpu.memory_space<vmem>>) semaphore(%run_scoped3A : memref<!tpu.dma_semaphore, #tpu.memory_space<semaphore_mem>>) {add = true}
          %dma_wait3A_72 = arith.constant 0 : i32
          %dma_wait3A_73 = tpu.memref_slice %arg7[%scan3A_53, %dma_wait3A_72] : memref<40x128xi32, #tpu.memory_space<vmem>> -> memref<1x128xi32, #tpu.memory_space<vmem>>
          %dma_wait3A_74 = tpu.memref_squeeze %dma_wait3A_73 : memref<1x128xi32, #tpu.memory_space<vmem>> -> memref<128xi32, #tpu.memory_space<vmem>>
          %dma_wait3A_75 = arith.constant 0 : i32
          %dma_wait3A_76 = arith.constant 0 : i32
          %dma_wait3A_77 = tpu.memref_slice %arg9[%dma_wait3A_75, %dma_wait3A_76] : memref<10240x128xf32, #tpu.memory_space<vmem_shared>> -> memref<10240x128xf32, #tpu.memory_space<vmem_shared>>
          tpu.wait_indirect_dma semaphore(%run_scoped3A : memref<!tpu.dma_semaphore, #tpu.memory_space<semaphore_mem>>) src(%arg8 : memref<128x128xf32, #tpu.memory_space<vmem>>) dst(%dma_wait3A_77 : memref<10240x128xf32, #tpu.memory_space<vmem_shared>>)
          tpu.yield
        }) : () -> ()
        %scan3A_65 = arith.constant 0 : i32
        scf.yield %scan3A_65 : i32
      }
      %scan3A_51 = arith.constant 40 : i32
      %scan3A_52 = arith.constant 0 : i32
      scf.yield %scan3A_52 : i32
    }
    %scan3A_34 = arith.constant 4 : i32
    %barrier3A_35 = arith.constant 0 : index
    tpu.barrier barrier_id(%barrier3A_35)
    %mul3A_36 = arith.constant 640 : i32
    %mul3A_37 = arith.muli %arg1, %mul3A_36 : i32
    %mul3A_38 = arith.constant 10240 : i32
    %mul3A_39 = arith.muli %arg0, %mul3A_38 : i32
    %mul3A_40 = arith.constant 640 : i32
    %mul3A_41 = arith.muli %arg1, %mul3A_40 : i32
    %add3A_42 = arith.addi %mul3A_39, %mul3A_41 : i32
    "tpu.region"() ({
      %run_scoped3A = tpu.sem_alloc : memref<!tpu.dma_semaphore, #tpu.memory_space<semaphore_mem>>
      %dma_start3A = arith.constant 0 : i32
      %dma_start3A_43 = tpu.memref_slice %arg5[%add3A_42, %dma_start3A] : memref<20480x128xf32, #tpu.memory_space<hbm>> -> memref<640x128xf32, #tpu.memory_space<hbm>>
      %dma_start3A_44 = arith.constant 0 : i32
      %dma_start3A_45 = tpu.memref_slice %arg9[%mul3A_37, %dma_start3A_44] : memref<10240x128xf32, #tpu.memory_space<vmem_shared>> -> memref<640x128xf32, #tpu.memory_space<vmem_shared>>
      tpu.enqueue_dma source(%dma_start3A_45 : memref<640x128xf32, #tpu.memory_space<vmem_shared>>) target(%dma_start3A_43 : memref<640x128xf32, #tpu.memory_space<hbm>>) target_semaphore(%run_scoped3A : memref<!tpu.dma_semaphore, #tpu.memory_space<semaphore_mem>>)
      %dma_wait3A = arith.constant 0 : i32
      %dma_wait3A_46 = tpu.memref_slice %arg5[%add3A_42, %dma_wait3A] : memref<20480x128xf32, #tpu.memory_space<hbm>> -> memref<640x128xf32, #tpu.memory_space<hbm>>
      %dma_wait3A_47 = arith.constant 0 : i32
      %dma_wait3A_48 = tpu.memref_slice %arg9[%mul3A_37, %dma_wait3A_47] : memref<10240x128xf32, #tpu.memory_space<vmem_shared>> -> memref<640x128xf32, #tpu.memory_space<vmem_shared>>
      tpu.wait_dma2 semaphore(%run_scoped3A : memref<!tpu.dma_semaphore, #tpu.memory_space<semaphore_mem>>) src(%dma_wait3A_48 : memref<640x128xf32, #tpu.memory_space<vmem_shared>>) dst(%dma_wait3A_46 : memref<640x128xf32, #tpu.memory_space<hbm>>)
      tpu.yield
    }) : () -> ()
    return
  }
}

#map = affine_map<(d0, d1) -> (0, 0)>
#map1 = affine_map<(d0, d1) -> (0, 0, 0, 0)>
module attributes {stable_mosaic.version = 14 : i64} {
  func.func @_mp_body(%arg0: i32, %arg1: i32, %arg2: memref<20480x128xf32, #tpu.memory_space<hbm>>, %arg3: memref<32x4x40x128xi32, #tpu.memory_space<hbm>>, %arg4: memref<16x4x40x128xi32, #tpu.memory_space<hbm>>, %arg5: memref<20480x128xf32, #tpu.memory_space<hbm>>, %arg6: memref<40x128xi32, #tpu.memory_space<vmem>>, %arg7: memref<40x128xi32, #tpu.memory_space<vmem>>, %arg8: memref<128x128xf32, #tpu.memory_space<vmem>>, %arg9: memref<10240x128xf32, #tpu.memory_space<vmem_shared>>, %arg10: memref<!tpu.dma_semaphore, #tpu.memory_space<semaphore_mem>>) attributes {dimension_semantics = [#tpu.dimension_semantics<core_parallel>, #tpu.dimension_semantics<subcore_parallel>], iteration_bounds = array<i64: 2, 16>, scalar_prefetch = 0 : i64, scratch_operands = 5 : i64, tpu.core_type = #tpu.core_type<sc_vector_subcore>, window_params = [{transform_indices = #map}, {transform_indices = #map1}, {transform_indices = #map1}, {transform_indices = #map}]} {
    %mul3A = arith.constant 16 : i32
    %mul3A_0 = arith.muli %arg0, %mul3A : i32
    %add3A = arith.addi %mul3A_0, %arg1 : i32
    %broadcast_in_dim3A = arith.constant 0.000000e+00 : f32
    %broadcast_in_dim3A_1 = vector.broadcast %broadcast_in_dim3A : f32 to vector<16xf32>
    %scan3A = arith.constant 0 : i32
    %scan3A_2 = arith.constant 0 : i32
    %scan3A_3 = arith.constant 128 : i32
    %scan3A_4 = arith.addi %scan3A_2, %scan3A_3 : i32
    %scan3A_5 = arith.constant 1 : i32
    %scan3A_6 = scf.for %scan3A_43 = %scan3A_2 to %scan3A_4 step %scan3A_5 iter_args(%scan3A_44 = %scan3A) -> (i32)  : i32 {
      %swap3A = arith.index_cast %scan3A_43 : i32 to index
      %swap3A_45 = arith.constant 0 : index
      %swap3A_46 = tpu.vector_load %arg8[%swap3A, %swap3A_45] {strides = array<i32>} : memref<128x128xf32, #tpu.memory_space<vmem>>, vector<1x16xf32>,
      %swap3A_47 = vector.shape_cast %swap3A_46 : vector<1x16xf32> to vector<16xf32>
      %swap3A_48 = vector.shape_cast %broadcast_in_dim3A_1 : vector<16xf32> to vector<1x16xf32>
      tpu.vector_store %arg8[%swap3A, %swap3A_45], %swap3A_48 {strides = array<i32>} : memref<128x128xf32, #tpu.memory_space<vmem>>, vector<1x16xf32>,
      %swap3A_49 = arith.index_cast %scan3A_43 : i32 to index
      %swap3A_50 = arith.constant 16 : index
      %swap3A_51 = tpu.vector_load %arg8[%swap3A_49, %swap3A_50] {strides = array<i32>} : memref<128x128xf32, #tpu.memory_space<vmem>>, vector<1x16xf32>,
      %swap3A_52 = vector.shape_cast %swap3A_51 : vector<1x16xf32> to vector<16xf32>
      %swap3A_53 = vector.shape_cast %broadcast_in_dim3A_1 : vector<16xf32> to vector<1x16xf32>
      tpu.vector_store %arg8[%swap3A_49, %swap3A_50], %swap3A_53 {strides = array<i32>} : memref<128x128xf32, #tpu.memory_space<vmem>>, vector<1x16xf32>,
      %swap3A_54 = arith.index_cast %scan3A_43 : i32 to index
      %swap3A_55 = arith.constant 32 : index
      %swap3A_56 = tpu.vector_load %arg8[%swap3A_54, %swap3A_55] {strides = array<i32>} : memref<128x128xf32, #tpu.memory_space<vmem>>, vector<1x16xf32>,
      %swap3A_57 = vector.shape_cast %swap3A_56 : vector<1x16xf32> to vector<16xf32>
      %swap3A_58 = vector.shape_cast %broadcast_in_dim3A_1 : vector<16xf32> to vector<1x16xf32>
      tpu.vector_store %arg8[%swap3A_54, %swap3A_55], %swap3A_58 {strides = array<i32>} : memref<128x128xf32, #tpu.memory_space<vmem>>, vector<1x16xf32>,
      %swap3A_59 = arith.index_cast %scan3A_43 : i32 to index
      %swap3A_60 = arith.constant 48 : index
      %swap3A_61 = tpu.vector_load %arg8[%swap3A_59, %swap3A_60] {strides = array<i32>} : memref<128x128xf32, #tpu.memory_space<vmem>>, vector<1x16xf32>,
      %swap3A_62 = vector.shape_cast %swap3A_61 : vector<1x16xf32> to vector<16xf32>
      %swap3A_63 = vector.shape_cast %broadcast_in_dim3A_1 : vector<16xf32> to vector<1x16xf32>
      tpu.vector_store %arg8[%swap3A_59, %swap3A_60], %swap3A_63 {strides = array<i32>} : memref<128x128xf32, #tpu.memory_space<vmem>>, vector<1x16xf32>,
      %swap3A_64 = arith.index_cast %scan3A_43 : i32 to index
      %swap3A_65 = arith.constant 64 : index
      %swap3A_66 = tpu.vector_load %arg8[%swap3A_64, %swap3A_65] {strides = array<i32>} : memref<128x128xf32, #tpu.memory_space<vmem>>, vector<1x16xf32>,
      %swap3A_67 = vector.shape_cast %swap3A_66 : vector<1x16xf32> to vector<16xf32>
      %swap3A_68 = vector.shape_cast %broadcast_in_dim3A_1 : vector<16xf32> to vector<1x16xf32>
      tpu.vector_store %arg8[%swap3A_64, %swap3A_65], %swap3A_68 {strides = array<i32>} : memref<128x128xf32, #tpu.memory_space<vmem>>, vector<1x16xf32>,
      %swap3A_69 = arith.index_cast %scan3A_43 : i32 to index
      %swap3A_70 = arith.constant 80 : index
      %swap3A_71 = tpu.vector_load %arg8[%swap3A_69, %swap3A_70] {strides = array<i32>} : memref<128x128xf32, #tpu.memory_space<vmem>>, vector<1x16xf32>,
      %swap3A_72 = vector.shape_cast %swap3A_71 : vector<1x16xf32> to vector<16xf32>
      %swap3A_73 = vector.shape_cast %broadcast_in_dim3A_1 : vector<16xf32> to vector<1x16xf32>
      tpu.vector_store %arg8[%swap3A_69, %swap3A_70], %swap3A_73 {strides = array<i32>} : memref<128x128xf32, #tpu.memory_space<vmem>>, vector<1x16xf32>,
      %swap3A_74 = arith.index_cast %scan3A_43 : i32 to index
      %swap3A_75 = arith.constant 96 : index
      %swap3A_76 = tpu.vector_load %arg8[%swap3A_74, %swap3A_75] {strides = array<i32>} : memref<128x128xf32, #tpu.memory_space<vmem>>, vector<1x16xf32>,
      %swap3A_77 = vector.shape_cast %swap3A_76 : vector<1x16xf32> to vector<16xf32>
      %swap3A_78 = vector.shape_cast %broadcast_in_dim3A_1 : vector<16xf32> to vector<1x16xf32>
      tpu.vector_store %arg8[%swap3A_74, %swap3A_75], %swap3A_78 {strides = array<i32>} : memref<128x128xf32, #tpu.memory_space<vmem>>, vector<1x16xf32>,
      %swap3A_79 = arith.index_cast %scan3A_43 : i32 to index
      %swap3A_80 = arith.constant 112 : index
      %swap3A_81 = tpu.vector_load %arg8[%swap3A_79, %swap3A_80] {strides = array<i32>} : memref<128x128xf32, #tpu.memory_space<vmem>>, vector<1x16xf32>,
      %swap3A_82 = vector.shape_cast %swap3A_81 : vector<1x16xf32> to vector<16xf32>
      %swap3A_83 = vector.shape_cast %broadcast_in_dim3A_1 : vector<16xf32> to vector<1x16xf32>
      tpu.vector_store %arg8[%swap3A_79, %swap3A_80], %swap3A_83 {strides = array<i32>} : memref<128x128xf32, #tpu.memory_space<vmem>>, vector<1x16xf32>,
      %scan3A_84 = arith.constant 0 : i32
      scf.yield %scan3A_84 : i32
    }
    %scan3A_7 = arith.constant 128 : i32
    %mul3A_8 = arith.constant 640 : i32
    %mul3A_9 = arith.muli %arg1, %mul3A_8 : i32
    %add3A_10 = arith.constant 0 : i32
    %add3A_11 = arith.addi %mul3A_9, %add3A_10 : i32
    "tpu.region"() ({
      %run_scoped3A = tpu.sem_alloc : memref<!tpu.dma_semaphore, #tpu.memory_space<semaphore_mem>>
      %dma_start3A = arith.constant 0 : i32
      %dma_start3A_43 = tpu.memref_slice %arg9[%add3A_11, %dma_start3A] : memref<10240x128xf32, #tpu.memory_space<vmem_shared>> -> memref<128x128xf32, #tpu.memory_space<vmem_shared>>
      %dma_start3A_44 = arith.constant 0 : i32
      %dma_start3A_45 = tpu.memref_slice %arg9[%add3A_11, %dma_start3A_44] : memref<10240x128xf32, #tpu.memory_space<vmem_shared>> -> memref<128x128xf32, #tpu.memory_space<vmem_shared>>
      tpu.enqueue_dma source(%arg8 : memref<128x128xf32, #tpu.memory_space<vmem>>) target(%dma_start3A_45 : memref<128x128xf32, #tpu.memory_space<vmem_shared>>) target_semaphore(%run_scoped3A : memref<!tpu.dma_semaphore, #tpu.memory_space<semaphore_mem>>)
      %dma_wait3A = arith.constant 0 : i32
      %dma_wait3A_46 = tpu.memref_slice %arg9[%add3A_11, %dma_wait3A] : memref<10240x128xf32, #tpu.memory_space<vmem_shared>> -> memref<128x128xf32, #tpu.memory_space<vmem_shared>>
      %dma_wait3A_47 = arith.constant 0 : i32
      %dma_wait3A_48 = tpu.memref_slice %arg9[%add3A_11, %dma_wait3A_47] : memref<10240x128xf32, #tpu.memory_space<vmem_shared>> -> memref<128x128xf32, #tpu.memory_space<vmem_shared>>
      tpu.wait_dma2 semaphore(%run_scoped3A : memref<!tpu.dma_semaphore, #tpu.memory_space<semaphore_mem>>) src(%arg8 : memref<128x128xf32, #tpu.memory_space<vmem>>) dst(%dma_wait3A_48 : memref<128x128xf32, #tpu.memory_space<vmem_shared>>)
      tpu.yield
    }) : () -> ()
    %mul3A_12 = arith.constant 640 : i32
    %mul3A_13 = arith.muli %arg1, %mul3A_12 : i32
    %add3A_14 = arith.constant 128 : i32
    %add3A_15 = arith.addi %mul3A_13, %add3A_14 : i32
    "tpu.region"() ({
      %run_scoped3A = tpu.sem_alloc : memref<!tpu.dma_semaphore, #tpu.memory_space<semaphore_mem>>
      %dma_start3A = arith.constant 0 : i32
      %dma_start3A_43 = tpu.memref_slice %arg9[%add3A_15, %dma_start3A] : memref<10240x128xf32, #tpu.memory_space<vmem_shared>> -> memref<128x128xf32, #tpu.memory_space<vmem_shared>>
      %dma_start3A_44 = arith.constant 0 : i32
      %dma_start3A_45 = tpu.memref_slice %arg9[%add3A_15, %dma_start3A_44] : memref<10240x128xf32, #tpu.memory_space<vmem_shared>> -> memref<128x128xf32, #tpu.memory_space<vmem_shared>>
      tpu.enqueue_dma source(%arg8 : memref<128x128xf32, #tpu.memory_space<vmem>>) target(%dma_start3A_45 : memref<128x128xf32, #tpu.memory_space<vmem_shared>>) target_semaphore(%run_scoped3A : memref<!tpu.dma_semaphore, #tpu.memory_space<semaphore_mem>>)
      %dma_wait3A = arith.constant 0 : i32
      %dma_wait3A_46 = tpu.memref_slice %arg9[%add3A_15, %dma_wait3A] : memref<10240x128xf32, #tpu.memory_space<vmem_shared>> -> memref<128x128xf32, #tpu.memory_space<vmem_shared>>
      %dma_wait3A_47 = arith.constant 0 : i32
      %dma_wait3A_48 = tpu.memref_slice %arg9[%add3A_15, %dma_wait3A_47] : memref<10240x128xf32, #tpu.memory_space<vmem_shared>> -> memref<128x128xf32, #tpu.memory_space<vmem_shared>>
      tpu.wait_dma2 semaphore(%run_scoped3A : memref<!tpu.dma_semaphore, #tpu.memory_space<semaphore_mem>>) src(%arg8 : memref<128x128xf32, #tpu.memory_space<vmem>>) dst(%dma_wait3A_48 : memref<128x128xf32, #tpu.memory_space<vmem_shared>>)
      tpu.yield
    }) : () -> ()
    %mul3A_16 = arith.constant 640 : i32
    %mul3A_17 = arith.muli %arg1, %mul3A_16 : i32
    %add3A_18 = arith.constant 256 : i32
    %add3A_19 = arith.addi %mul3A_17, %add3A_18 : i32
    "tpu.region"() ({
      %run_scoped3A = tpu.sem_alloc : memref<!tpu.dma_semaphore, #tpu.memory_space<semaphore_mem>>
      %dma_start3A = arith.constant 0 : i32
      %dma_start3A_43 = tpu.memref_slice %arg9[%add3A_19, %dma_start3A] : memref<10240x128xf32, #tpu.memory_space<vmem_shared>> -> memref<128x128xf32, #tpu.memory_space<vmem_shared>>
      %dma_start3A_44 = arith.constant 0 : i32
      %dma_start3A_45 = tpu.memref_slice %arg9[%add3A_19, %dma_start3A_44] : memref<10240x128xf32, #tpu.memory_space<vmem_shared>> -> memref<128x128xf32, #tpu.memory_space<vmem_shared>>
      tpu.enqueue_dma source(%arg8 : memref<128x128xf32, #tpu.memory_space<vmem>>) target(%dma_start3A_45 : memref<128x128xf32, #tpu.memory_space<vmem_shared>>) target_semaphore(%run_scoped3A : memref<!tpu.dma_semaphore, #tpu.memory_space<semaphore_mem>>)
      %dma_wait3A = arith.constant 0 : i32
      %dma_wait3A_46 = tpu.memref_slice %arg9[%add3A_19, %dma_wait3A] : memref<10240x128xf32, #tpu.memory_space<vmem_shared>> -> memref<128x128xf32, #tpu.memory_space<vmem_shared>>
      %dma_wait3A_47 = arith.constant 0 : i32
      %dma_wait3A_48 = tpu.memref_slice %arg9[%add3A_19, %dma_wait3A_47] : memref<10240x128xf32, #tpu.memory_space<vmem_shared>> -> memref<128x128xf32, #tpu.memory_space<vmem_shared>>
      tpu.wait_dma2 semaphore(%run_scoped3A : memref<!tpu.dma_semaphore, #tpu.memory_space<semaphore_mem>>) src(%arg8 : memref<128x128xf32, #tpu.memory_space<vmem>>) dst(%dma_wait3A_48 : memref<128x128xf32, #tpu.memory_space<vmem_shared>>)
      tpu.yield
    }) : () -> ()
    %mul3A_20 = arith.constant 640 : i32
    %mul3A_21 = arith.muli %arg1, %mul3A_20 : i32
    %add3A_22 = arith.constant 384 : i32
    %add3A_23 = arith.addi %mul3A_21, %add3A_22 : i32
    "tpu.region"() ({
      %run_scoped3A = tpu.sem_alloc : memref<!tpu.dma_semaphore, #tpu.memory_space<semaphore_mem>>
      %dma_start3A = arith.constant 0 : i32
      %dma_start3A_43 = tpu.memref_slice %arg9[%add3A_23, %dma_start3A] : memref<10240x128xf32, #tpu.memory_space<vmem_shared>> -> memref<128x128xf32, #tpu.memory_space<vmem_shared>>
      %dma_start3A_44 = arith.constant 0 : i32
      %dma_start3A_45 = tpu.memref_slice %arg9[%add3A_23, %dma_start3A_44] : memref<10240x128xf32, #tpu.memory_space<vmem_shared>> -> memref<128x128xf32, #tpu.memory_space<vmem_shared>>
      tpu.enqueue_dma source(%arg8 : memref<128x128xf32, #tpu.memory_space<vmem>>) target(%dma_start3A_45 : memref<128x128xf32, #tpu.memory_space<vmem_shared>>) target_semaphore(%run_scoped3A : memref<!tpu.dma_semaphore, #tpu.memory_space<semaphore_mem>>)
      %dma_wait3A = arith.constant 0 : i32
      %dma_wait3A_46 = tpu.memref_slice %arg9[%add3A_23, %dma_wait3A] : memref<10240x128xf32, #tpu.memory_space<vmem_shared>> -> memref<128x128xf32, #tpu.memory_space<vmem_shared>>
      %dma_wait3A_47 = arith.constant 0 : i32
      %dma_wait3A_48 = tpu.memref_slice %arg9[%add3A_23, %dma_wait3A_47] : memref<10240x128xf32, #tpu.memory_space<vmem_shared>> -> memref<128x128xf32, #tpu.memory_space<vmem_shared>>
      tpu.wait_dma2 semaphore(%run_scoped3A : memref<!tpu.dma_semaphore, #tpu.memory_space<semaphore_mem>>) src(%arg8 : memref<128x128xf32, #tpu.memory_space<vmem>>) dst(%dma_wait3A_48 : memref<128x128xf32, #tpu.memory_space<vmem_shared>>)
      tpu.yield
    }) : () -> ()
    %mul3A_24 = arith.constant 640 : i32
    %mul3A_25 = arith.muli %arg1, %mul3A_24 : i32
    %add3A_26 = arith.constant 512 : i32
    %add3A_27 = arith.addi %mul3A_25, %add3A_26 : i32
    "tpu.region"() ({
      %run_scoped3A = tpu.sem_alloc : memref<!tpu.dma_semaphore, #tpu.memory_space<semaphore_mem>>
      %dma_start3A = arith.constant 0 : i32
      %dma_start3A_43 = tpu.memref_slice %arg9[%add3A_27, %dma_start3A] : memref<10240x128xf32, #tpu.memory_space<vmem_shared>> -> memref<128x128xf32, #tpu.memory_space<vmem_shared>>
      %dma_start3A_44 = arith.constant 0 : i32
      %dma_start3A_45 = tpu.memref_slice %arg9[%add3A_27, %dma_start3A_44] : memref<10240x128xf32, #tpu.memory_space<vmem_shared>> -> memref<128x128xf32, #tpu.memory_space<vmem_shared>>
      tpu.enqueue_dma source(%arg8 : memref<128x128xf32, #tpu.memory_space<vmem>>) target(%dma_start3A_45 : memref<128x128xf32, #tpu.memory_space<vmem_shared>>) target_semaphore(%run_scoped3A : memref<!tpu.dma_semaphore, #tpu.memory_space<semaphore_mem>>)
      %dma_wait3A = arith.constant 0 : i32
      %dma_wait3A_46 = tpu.memref_slice %arg9[%add3A_27, %dma_wait3A] : memref<10240x128xf32, #tpu.memory_space<vmem_shared>> -> memref<128x128xf32, #tpu.memory_space<vmem_shared>>
      %dma_wait3A_47 = arith.constant 0 : i32
      %dma_wait3A_48 = tpu.memref_slice %arg9[%add3A_27, %dma_wait3A_47] : memref<10240x128xf32, #tpu.memory_space<vmem_shared>> -> memref<128x128xf32, #tpu.memory_space<vmem_shared>>
      tpu.wait_dma2 semaphore(%run_scoped3A : memref<!tpu.dma_semaphore, #tpu.memory_space<semaphore_mem>>) src(%arg8 : memref<128x128xf32, #tpu.memory_space<vmem>>) dst(%dma_wait3A_48 : memref<128x128xf32, #tpu.memory_space<vmem_shared>>)
      tpu.yield
    }) : () -> ()
    %barrier3A = arith.constant 0 : index
    tpu.barrier barrier_id(%barrier3A)
    %scan3A_28 = arith.constant 0 : i32
    %scan3A_29 = arith.constant 0 : i32
    %scan3A_30 = arith.constant 4 : i32
    %scan3A_31 = arith.addi %scan3A_29, %scan3A_30 : i32
    %scan3A_32 = arith.constant 1 : i32
    %scan3A_33 = scf.for %scan3A_43 = %scan3A_29 to %scan3A_31 step %scan3A_32 iter_args(%scan3A_44 = %scan3A_28) -> (i32)  : i32 {
      "tpu.region"() ({
        %run_scoped3A = tpu.sem_alloc : memref<!tpu.dma_semaphore, #tpu.memory_space<semaphore_mem>>
        %dma_start3A = arith.constant 0 : i32
        %dma_start3A_53 = arith.constant 0 : i32
        %dma_start3A_54 = tpu.memref_slice %arg3[%add3A, %scan3A_43, %dma_start3A, %dma_start3A_53] : memref<32x4x40x128xi32, #tpu.memory_space<hbm>> -> memref<1x1x40x128xi32, #tpu.memory_space<hbm>>
        %dma_start3A_55 = tpu.memref_squeeze %dma_start3A_54 : memref<1x1x40x128xi32, #tpu.memory_space<hbm>> -> memref<40x128xi32, #tpu.memory_space<hbm>>
        %dma_start3A_56 = arith.constant 0 : i32
        %dma_start3A_57 = arith.constant 0 : i32
        %dma_start3A_58 = tpu.memref_slice %arg3[%add3A, %scan3A_43, %dma_start3A_56, %dma_start3A_57] : memref<32x4x40x128xi32, #tpu.memory_space<hbm>> -> memref<1x1x40x128xi32, #tpu.memory_space<hbm>>
        %dma_start3A_59 = tpu.memref_squeeze %dma_start3A_58 : memref<1x1x40x128xi32, #tpu.memory_space<hbm>> -> memref<40x128xi32, #tpu.memory_space<hbm>>
        tpu.enqueue_dma source(%dma_start3A_59 : memref<40x128xi32, #tpu.memory_space<hbm>>) target(%arg6 : memref<40x128xi32, #tpu.memory_space<vmem>>) target_semaphore(%run_scoped3A : memref<!tpu.dma_semaphore, #tpu.memory_space<semaphore_mem>>)
        %dma_wait3A = arith.constant 0 : i32
        %dma_wait3A_60 = arith.constant 0 : i32
        %dma_wait3A_61 = tpu.memref_slice %arg3[%add3A, %scan3A_43, %dma_wait3A, %dma_wait3A_60] : memref<32x4x40x128xi32, #tpu.memory_space<hbm>> -> memref<1x1x40x128xi32, #tpu.memory_space<hbm>>
        %dma_wait3A_62 = tpu.memref_squeeze %dma_wait3A_61 : memref<1x1x40x128xi32, #tpu.memory_space<hbm>> -> memref<40x128xi32, #tpu.memory_space<hbm>>
        %dma_wait3A_63 = arith.constant 0 : i32
        %dma_wait3A_64 = arith.constant 0 : i32
        %dma_wait3A_65 = tpu.memref_slice %arg3[%add3A, %scan3A_43, %dma_wait3A_63, %dma_wait3A_64] : memref<32x4x40x128xi32, #tpu.memory_space<hbm>> -> memref<1x1x40x128xi32, #tpu.memory_space<hbm>>
        %dma_wait3A_66 = tpu.memref_squeeze %dma_wait3A_65 : memref<1x1x40x128xi32, #tpu.memory_space<hbm>> -> memref<40x128xi32, #tpu.memory_space<hbm>>
        tpu.wait_dma2 semaphore(%run_scoped3A : memref<!tpu.dma_semaphore, #tpu.memory_space<semaphore_mem>>) src(%dma_wait3A_66 : memref<40x128xi32, #tpu.memory_space<hbm>>) dst(%arg6 : memref<40x128xi32, #tpu.memory_space<vmem>>)
        tpu.yield
      }) : () -> ()
      "tpu.region"() ({
        %run_scoped3A = tpu.sem_alloc : memref<!tpu.dma_semaphore, #tpu.memory_space<semaphore_mem>>
        %dma_start3A = arith.constant 0 : i32
        %dma_start3A_53 = arith.constant 0 : i32
        %dma_start3A_54 = tpu.memref_slice %arg4[%arg1, %scan3A_43, %dma_start3A, %dma_start3A_53] : memref<16x4x40x128xi32, #tpu.memory_space<hbm>> -> memref<1x1x40x128xi32, #tpu.memory_space<hbm>>
        %dma_start3A_55 = tpu.memref_squeeze %dma_start3A_54 : memref<1x1x40x128xi32, #tpu.memory_space<hbm>> -> memref<40x128xi32, #tpu.memory_space<hbm>>
        %dma_start3A_56 = arith.constant 0 : i32
        %dma_start3A_57 = arith.constant 0 : i32
        %dma_start3A_58 = tpu.memref_slice %arg4[%arg1, %scan3A_43, %dma_start3A_56, %dma_start3A_57] : memref<16x4x40x128xi32, #tpu.memory_space<hbm>> -> memref<1x1x40x128xi32, #tpu.memory_space<hbm>>
        %dma_start3A_59 = tpu.memref_squeeze %dma_start3A_58 : memref<1x1x40x128xi32, #tpu.memory_space<hbm>> -> memref<40x128xi32, #tpu.memory_space<hbm>>
        tpu.enqueue_dma source(%dma_start3A_59 : memref<40x128xi32, #tpu.memory_space<hbm>>) target(%arg7 : memref<40x128xi32, #tpu.memory_space<vmem>>) target_semaphore(%run_scoped3A : memref<!tpu.dma_semaphore, #tpu.memory_space<semaphore_mem>>)
        %dma_wait3A = arith.constant 0 : i32
        %dma_wait3A_60 = arith.constant 0 : i32
        %dma_wait3A_61 = tpu.memref_slice %arg4[%arg1, %scan3A_43, %dma_wait3A, %dma_wait3A_60] : memref<16x4x40x128xi32, #tpu.memory_space<hbm>> -> memref<1x1x40x128xi32, #tpu.memory_space<hbm>>
        %dma_wait3A_62 = tpu.memref_squeeze %dma_wait3A_61 : memref<1x1x40x128xi32, #tpu.memory_space<hbm>> -> memref<40x128xi32, #tpu.memory_space<hbm>>
        %dma_wait3A_63 = arith.constant 0 : i32
        %dma_wait3A_64 = arith.constant 0 : i32
        %dma_wait3A_65 = tpu.memref_slice %arg4[%arg1, %scan3A_43, %dma_wait3A_63, %dma_wait3A_64] : memref<16x4x40x128xi32, #tpu.memory_space<hbm>> -> memref<1x1x40x128xi32, #tpu.memory_space<hbm>>
        %dma_wait3A_66 = tpu.memref_squeeze %dma_wait3A_65 : memref<1x1x40x128xi32, #tpu.memory_space<hbm>> -> memref<40x128xi32, #tpu.memory_space<hbm>>
        tpu.wait_dma2 semaphore(%run_scoped3A : memref<!tpu.dma_semaphore, #tpu.memory_space<semaphore_mem>>) src(%dma_wait3A_66 : memref<40x128xi32, #tpu.memory_space<hbm>>) dst(%arg7 : memref<40x128xi32, #tpu.memory_space<vmem>>)
        tpu.yield
      }) : () -> ()
      %scan3A_45 = arith.constant 0 : i32
      %scan3A_46 = arith.constant 0 : i32
      %scan3A_47 = arith.constant 40 : i32
      %scan3A_48 = arith.addi %scan3A_46, %scan3A_47 : i32
      %scan3A_49 = arith.constant 1 : i32
      %scan3A_50 = scf.for %scan3A_53 = %scan3A_46 to %scan3A_48 step %scan3A_49 iter_args(%scan3A_54 = %scan3A_45) -> (i32)  : i32 {
        %dma_start3A = arith.constant 0 : i32
        %dma_start3A_55 = tpu.memref_slice %arg6[%scan3A_53, %dma_start3A] : memref<40x128xi32, #tpu.memory_space<vmem>> -> memref<1x128xi32, #tpu.memory_space<vmem>>
        %dma_start3A_56 = tpu.memref_squeeze %dma_start3A_55 : memref<1x128xi32, #tpu.memory_space<vmem>> -> memref<128xi32, #tpu.memory_space<vmem>>
        %dma_start3A_57 = arith.constant 0 : i32
        %dma_start3A_58 = arith.constant 0 : i32
        %dma_start3A_59 = tpu.memref_slice %arg2[%dma_start3A_57, %dma_start3A_58] : memref<20480x128xf32, #tpu.memory_space<hbm>> -> memref<20480x128xf32, #tpu.memory_space<hbm>>
        tpu.enqueue_indirect_dma source(%dma_start3A_59 : memref<20480x128xf32, #tpu.memory_space<hbm>>) target(%arg8 : memref<128x128xf32, #tpu.memory_space<vmem>>) offsets(%dma_start3A_56 : memref<128xi32, #tpu.memory_space<vmem>>) semaphore(%arg10 : memref<!tpu.dma_semaphore, #tpu.memory_space<semaphore_mem>>)
        %dma_wait3A = arith.constant 0 : i32
        %dma_wait3A_60 = tpu.memref_slice %arg6[%scan3A_53, %dma_wait3A] : memref<40x128xi32, #tpu.memory_space<vmem>> -> memref<1x128xi32, #tpu.memory_space<vmem>>
        %dma_wait3A_61 = tpu.memref_squeeze %dma_wait3A_60 : memref<1x128xi32, #tpu.memory_space<vmem>> -> memref<128xi32, #tpu.memory_space<vmem>>
        %dma_wait3A_62 = arith.constant 0 : i32
        %dma_wait3A_63 = arith.constant 0 : i32
        %dma_wait3A_64 = tpu.memref_slice %arg2[%dma_wait3A_62, %dma_wait3A_63] : memref<20480x128xf32, #tpu.memory_space<hbm>> -> memref<20480x128xf32, #tpu.memory_space<hbm>>
        tpu.wait_indirect_dma semaphore(%arg10 : memref<!tpu.dma_semaphore, #tpu.memory_space<semaphore_mem>>) src(%dma_wait3A_64 : memref<20480x128xf32, #tpu.memory_space<hbm>>) dst(%arg8 : memref<128x128xf32, #tpu.memory_space<vmem>>)
        "tpu.region"() ({
          %run_scoped3A = tpu.sem_alloc : memref<!tpu.dma_semaphore, #tpu.memory_space<semaphore_mem>>
          %dma_start3A_66 = arith.constant 0 : i32
          %dma_start3A_67 = tpu.memref_slice %arg7[%scan3A_53, %dma_start3A_66] : memref<40x128xi32, #tpu.memory_space<vmem>> -> memref<1x128xi32, #tpu.memory_space<vmem>>
          %dma_start3A_68 = tpu.memref_squeeze %dma_start3A_67 : memref<1x128xi32, #tpu.memory_space<vmem>> -> memref<128xi32, #tpu.memory_space<vmem>>
          %dma_start3A_69 = arith.constant 0 : i32
          %dma_start3A_70 = arith.constant 0 : i32
          %dma_start3A_71 = tpu.memref_slice %arg9[%dma_start3A_69, %dma_start3A_70] : memref<10240x128xf32, #tpu.memory_space<vmem_shared>> -> memref<10240x128xf32, #tpu.memory_space<vmem_shared>>
          tpu.enqueue_indirect_dma source(%arg8 : memref<128x128xf32, #tpu.memory_space<vmem>>) target(%dma_start3A_71 : memref<10240x128xf32, #tpu.memory_space<vmem_shared>>) offsets(%dma_start3A_68 : memref<128xi32, #tpu.memory_space<vmem>>) semaphore(%run_scoped3A : memref<!tpu.dma_semaphore, #tpu.memory_space<semaphore_mem>>) {add = true}
          %dma_wait3A_72 = arith.constant 0 : i32
          %dma_wait3A_73 = tpu.memref_slice %arg7[%scan3A_53, %dma_wait3A_72] : memref<40x128xi32, #tpu.memory_space<vmem>> -> memref<1x128xi32, #tpu.memory_space<vmem>>
          %dma_wait3A_74 = tpu.memref_squeeze %dma_wait3A_73 : memref<1x128xi32, #tpu.memory_space<vmem>> -> memref<128xi32, #tpu.memory_space<vmem>>
          %dma_wait3A_75 = arith.constant 0 : i32
          %dma_wait3A_76 = arith.constant 0 : i32
          %dma_wait3A_77 = tpu.memref_slice %arg9[%dma_wait3A_75, %dma_wait3A_76] : memref<10240x128xf32, #tpu.memory_space<vmem_shared>> -> memref<10240x128xf32, #tpu.memory_space<vmem_shared>>
          tpu.wait_indirect_dma semaphore(%run_scoped3A : memref<!tpu.dma_semaphore, #tpu.memory_space<semaphore_mem>>) src(%arg8 : memref<128x128xf32, #tpu.memory_space<vmem>>) dst(%dma_wait3A_77 : memref<10240x128xf32, #tpu.memory_space<vmem_shared>>)
          tpu.yield
        }) : () -> ()
        %scan3A_65 = arith.constant 0 : i32
        scf.yield %scan3A_65 : i32
      }
      %scan3A_51 = arith.constant 40 : i32
      %scan3A_52 = arith.constant 0 : i32
      scf.yield %scan3A_52 : i32
    }
    %scan3A_34 = arith.constant 4 : i32
    %barrier3A_35 = arith.constant 0 : index
    tpu.barrier barrier_id(%barrier3A_35)
    %mul3A_36 = arith.constant 640 : i32
    %mul3A_37 = arith.muli %arg1, %mul3A_36 : i32
    %mul3A_38 = arith.constant 10240 : i32
    %mul3A_39 = arith.muli %arg0, %mul3A_38 : i32
    %mul3A_40 = arith.constant 640 : i32
    %mul3A_41 = arith.muli %arg1, %mul3A_40 : i32
    %add3A_42 = arith.addi %mul3A_39, %mul3A_41 : i32
    "tpu.region"() ({
      %run_scoped3A = tpu.sem_alloc : memref<!tpu.dma_semaphore, #tpu.memory_space<semaphore_mem>>
      %dma_start3A = arith.constant 0 : i32
      %dma_start3A_43 = tpu.memref_slice %arg5[%add3A_42, %dma_start3A] : memref<20480x128xf32, #tpu.memory_space<hbm>> -> memref<640x128xf32, #tpu.memory_space<hbm>>
      %dma_start3A_44 = arith.constant 0 : i32
      %dma_start3A_45 = tpu.memref_slice %arg9[%mul3A_37, %dma_start3A_44] : memref<10240x128xf32, #tpu.memory_space<vmem_shared>> -> memref<640x128xf32, #tpu.memory_space<vmem_shared>>
      tpu.enqueue_dma source(%dma_start3A_45 : memref<640x128xf32, #tpu.memory_space<vmem_shared>>) target(%dma_start3A_43 : memref<640x128xf32, #tpu.memory_space<hbm>>) target_semaphore(%run_scoped3A : memref<!tpu.dma_semaphore, #tpu.memory_space<semaphore_mem>>)
      %dma_wait3A = arith.constant 0 : i32
      %dma_wait3A_46 = tpu.memref_slice %arg5[%add3A_42, %dma_wait3A] : memref<20480x128xf32, #tpu.memory_space<hbm>> -> memref<640x128xf32, #tpu.memory_space<hbm>>
      %dma_wait3A_47 = arith.constant 0 : i32
      %dma_wait3A_48 = tpu.memref_slice %arg9[%mul3A_37, %dma_wait3A_47] : memref<10240x128xf32, #tpu.memory_space<vmem_shared>> -> memref<640x128xf32, #tpu.memory_space<vmem_shared>>
      tpu.wait_dma2 semaphore(%run_scoped3A : memref<!tpu.dma_semaphore, #tpu.memory_space<semaphore_mem>>) src(%dma_wait3A_48 : memref<640x128xf32, #tpu.memory_space<vmem_shared>>) dst(%dma_wait3A_46 : memref<640x128xf32, #tpu.memory_space<hbm>>)
      tpu.yield
    }) : () -> ()
    return
  }
}

#map = affine_map<(d0, d1) -> (0, 0)>
#map1 = affine_map<(d0, d1) -> (0, 0, 0, 0)>
module attributes {stable_mosaic.version = 14 : i64} {
  func.func @_mp_body(%arg0: i32, %arg1: i32, %arg2: memref<20480x128xf32, #tpu.memory_space<hbm>>, %arg3: memref<32x4x40x128xi32, #tpu.memory_space<hbm>>, %arg4: memref<16x4x40x128xi32, #tpu.memory_space<hbm>>, %arg5: memref<20480x128xf32, #tpu.memory_space<hbm>>, %arg6: memref<40x128xi32, #tpu.memory_space<vmem>>, %arg7: memref<40x128xi32, #tpu.memory_space<vmem>>, %arg8: memref<128x128xf32, #tpu.memory_space<vmem>>, %arg9: memref<10240x128xf32, #tpu.memory_space<vmem_shared>>, %arg10: memref<!tpu.dma_semaphore, #tpu.memory_space<semaphore_mem>>) attributes {dimension_semantics = [#tpu.dimension_semantics<core_parallel>, #tpu.dimension_semantics<subcore_parallel>], iteration_bounds = array<i64: 2, 16>, scalar_prefetch = 0 : i64, scratch_operands = 5 : i64, tpu.core_type = #tpu.core_type<sc_vector_subcore>, window_params = [{transform_indices = #map}, {transform_indices = #map1}, {transform_indices = #map1}, {transform_indices = #map}]} {
    %mul3A = arith.constant 16 : i32
    %mul3A_0 = arith.muli %arg0, %mul3A : i32
    %add3A = arith.addi %mul3A_0, %arg1 : i32
    %broadcast_in_dim3A = arith.constant 0.000000e+00 : f32
    %broadcast_in_dim3A_1 = vector.broadcast %broadcast_in_dim3A : f32 to vector<16xf32>
    %scan3A = arith.constant 0 : i32
    %scan3A_2 = arith.constant 0 : i32
    %scan3A_3 = arith.constant 128 : i32
    %scan3A_4 = arith.addi %scan3A_2, %scan3A_3 : i32
    %scan3A_5 = arith.constant 1 : i32
    %scan3A_6 = scf.for %scan3A_43 = %scan3A_2 to %scan3A_4 step %scan3A_5 iter_args(%scan3A_44 = %scan3A) -> (i32)  : i32 {
      %swap3A = arith.index_cast %scan3A_43 : i32 to index
      %swap3A_45 = arith.constant 0 : index
      %swap3A_46 = tpu.vector_load %arg8[%swap3A, %swap3A_45] {strides = array<i32>} : memref<128x128xf32, #tpu.memory_space<vmem>>, vector<1x16xf32>,
      %swap3A_47 = vector.shape_cast %swap3A_46 : vector<1x16xf32> to vector<16xf32>
      %swap3A_48 = vector.shape_cast %broadcast_in_dim3A_1 : vector<16xf32> to vector<1x16xf32>
      tpu.vector_store %arg8[%swap3A, %swap3A_45], %swap3A_48 {strides = array<i32>} : memref<128x128xf32, #tpu.memory_space<vmem>>, vector<1x16xf32>,
      %swap3A_49 = arith.index_cast %scan3A_43 : i32 to index
      %swap3A_50 = arith.constant 16 : index
      %swap3A_51 = tpu.vector_load %arg8[%swap3A_49, %swap3A_50] {strides = array<i32>} : memref<128x128xf32, #tpu.memory_space<vmem>>, vector<1x16xf32>,
      %swap3A_52 = vector.shape_cast %swap3A_51 : vector<1x16xf32> to vector<16xf32>
      %swap3A_53 = vector.shape_cast %broadcast_in_dim3A_1 : vector<16xf32> to vector<1x16xf32>
      tpu.vector_store %arg8[%swap3A_49, %swap3A_50], %swap3A_53 {strides = array<i32>} : memref<128x128xf32, #tpu.memory_space<vmem>>, vector<1x16xf32>,
      %swap3A_54 = arith.index_cast %scan3A_43 : i32 to index
      %swap3A_55 = arith.constant 32 : index
      %swap3A_56 = tpu.vector_load %arg8[%swap3A_54, %swap3A_55] {strides = array<i32>} : memref<128x128xf32, #tpu.memory_space<vmem>>, vector<1x16xf32>,
      %swap3A_57 = vector.shape_cast %swap3A_56 : vector<1x16xf32> to vector<16xf32>
      %swap3A_58 = vector.shape_cast %broadcast_in_dim3A_1 : vector<16xf32> to vector<1x16xf32>
      tpu.vector_store %arg8[%swap3A_54, %swap3A_55], %swap3A_58 {strides = array<i32>} : memref<128x128xf32, #tpu.memory_space<vmem>>, vector<1x16xf32>,
      %swap3A_59 = arith.index_cast %scan3A_43 : i32 to index
      %swap3A_60 = arith.constant 48 : index
      %swap3A_61 = tpu.vector_load %arg8[%swap3A_59, %swap3A_60] {strides = array<i32>} : memref<128x128xf32, #tpu.memory_space<vmem>>, vector<1x16xf32>,
      %swap3A_62 = vector.shape_cast %swap3A_61 : vector<1x16xf32> to vector<16xf32>
      %swap3A_63 = vector.shape_cast %broadcast_in_dim3A_1 : vector<16xf32> to vector<1x16xf32>
      tpu.vector_store %arg8[%swap3A_59, %swap3A_60], %swap3A_63 {strides = array<i32>} : memref<128x128xf32, #tpu.memory_space<vmem>>, vector<1x16xf32>,
      %swap3A_64 = arith.index_cast %scan3A_43 : i32 to index
      %swap3A_65 = arith.constant 64 : index
      %swap3A_66 = tpu.vector_load %arg8[%swap3A_64, %swap3A_65] {strides = array<i32>} : memref<128x128xf32, #tpu.memory_space<vmem>>, vector<1x16xf32>,
      %swap3A_67 = vector.shape_cast %swap3A_66 : vector<1x16xf32> to vector<16xf32>
      %swap3A_68 = vector.shape_cast %broadcast_in_dim3A_1 : vector<16xf32> to vector<1x16xf32>
      tpu.vector_store %arg8[%swap3A_64, %swap3A_65], %swap3A_68 {strides = array<i32>} : memref<128x128xf32, #tpu.memory_space<vmem>>, vector<1x16xf32>,
      %swap3A_69 = arith.index_cast %scan3A_43 : i32 to index
      %swap3A_70 = arith.constant 80 : index
      %swap3A_71 = tpu.vector_load %arg8[%swap3A_69, %swap3A_70] {strides = array<i32>} : memref<128x128xf32, #tpu.memory_space<vmem>>, vector<1x16xf32>,
      %swap3A_72 = vector.shape_cast %swap3A_71 : vector<1x16xf32> to vector<16xf32>
      %swap3A_73 = vector.shape_cast %broadcast_in_dim3A_1 : vector<16xf32> to vector<1x16xf32>
      tpu.vector_store %arg8[%swap3A_69, %swap3A_70], %swap3A_73 {strides = array<i32>} : memref<128x128xf32, #tpu.memory_space<vmem>>, vector<1x16xf32>,
      %swap3A_74 = arith.index_cast %scan3A_43 : i32 to index
      %swap3A_75 = arith.constant 96 : index
      %swap3A_76 = tpu.vector_load %arg8[%swap3A_74, %swap3A_75] {strides = array<i32>} : memref<128x128xf32, #tpu.memory_space<vmem>>, vector<1x16xf32>,
      %swap3A_77 = vector.shape_cast %swap3A_76 : vector<1x16xf32> to vector<16xf32>
      %swap3A_78 = vector.shape_cast %broadcast_in_dim3A_1 : vector<16xf32> to vector<1x16xf32>
      tpu.vector_store %arg8[%swap3A_74, %swap3A_75], %swap3A_78 {strides = array<i32>} : memref<128x128xf32, #tpu.memory_space<vmem>>, vector<1x16xf32>,
      %swap3A_79 = arith.index_cast %scan3A_43 : i32 to index
      %swap3A_80 = arith.constant 112 : index
      %swap3A_81 = tpu.vector_load %arg8[%swap3A_79, %swap3A_80] {strides = array<i32>} : memref<128x128xf32, #tpu.memory_space<vmem>>, vector<1x16xf32>,
      %swap3A_82 = vector.shape_cast %swap3A_81 : vector<1x16xf32> to vector<16xf32>
      %swap3A_83 = vector.shape_cast %broadcast_in_dim3A_1 : vector<16xf32> to vector<1x16xf32>
      tpu.vector_store %arg8[%swap3A_79, %swap3A_80], %swap3A_83 {strides = array<i32>} : memref<128x128xf32, #tpu.memory_space<vmem>>, vector<1x16xf32>,
      %scan3A_84 = arith.constant 0 : i32
      scf.yield %scan3A_84 : i32
    }
    %scan3A_7 = arith.constant 128 : i32
    %mul3A_8 = arith.constant 640 : i32
    %mul3A_9 = arith.muli %arg1, %mul3A_8 : i32
    %add3A_10 = arith.constant 0 : i32
    %add3A_11 = arith.addi %mul3A_9, %add3A_10 : i32
    "tpu.region"() ({
      %run_scoped3A = tpu.sem_alloc : memref<!tpu.dma_semaphore, #tpu.memory_space<semaphore_mem>>
      %dma_start3A = arith.constant 0 : i32
      %dma_start3A_43 = tpu.memref_slice %arg9[%add3A_11, %dma_start3A] : memref<10240x128xf32, #tpu.memory_space<vmem_shared>> -> memref<128x128xf32, #tpu.memory_space<vmem_shared>>
      %dma_start3A_44 = arith.constant 0 : i32
      %dma_start3A_45 = tpu.memref_slice %arg9[%add3A_11, %dma_start3A_44] : memref<10240x128xf32, #tpu.memory_space<vmem_shared>> -> memref<128x128xf32, #tpu.memory_space<vmem_shared>>
      tpu.enqueue_dma source(%arg8 : memref<128x128xf32, #tpu.memory_space<vmem>>) target(%dma_start3A_45 : memref<128x128xf32, #tpu.memory_space<vmem_shared>>) target_semaphore(%run_scoped3A : memref<!tpu.dma_semaphore, #tpu.memory_space<semaphore_mem>>)
      %dma_wait3A = arith.constant 0 : i32
      %dma_wait3A_46 = tpu.memref_slice %arg9[%add3A_11, %dma_wait3A] : memref<10240x128xf32, #tpu.memory_space<vmem_shared>> -> memref<128x128xf32, #tpu.memory_space<vmem_shared>>
      %dma_wait3A_47 = arith.constant 0 : i32
      %dma_wait3A_48 = tpu.memref_slice %arg9[%add3A_11, %dma_wait3A_47] : memref<10240x128xf32, #tpu.memory_space<vmem_shared>> -> memref<128x128xf32, #tpu.memory_space<vmem_shared>>
      tpu.wait_dma2 semaphore(%run_scoped3A : memref<!tpu.dma_semaphore, #tpu.memory_space<semaphore_mem>>) src(%arg8 : memref<128x128xf32, #tpu.memory_space<vmem>>) dst(%dma_wait3A_48 : memref<128x128xf32, #tpu.memory_space<vmem_shared>>)
      tpu.yield
    }) : () -> ()
    %mul3A_12 = arith.constant 640 : i32
    %mul3A_13 = arith.muli %arg1, %mul3A_12 : i32
    %add3A_14 = arith.constant 128 : i32
    %add3A_15 = arith.addi %mul3A_13, %add3A_14 : i32
    "tpu.region"() ({
      %run_scoped3A = tpu.sem_alloc : memref<!tpu.dma_semaphore, #tpu.memory_space<semaphore_mem>>
      %dma_start3A = arith.constant 0 : i32
      %dma_start3A_43 = tpu.memref_slice %arg9[%add3A_15, %dma_start3A] : memref<10240x128xf32, #tpu.memory_space<vmem_shared>> -> memref<128x128xf32, #tpu.memory_space<vmem_shared>>
      %dma_start3A_44 = arith.constant 0 : i32
      %dma_start3A_45 = tpu.memref_slice %arg9[%add3A_15, %dma_start3A_44] : memref<10240x128xf32, #tpu.memory_space<vmem_shared>> -> memref<128x128xf32, #tpu.memory_space<vmem_shared>>
      tpu.enqueue_dma source(%arg8 : memref<128x128xf32, #tpu.memory_space<vmem>>) target(%dma_start3A_45 : memref<128x128xf32, #tpu.memory_space<vmem_shared>>) target_semaphore(%run_scoped3A : memref<!tpu.dma_semaphore, #tpu.memory_space<semaphore_mem>>)
      %dma_wait3A = arith.constant 0 : i32
      %dma_wait3A_46 = tpu.memref_slice %arg9[%add3A_15, %dma_wait3A] : memref<10240x128xf32, #tpu.memory_space<vmem_shared>> -> memref<128x128xf32, #tpu.memory_space<vmem_shared>>
      %dma_wait3A_47 = arith.constant 0 : i32
      %dma_wait3A_48 = tpu.memref_slice %arg9[%add3A_15, %dma_wait3A_47] : memref<10240x128xf32, #tpu.memory_space<vmem_shared>> -> memref<128x128xf32, #tpu.memory_space<vmem_shared>>
      tpu.wait_dma2 semaphore(%run_scoped3A : memref<!tpu.dma_semaphore, #tpu.memory_space<semaphore_mem>>) src(%arg8 : memref<128x128xf32, #tpu.memory_space<vmem>>) dst(%dma_wait3A_48 : memref<128x128xf32, #tpu.memory_space<vmem_shared>>)
      tpu.yield
    }) : () -> ()
    %mul3A_16 = arith.constant 640 : i32
    %mul3A_17 = arith.muli %arg1, %mul3A_16 : i32
    %add3A_18 = arith.constant 256 : i32
    %add3A_19 = arith.addi %mul3A_17, %add3A_18 : i32
    "tpu.region"() ({
      %run_scoped3A = tpu.sem_alloc : memref<!tpu.dma_semaphore, #tpu.memory_space<semaphore_mem>>
      %dma_start3A = arith.constant 0 : i32
      %dma_start3A_43 = tpu.memref_slice %arg9[%add3A_19, %dma_start3A] : memref<10240x128xf32, #tpu.memory_space<vmem_shared>> -> memref<128x128xf32, #tpu.memory_space<vmem_shared>>
      %dma_start3A_44 = arith.constant 0 : i32
      %dma_start3A_45 = tpu.memref_slice %arg9[%add3A_19, %dma_start3A_44] : memref<10240x128xf32, #tpu.memory_space<vmem_shared>> -> memref<128x128xf32, #tpu.memory_space<vmem_shared>>
      tpu.enqueue_dma source(%arg8 : memref<128x128xf32, #tpu.memory_space<vmem>>) target(%dma_start3A_45 : memref<128x128xf32, #tpu.memory_space<vmem_shared>>) target_semaphore(%run_scoped3A : memref<!tpu.dma_semaphore, #tpu.memory_space<semaphore_mem>>)
      %dma_wait3A = arith.constant 0 : i32
      %dma_wait3A_46 = tpu.memref_slice %arg9[%add3A_19, %dma_wait3A] : memref<10240x128xf32, #tpu.memory_space<vmem_shared>> -> memref<128x128xf32, #tpu.memory_space<vmem_shared>>
      %dma_wait3A_47 = arith.constant 0 : i32
      %dma_wait3A_48 = tpu.memref_slice %arg9[%add3A_19, %dma_wait3A_47] : memref<10240x128xf32, #tpu.memory_space<vmem_shared>> -> memref<128x128xf32, #tpu.memory_space<vmem_shared>>
      tpu.wait_dma2 semaphore(%run_scoped3A : memref<!tpu.dma_semaphore, #tpu.memory_space<semaphore_mem>>) src(%arg8 : memref<128x128xf32, #tpu.memory_space<vmem>>) dst(%dma_wait3A_48 : memref<128x128xf32, #tpu.memory_space<vmem_shared>>)
      tpu.yield
    }) : () -> ()
    %mul3A_20 = arith.constant 640 : i32
    %mul3A_21 = arith.muli %arg1, %mul3A_20 : i32
    %add3A_22 = arith.constant 384 : i32
    %add3A_23 = arith.addi %mul3A_21, %add3A_22 : i32
    "tpu.region"() ({
      %run_scoped3A = tpu.sem_alloc : memref<!tpu.dma_semaphore, #tpu.memory_space<semaphore_mem>>
      %dma_start3A = arith.constant 0 : i32
      %dma_start3A_43 = tpu.memref_slice %arg9[%add3A_23, %dma_start3A] : memref<10240x128xf32, #tpu.memory_space<vmem_shared>> -> memref<128x128xf32, #tpu.memory_space<vmem_shared>>
      %dma_start3A_44 = arith.constant 0 : i32
      %dma_start3A_45 = tpu.memref_slice %arg9[%add3A_23, %dma_start3A_44] : memref<10240x128xf32, #tpu.memory_space<vmem_shared>> -> memref<128x128xf32, #tpu.memory_space<vmem_shared>>
      tpu.enqueue_dma source(%arg8 : memref<128x128xf32, #tpu.memory_space<vmem>>) target(%dma_start3A_45 : memref<128x128xf32, #tpu.memory_space<vmem_shared>>) target_semaphore(%run_scoped3A : memref<!tpu.dma_semaphore, #tpu.memory_space<semaphore_mem>>)
      %dma_wait3A = arith.constant 0 : i32
      %dma_wait3A_46 = tpu.memref_slice %arg9[%add3A_23, %dma_wait3A] : memref<10240x128xf32, #tpu.memory_space<vmem_shared>> -> memref<128x128xf32, #tpu.memory_space<vmem_shared>>
      %dma_wait3A_47 = arith.constant 0 : i32
      %dma_wait3A_48 = tpu.memref_slice %arg9[%add3A_23, %dma_wait3A_47] : memref<10240x128xf32, #tpu.memory_space<vmem_shared>> -> memref<128x128xf32, #tpu.memory_space<vmem_shared>>
      tpu.wait_dma2 semaphore(%run_scoped3A : memref<!tpu.dma_semaphore, #tpu.memory_space<semaphore_mem>>) src(%arg8 : memref<128x128xf32, #tpu.memory_space<vmem>>) dst(%dma_wait3A_48 : memref<128x128xf32, #tpu.memory_space<vmem_shared>>)
      tpu.yield
    }) : () -> ()
    %mul3A_24 = arith.constant 640 : i32
    %mul3A_25 = arith.muli %arg1, %mul3A_24 : i32
    %add3A_26 = arith.constant 512 : i32
    %add3A_27 = arith.addi %mul3A_25, %add3A_26 : i32
    "tpu.region"() ({
      %run_scoped3A = tpu.sem_alloc : memref<!tpu.dma_semaphore, #tpu.memory_space<semaphore_mem>>
      %dma_start3A = arith.constant 0 : i32
      %dma_start3A_43 = tpu.memref_slice %arg9[%add3A_27, %dma_start3A] : memref<10240x128xf32, #tpu.memory_space<vmem_shared>> -> memref<128x128xf32, #tpu.memory_space<vmem_shared>>
      %dma_start3A_44 = arith.constant 0 : i32
      %dma_start3A_45 = tpu.memref_slice %arg9[%add3A_27, %dma_start3A_44] : memref<10240x128xf32, #tpu.memory_space<vmem_shared>> -> memref<128x128xf32, #tpu.memory_space<vmem_shared>>
      tpu.enqueue_dma source(%arg8 : memref<128x128xf32, #tpu.memory_space<vmem>>) target(%dma_start3A_45 : memref<128x128xf32, #tpu.memory_space<vmem_shared>>) target_semaphore(%run_scoped3A : memref<!tpu.dma_semaphore, #tpu.memory_space<semaphore_mem>>)
      %dma_wait3A = arith.constant 0 : i32
      %dma_wait3A_46 = tpu.memref_slice %arg9[%add3A_27, %dma_wait3A] : memref<10240x128xf32, #tpu.memory_space<vmem_shared>> -> memref<128x128xf32, #tpu.memory_space<vmem_shared>>
      %dma_wait3A_47 = arith.constant 0 : i32
      %dma_wait3A_48 = tpu.memref_slice %arg9[%add3A_27, %dma_wait3A_47] : memref<10240x128xf32, #tpu.memory_space<vmem_shared>> -> memref<128x128xf32, #tpu.memory_space<vmem_shared>>
      tpu.wait_dma2 semaphore(%run_scoped3A : memref<!tpu.dma_semaphore, #tpu.memory_space<semaphore_mem>>) src(%arg8 : memref<128x128xf32, #tpu.memory_space<vmem>>) dst(%dma_wait3A_48 : memref<128x128xf32, #tpu.memory_space<vmem_shared>>)
      tpu.yield
    }) : () -> ()
    %barrier3A = arith.constant 0 : index
    tpu.barrier barrier_id(%barrier3A)
    %scan3A_28 = arith.constant 0 : i32
    %scan3A_29 = arith.constant 0 : i32
    %scan3A_30 = arith.constant 4 : i32
    %scan3A_31 = arith.addi %scan3A_29, %scan3A_30 : i32
    %scan3A_32 = arith.constant 1 : i32
    %scan3A_33 = scf.for %scan3A_43 = %scan3A_29 to %scan3A_31 step %scan3A_32 iter_args(%scan3A_44 = %scan3A_28) -> (i32)  : i32 {
      "tpu.region"() ({
        %run_scoped3A = tpu.sem_alloc : memref<!tpu.dma_semaphore, #tpu.memory_space<semaphore_mem>>
        %dma_start3A = arith.constant 0 : i32
        %dma_start3A_53 = arith.constant 0 : i32
        %dma_start3A_54 = tpu.memref_slice %arg3[%add3A, %scan3A_43, %dma_start3A, %dma_start3A_53] : memref<32x4x40x128xi32, #tpu.memory_space<hbm>> -> memref<1x1x40x128xi32, #tpu.memory_space<hbm>>
        %dma_start3A_55 = tpu.memref_squeeze %dma_start3A_54 : memref<1x1x40x128xi32, #tpu.memory_space<hbm>> -> memref<40x128xi32, #tpu.memory_space<hbm>>
        %dma_start3A_56 = arith.constant 0 : i32
        %dma_start3A_57 = arith.constant 0 : i32
        %dma_start3A_58 = tpu.memref_slice %arg3[%add3A, %scan3A_43, %dma_start3A_56, %dma_start3A_57] : memref<32x4x40x128xi32, #tpu.memory_space<hbm>> -> memref<1x1x40x128xi32, #tpu.memory_space<hbm>>
        %dma_start3A_59 = tpu.memref_squeeze %dma_start3A_58 : memref<1x1x40x128xi32, #tpu.memory_space<hbm>> -> memref<40x128xi32, #tpu.memory_space<hbm>>
        tpu.enqueue_dma source(%dma_start3A_59 : memref<40x128xi32, #tpu.memory_space<hbm>>) target(%arg6 : memref<40x128xi32, #tpu.memory_space<vmem>>) target_semaphore(%run_scoped3A : memref<!tpu.dma_semaphore, #tpu.memory_space<semaphore_mem>>)
        %dma_wait3A = arith.constant 0 : i32
        %dma_wait3A_60 = arith.constant 0 : i32
        %dma_wait3A_61 = tpu.memref_slice %arg3[%add3A, %scan3A_43, %dma_wait3A, %dma_wait3A_60] : memref<32x4x40x128xi32, #tpu.memory_space<hbm>> -> memref<1x1x40x128xi32, #tpu.memory_space<hbm>>
        %dma_wait3A_62 = tpu.memref_squeeze %dma_wait3A_61 : memref<1x1x40x128xi32, #tpu.memory_space<hbm>> -> memref<40x128xi32, #tpu.memory_space<hbm>>
        %dma_wait3A_63 = arith.constant 0 : i32
        %dma_wait3A_64 = arith.constant 0 : i32
        %dma_wait3A_65 = tpu.memref_slice %arg3[%add3A, %scan3A_43, %dma_wait3A_63, %dma_wait3A_64] : memref<32x4x40x128xi32, #tpu.memory_space<hbm>> -> memref<1x1x40x128xi32, #tpu.memory_space<hbm>>
        %dma_wait3A_66 = tpu.memref_squeeze %dma_wait3A_65 : memref<1x1x40x128xi32, #tpu.memory_space<hbm>> -> memref<40x128xi32, #tpu.memory_space<hbm>>
        tpu.wait_dma2 semaphore(%run_scoped3A : memref<!tpu.dma_semaphore, #tpu.memory_space<semaphore_mem>>) src(%dma_wait3A_66 : memref<40x128xi32, #tpu.memory_space<hbm>>) dst(%arg6 : memref<40x128xi32, #tpu.memory_space<vmem>>)
        tpu.yield
      }) : () -> ()
      "tpu.region"() ({
        %run_scoped3A = tpu.sem_alloc : memref<!tpu.dma_semaphore, #tpu.memory_space<semaphore_mem>>
        %dma_start3A = arith.constant 0 : i32
        %dma_start3A_53 = arith.constant 0 : i32
        %dma_start3A_54 = tpu.memref_slice %arg4[%arg1, %scan3A_43, %dma_start3A, %dma_start3A_53] : memref<16x4x40x128xi32, #tpu.memory_space<hbm>> -> memref<1x1x40x128xi32, #tpu.memory_space<hbm>>
        %dma_start3A_55 = tpu.memref_squeeze %dma_start3A_54 : memref<1x1x40x128xi32, #tpu.memory_space<hbm>> -> memref<40x128xi32, #tpu.memory_space<hbm>>
        %dma_start3A_56 = arith.constant 0 : i32
        %dma_start3A_57 = arith.constant 0 : i32
        %dma_start3A_58 = tpu.memref_slice %arg4[%arg1, %scan3A_43, %dma_start3A_56, %dma_start3A_57] : memref<16x4x40x128xi32, #tpu.memory_space<hbm>> -> memref<1x1x40x128xi32, #tpu.memory_space<hbm>>
        %dma_start3A_59 = tpu.memref_squeeze %dma_start3A_58 : memref<1x1x40x128xi32, #tpu.memory_space<hbm>> -> memref<40x128xi32, #tpu.memory_space<hbm>>
        tpu.enqueue_dma source(%dma_start3A_59 : memref<40x128xi32, #tpu.memory_space<hbm>>) target(%arg7 : memref<40x128xi32, #tpu.memory_space<vmem>>) target_semaphore(%run_scoped3A : memref<!tpu.dma_semaphore, #tpu.memory_space<semaphore_mem>>)
        %dma_wait3A = arith.constant 0 : i32
        %dma_wait3A_60 = arith.constant 0 : i32
        %dma_wait3A_61 = tpu.memref_slice %arg4[%arg1, %scan3A_43, %dma_wait3A, %dma_wait3A_60] : memref<16x4x40x128xi32, #tpu.memory_space<hbm>> -> memref<1x1x40x128xi32, #tpu.memory_space<hbm>>
        %dma_wait3A_62 = tpu.memref_squeeze %dma_wait3A_61 : memref<1x1x40x128xi32, #tpu.memory_space<hbm>> -> memref<40x128xi32, #tpu.memory_space<hbm>>
        %dma_wait3A_63 = arith.constant 0 : i32
        %dma_wait3A_64 = arith.constant 0 : i32
        %dma_wait3A_65 = tpu.memref_slice %arg4[%arg1, %scan3A_43, %dma_wait3A_63, %dma_wait3A_64] : memref<16x4x40x128xi32, #tpu.memory_space<hbm>> -> memref<1x1x40x128xi32, #tpu.memory_space<hbm>>
        %dma_wait3A_66 = tpu.memref_squeeze %dma_wait3A_65 : memref<1x1x40x128xi32, #tpu.memory_space<hbm>> -> memref<40x128xi32, #tpu.memory_space<hbm>>
        tpu.wait_dma2 semaphore(%run_scoped3A : memref<!tpu.dma_semaphore, #tpu.memory_space<semaphore_mem>>) src(%dma_wait3A_66 : memref<40x128xi32, #tpu.memory_space<hbm>>) dst(%arg7 : memref<40x128xi32, #tpu.memory_space<vmem>>)
        tpu.yield
      }) : () -> ()
      %scan3A_45 = arith.constant 0 : i32
      %scan3A_46 = arith.constant 0 : i32
      %scan3A_47 = arith.constant 40 : i32
      %scan3A_48 = arith.addi %scan3A_46, %scan3A_47 : i32
      %scan3A_49 = arith.constant 1 : i32
      %scan3A_50 = scf.for %scan3A_53 = %scan3A_46 to %scan3A_48 step %scan3A_49 iter_args(%scan3A_54 = %scan3A_45) -> (i32)  : i32 {
        %dma_start3A = arith.constant 0 : i32
        %dma_start3A_55 = tpu.memref_slice %arg6[%scan3A_53, %dma_start3A] : memref<40x128xi32, #tpu.memory_space<vmem>> -> memref<1x128xi32, #tpu.memory_space<vmem>>
        %dma_start3A_56 = tpu.memref_squeeze %dma_start3A_55 : memref<1x128xi32, #tpu.memory_space<vmem>> -> memref<128xi32, #tpu.memory_space<vmem>>
        %dma_start3A_57 = arith.constant 0 : i32
        %dma_start3A_58 = arith.constant 0 : i32
        %dma_start3A_59 = tpu.memref_slice %arg2[%dma_start3A_57, %dma_start3A_58] : memref<20480x128xf32, #tpu.memory_space<hbm>> -> memref<20480x128xf32, #tpu.memory_space<hbm>>
        tpu.enqueue_indirect_dma source(%dma_start3A_59 : memref<20480x128xf32, #tpu.memory_space<hbm>>) target(%arg8 : memref<128x128xf32, #tpu.memory_space<vmem>>) offsets(%dma_start3A_56 : memref<128xi32, #tpu.memory_space<vmem>>) semaphore(%arg10 : memref<!tpu.dma_semaphore, #tpu.memory_space<semaphore_mem>>)
        %dma_wait3A = arith.constant 0 : i32
        %dma_wait3A_60 = tpu.memref_slice %arg6[%scan3A_53, %dma_wait3A] : memref<40x128xi32, #tpu.memory_space<vmem>> -> memref<1x128xi32, #tpu.memory_space<vmem>>
        %dma_wait3A_61 = tpu.memref_squeeze %dma_wait3A_60 : memref<1x128xi32, #tpu.memory_space<vmem>> -> memref<128xi32, #tpu.memory_space<vmem>>
        %dma_wait3A_62 = arith.constant 0 : i32
        %dma_wait3A_63 = arith.constant 0 : i32
        %dma_wait3A_64 = tpu.memref_slice %arg2[%dma_wait3A_62, %dma_wait3A_63] : memref<20480x128xf32, #tpu.memory_space<hbm>> -> memref<20480x128xf32, #tpu.memory_space<hbm>>
        tpu.wait_indirect_dma semaphore(%arg10 : memref<!tpu.dma_semaphore, #tpu.memory_space<semaphore_mem>>) src(%dma_wait3A_64 : memref<20480x128xf32, #tpu.memory_space<hbm>>) dst(%arg8 : memref<128x128xf32, #tpu.memory_space<vmem>>)
        "tpu.region"() ({
          %run_scoped3A = tpu.sem_alloc : memref<!tpu.dma_semaphore, #tpu.memory_space<semaphore_mem>>
          %dma_start3A_66 = arith.constant 0 : i32
          %dma_start3A_67 = tpu.memref_slice %arg7[%scan3A_53, %dma_start3A_66] : memref<40x128xi32, #tpu.memory_space<vmem>> -> memref<1x128xi32, #tpu.memory_space<vmem>>
          %dma_start3A_68 = tpu.memref_squeeze %dma_start3A_67 : memref<1x128xi32, #tpu.memory_space<vmem>> -> memref<128xi32, #tpu.memory_space<vmem>>
          %dma_start3A_69 = arith.constant 0 : i32
          %dma_start3A_70 = arith.constant 0 : i32
          %dma_start3A_71 = tpu.memref_slice %arg9[%dma_start3A_69, %dma_start3A_70] : memref<10240x128xf32, #tpu.memory_space<vmem_shared>> -> memref<10240x128xf32, #tpu.memory_space<vmem_shared>>
          tpu.enqueue_indirect_dma source(%arg8 : memref<128x128xf32, #tpu.memory_space<vmem>>) target(%dma_start3A_71 : memref<10240x128xf32, #tpu.memory_space<vmem_shared>>) offsets(%dma_start3A_68 : memref<128xi32, #tpu.memory_space<vmem>>) semaphore(%run_scoped3A : memref<!tpu.dma_semaphore, #tpu.memory_space<semaphore_mem>>) {add = true}
          %dma_wait3A_72 = arith.constant 0 : i32
          %dma_wait3A_73 = tpu.memref_slice %arg7[%scan3A_53, %dma_wait3A_72] : memref<40x128xi32, #tpu.memory_space<vmem>> -> memref<1x128xi32, #tpu.memory_space<vmem>>
          %dma_wait3A_74 = tpu.memref_squeeze %dma_wait3A_73 : memref<1x128xi32, #tpu.memory_space<vmem>> -> memref<128xi32, #tpu.memory_space<vmem>>
          %dma_wait3A_75 = arith.constant 0 : i32
          %dma_wait3A_76 = arith.constant 0 : i32
          %dma_wait3A_77 = tpu.memref_slice %arg9[%dma_wait3A_75, %dma_wait3A_76] : memref<10240x128xf32, #tpu.memory_space<vmem_shared>> -> memref<10240x128xf32, #tpu.memory_space<vmem_shared>>
          tpu.wait_indirect_dma semaphore(%run_scoped3A : memref<!tpu.dma_semaphore, #tpu.memory_space<semaphore_mem>>) src(%arg8 : memref<128x128xf32, #tpu.memory_space<vmem>>) dst(%dma_wait3A_77 : memref<10240x128xf32, #tpu.memory_space<vmem_shared>>)
          tpu.yield
        }) : () -> ()
        %scan3A_65 = arith.constant 0 : i32
        scf.yield %scan3A_65 : i32
      }
      %scan3A_51 = arith.constant 40 : i32
      %scan3A_52 = arith.constant 0 : i32
      scf.yield %scan3A_52 : i32
    }
    %scan3A_34 = arith.constant 4 : i32
    %barrier3A_35 = arith.constant 0 : index
    tpu.barrier barrier_id(%barrier3A_35)
    %mul3A_36 = arith.constant 640 : i32
    %mul3A_37 = arith.muli %arg1, %mul3A_36 : i32
    %mul3A_38 = arith.constant 10240 : i32
    %mul3A_39 = arith.muli %arg0, %mul3A_38 : i32
    %mul3A_40 = arith.constant 640 : i32
    %mul3A_41 = arith.muli %arg1, %mul3A_40 : i32
    %add3A_42 = arith.addi %mul3A_39, %mul3A_41 : i32
    "tpu.region"() ({
      %run_scoped3A = tpu.sem_alloc : memref<!tpu.dma_semaphore, #tpu.memory_space<semaphore_mem>>
      %dma_start3A = arith.constant 0 : i32
      %dma_start3A_43 = tpu.memref_slice %arg5[%add3A_42, %dma_start3A] : memref<20480x128xf32, #tpu.memory_space<hbm>> -> memref<640x128xf32, #tpu.memory_space<hbm>>
      %dma_start3A_44 = arith.constant 0 : i32
      %dma_start3A_45 = tpu.memref_slice %arg9[%mul3A_37, %dma_start3A_44] : memref<10240x128xf32, #tpu.memory_space<vmem_shared>> -> memref<640x128xf32, #tpu.memory_space<vmem_shared>>
      tpu.enqueue_dma source(%dma_start3A_45 : memref<640x128xf32, #tpu.memory_space<vmem_shared>>) target(%dma_start3A_43 : memref<640x128xf32, #tpu.memory_space<hbm>>) target_semaphore(%run_scoped3A : memref<!tpu.dma_semaphore, #tpu.memory_space<semaphore_mem>>)
      %dma_wait3A = arith.constant 0 : i32
      %dma_wait3A_46 = tpu.memref_slice %arg5[%add3A_42, %dma_wait3A] : memref<20480x128xf32, #tpu.memory_space<hbm>> -> memref<640x128xf32, #tpu.memory_space<hbm>>
      %dma_wait3A_47 = arith.constant 0 : i32
      %dma_wait3A_48 = tpu.memref_slice %arg9[%mul3A_37, %dma_wait3A_47] : memref<10240x128xf32, #tpu.memory_space<vmem_shared>> -> memref<640x128xf32, #tpu.memory_space<vmem_shared>>
      tpu.wait_dma2 semaphore(%run_scoped3A : memref<!tpu.dma_semaphore, #tpu.memory_space<semaphore_mem>>) src(%dma_wait3A_48 : memref<640x128xf32, #tpu.memory_space<vmem_shared>>) dst(%dma_wait3A_46 : memref<640x128xf32, #tpu.memory_space<hbm>>)
      tpu.yield
    }) : () -> ()
    return
  }
}

module attributes {stable_mosaic.version = 14 : i64} {
  func.func @_embed_body(%arg0: i32, %arg1: memref<512x128xf32, #tpu.memory_space<vmem>>, %arg2: memref<128x256xf32, #tpu.memory_space<vmem>>, %arg3: memref<1x256xf32, #tpu.memory_space<vmem>>, %arg4: memref<256x256xf32, #tpu.memory_space<vmem>>, %arg5: memref<2x512x128xf32, #tpu.memory_space<vmem>>, %arg6: memref<2x512x128xf32, #tpu.memory_space<vmem>>) attributes {dimension_semantics = [#tpu.dimension_semantics<arbitrary>], iteration_bounds = array<i64: 20>, scalar_prefetch = 0 : i64, scratch_operands = 0 : i64, tpu.core_type = #tpu.core_type<tc>, window_params = [{transform_indices = @transform_0, window_bounds = array<i64: 512, 128>}, {pipeline_mode = #tpu.pipeline_mode<synchronous>, transform_indices = @transform_1, window_bounds = array<i64: 128, 256>}, {pipeline_mode = #tpu.pipeline_mode<synchronous>, transform_indices = @transform_2, window_bounds = array<i64: 1, 256>}, {pipeline_mode = #tpu.pipeline_mode<synchronous>, transform_indices = @transform_3, window_bounds = array<i64: 256, 256>}, {transform_indices = @transform_4, window_bounds = array<i64: 2, 512, 128>}, {transform_indices = @transform_5, window_bounds = array<i64: 2, 512, 128>}]} {
    %get3A = arith.constant 0 : index
    %get3A_0 = arith.constant 0 : index
    %get3A_1 = arith.constant 0 : index
    %get3A_2 = vector.load %arg5[%get3A, %get3A_0, %get3A_1] : memref<2x512x128xf32, #tpu.memory_space<vmem>>, vector<2x512x1xf32>
    %reduce_sum3A = arith.constant dense<0.000000e+00> : vector<512x1xf32>
    %reduce_sum3A_3 = vector.multi_reduction <add>, %get3A_2, %reduce_sum3A [0] : vector<2x512x1xf32> to vector<512x1xf32>
    %add3A = arith.constant 1.000000e+00 : f32
    %add3A_4 = vector.broadcast %add3A : f32 to vector<512x1xf32>
    %add3A_5 = arith.addf %add3A_4, %reduce_sum3A_3 : vector<512x1xf32>
    %max3A = arith.constant 1.000000e+00 : f32
    %max3A_6 = vector.broadcast %max3A : f32 to vector<512x1xf32>
    %max3A_7 = arith.maximumf %add3A_5, %max3A_6 : vector<512x1xf32>
    %rsqrt3A = math.rsqrt %max3A_7 : vector<512x1xf32>
    %get3A_8 = arith.constant 0 : index
    %get3A_9 = arith.constant 0 : index
    %get3A_10 = vector.load %arg1[%get3A_8, %get3A_9] : memref<512x128xf32, #tpu.memory_space<vmem>>, vector<512x128xf32>
    %get3A_11 = arith.constant 0 : index
    %get3A_12 = arith.constant 0 : index
    %get3A_13 = vector.load %arg2[%get3A_11, %get3A_12] : memref<128x256xf32, #tpu.memory_space<vmem>>, vector<128x256xf32>
    %dot_general3A = arith.constant dense<0.000000e+00> : vector<512x256xf32>
    %dot_general3A_14 = tpu.matmul %get3A_10, %get3A_13, %dot_general3A {dimension_numbers = #tpu.dot_dimension_numbers<[1], [0], [0], [1], [0, 0, 1, 1], [], []>, precision = #tpu.contract_precision<fp32>, transpose_lhs_hint = false} : vector<512x128xf32>, vector<128x256xf32>, vector<512x256xf32> -> vector<512x256xf32>
    %get3A_15 = arith.constant 0 : index
    %get3A_16 = arith.constant 0 : index
    %get3A_17 = vector.load %arg3[%get3A_15, %get3A_16] : memref<1x256xf32, #tpu.memory_space<vmem>>, vector<1x256xf32>
    %add3A_18 = vector.broadcast %get3A_17 : vector<1x256xf32> to vector<512x256xf32>
    %add3A_19 = arith.addf %dot_general3A_14, %add3A_18 : vector<512x256xf32>
    %get3A_20 = arith.constant 0 : index
    %get3A_21 = arith.constant 0 : index
    %get3A_22 = vector.load %arg4[%get3A_20, %get3A_21] : memref<256x256xf32, #tpu.memory_space<vmem>>, vector<256x256xf32>
    %dot_general3A_23 = arith.constant dense<0.000000e+00> : vector<512x256xf32>
    %dot_general3A_24 = tpu.matmul %add3A_19, %get3A_22, %dot_general3A_23 {dimension_numbers = #tpu.dot_dimension_numbers<[1], [0], [0], [1], [0, 0, 1, 1], [], []>, precision = #tpu.contract_precision<fp32>, transpose_lhs_hint = false} : vector<512x256xf32>, vector<256x256xf32>, vector<512x256xf32> -> vector<512x256xf32>
    %mul3A = vector.broadcast %rsqrt3A : vector<512x1xf32> to vector<512x256xf32>
    %mul3A_25 = arith.mulf %dot_general3A_24, %mul3A : vector<512x256xf32>
    %slice3A = vector.extract_strided_slice %mul3A_25 {offsets = [0, 0], sizes = [512, 128], strides = [1, 1]} : vector<512x256xf32> to vector<512x128xf32>
    %swap3A = arith.constant 0 : index
    %swap3A_26 = arith.constant 0 : index
    %swap3A_27 = arith.constant 0 : index
    %swap3A_28 = vector.load %arg6[%swap3A, %swap3A_26, %swap3A_27] : memref<2x512x128xf32, #tpu.memory_space<vmem>>, vector<1x512x128xf32>
    %swap3A_29 = vector.shape_cast %swap3A_28 : vector<1x512x128xf32> to vector<512x128xf32>
    %swap3A_30 = vector.shape_cast %slice3A : vector<512x128xf32> to vector<1x512x128xf32>
    tpu.vector_store %arg6[%swap3A, %swap3A_26, %swap3A_27], %swap3A_30 {strides = array<i32>} : memref<2x512x128xf32, #tpu.memory_space<vmem>>, vector<1x512x128xf32>,
    %slice3A_31 = vector.extract_strided_slice %mul3A_25 {offsets = [0, 128], sizes = [512, 128], strides = [1, 1]} : vector<512x256xf32> to vector<512x128xf32>
    %swap3A_32 = arith.constant 1 : index
    %swap3A_33 = arith.constant 0 : index
    %swap3A_34 = arith.constant 0 : index
    %swap3A_35 = vector.load %arg6[%swap3A_32, %swap3A_33, %swap3A_34] : memref<2x512x128xf32, #tpu.memory_space<vmem>>, vector<1x512x128xf32>
    %swap3A_36 = vector.shape_cast %swap3A_35 : vector<1x512x128xf32> to vector<512x128xf32>
    %swap3A_37 = vector.shape_cast %slice3A_31 : vector<512x128xf32> to vector<1x512x128xf32>
    tpu.vector_store %arg6[%swap3A_32, %swap3A_33, %swap3A_34], %swap3A_37 {strides = array<i32>} : memref<2x512x128xf32, #tpu.memory_space<vmem>>, vector<1x512x128xf32>,
    return
  }
  func.func @transform_0(%arg0: i32) -> (i32, i32) {
    %c0_i32 = arith.constant 0 : i32
    %c0_i32_0 = arith.constant 0 : i32
    return %arg0, %c0_i32 : i32, i32
  }
  func.func @transform_1(%arg0: i32) -> (i32, i32) {
    %c0_i32 = arith.constant 0 : i32
    %c0_i32_0 = arith.constant 0 : i32
    %c0_i32_1 = arith.constant 0 : i32
    return %c0_i32, %c0_i32_0 : i32, i32
  }
  func.func @transform_2(%arg0: i32) -> (i32, i32) {
    %c0_i32 = arith.constant 0 : i32
    %c0_i32_0 = arith.constant 0 : i32
    %c0_i32_1 = arith.constant 0 : i32
    return %c0_i32, %c0_i32_0 : i32, i32
  }
  func.func @transform_3(%arg0: i32) -> (i32, i32) {
    %c0_i32 = arith.constant 0 : i32
    %c0_i32_0 = arith.constant 0 : i32
    %c0_i32_1 = arith.constant 0 : i32
    return %c0_i32, %c0_i32_0 : i32, i32
  }
  func.func @transform_4(%arg0: i32) -> (i32, i32, i32) {
    %c0_i32 = arith.constant 0 : i32
    %c0_i32_0 = arith.constant 0 : i32
    %c0_i32_1 = arith.constant 0 : i32
    return %c0_i32, %arg0, %c0_i32_0 : i32, i32, i32
  }
  func.func @transform_5(%arg0: i32) -> (i32, i32, i32) {
    %c0_i32 = arith.constant 0 : i32
    %c0_i32_0 = arith.constant 0 : i32
    %c0_i32_1 = arith.constant 0 : i32
    return %c0_i32, %arg0, %c0_i32_0 : i32, i32, i32
  }
}

module attributes {stable_mosaic.version = 14 : i64} {
  func.func @_mid_body(%arg0: i32, %arg1: memref<2x512x128xf32, #tpu.memory_space<vmem>>, %arg2: memref<2x512x128xf32, #tpu.memory_space<vmem>>, %arg3: memref<2x512x128xf32, #tpu.memory_space<vmem>>, %arg4: memref<1x256xf32, #tpu.memory_space<vmem>>, %arg5: memref<256x256xf32, #tpu.memory_space<vmem>>, %arg6: memref<2x512x128xf32, #tpu.memory_space<vmem>>) attributes {dimension_semantics = [#tpu.dimension_semantics<arbitrary>], iteration_bounds = array<i64: 20>, scalar_prefetch = 0 : i64, scratch_operands = 0 : i64, tpu.core_type = #tpu.core_type<tc>, window_params = [{transform_indices = @transform_0, window_bounds = array<i64: 2, 512, 128>}, {transform_indices = @transform_1, window_bounds = array<i64: 2, 512, 128>}, {transform_indices = @transform_2, window_bounds = array<i64: 2, 512, 128>}, {pipeline_mode = #tpu.pipeline_mode<synchronous>, transform_indices = @transform_3, window_bounds = array<i64: 1, 256>}, {pipeline_mode = #tpu.pipeline_mode<synchronous>, transform_indices = @transform_4, window_bounds = array<i64: 256, 256>}, {transform_indices = @transform_5, window_bounds = array<i64: 2, 512, 128>}]} {
    %get3A = arith.constant 0 : index
    %get3A_0 = arith.constant 0 : index
    %get3A_1 = arith.constant 0 : index
    %get3A_2 = vector.load %arg3[%get3A, %get3A_0, %get3A_1] : memref<2x512x128xf32, #tpu.memory_space<vmem>>, vector<2x512x1xf32>
    %reduce_sum3A = arith.constant dense<0.000000e+00> : vector<512x1xf32>
    %reduce_sum3A_3 = vector.multi_reduction <add>, %get3A_2, %reduce_sum3A [0] : vector<2x512x1xf32> to vector<512x1xf32>
    %add3A = arith.constant 1.000000e+00 : f32
    %add3A_4 = vector.broadcast %add3A : f32 to vector<512x1xf32>
    %add3A_5 = arith.addf %add3A_4, %reduce_sum3A_3 : vector<512x1xf32>
    %max3A = arith.constant 1.000000e+00 : f32
    %max3A_6 = vector.broadcast %max3A : f32 to vector<512x1xf32>
    %max3A_7 = arith.maximumf %add3A_5, %max3A_6 : vector<512x1xf32>
    %rsqrt3A = math.rsqrt %max3A_7 : vector<512x1xf32>
    %get3A_8 = arith.constant 0 : index
    %get3A_9 = arith.constant 0 : index
    %get3A_10 = arith.constant 0 : index
    %get3A_11 = vector.load %arg1[%get3A_8, %get3A_9, %get3A_10] : memref<2x512x128xf32, #tpu.memory_space<vmem>>, vector<1x512x128xf32>
    %get3A_12 = vector.shape_cast %get3A_11 : vector<1x512x128xf32> to vector<512x128xf32>
    %get3A_13 = arith.constant 0 : index
    %get3A_14 = arith.constant 0 : index
    %get3A_15 = arith.constant 0 : index
    %get3A_16 = vector.load %arg2[%get3A_13, %get3A_14, %get3A_15] : memref<2x512x128xf32, #tpu.memory_space<vmem>>, vector<1x512x128xf32>
    %get3A_17 = vector.shape_cast %get3A_16 : vector<1x512x128xf32> to vector<512x128xf32>
    %add3A_18 = arith.addf %get3A_12, %get3A_17 : vector<512x128xf32>
    %get3A_19 = arith.constant 1 : index
    %get3A_20 = arith.constant 0 : index
    %get3A_21 = arith.constant 0 : index
    %get3A_22 = vector.load %arg1[%get3A_19, %get3A_20, %get3A_21] : memref<2x512x128xf32, #tpu.memory_space<vmem>>, vector<1x512x128xf32>
    %get3A_23 = vector.shape_cast %get3A_22 : vector<1x512x128xf32> to vector<512x128xf32>
    %get3A_24 = arith.constant 1 : index
    %get3A_25 = arith.constant 0 : index
    %get3A_26 = arith.constant 0 : index
    %get3A_27 = vector.load %arg2[%get3A_24, %get3A_25, %get3A_26] : memref<2x512x128xf32, #tpu.memory_space<vmem>>, vector<1x512x128xf32>
    %get3A_28 = vector.shape_cast %get3A_27 : vector<1x512x128xf32> to vector<512x128xf32>
    %add3A_29 = arith.addf %get3A_23, %get3A_28 : vector<512x128xf32>
    %concatenate3A = tpu.concatenate %add3A_18, %add3A_29 in 1 : vector<512x128xf32>, vector<512x128xf32> -> vector<512x256xf32>
    %mul3A = vector.broadcast %rsqrt3A : vector<512x1xf32> to vector<512x256xf32>
    %mul3A_30 = arith.mulf %concatenate3A, %mul3A : vector<512x256xf32>
    %get3A_31 = arith.constant 0 : index
    %get3A_32 = arith.constant 0 : index
    %get3A_33 = vector.load %arg4[%get3A_31, %get3A_32] : memref<1x256xf32, #tpu.memory_space<vmem>>, vector<1x256xf32>
    %add3A_34 = vector.broadcast %get3A_33 : vector<1x256xf32> to vector<512x256xf32>
    %add3A_35 = arith.addf %mul3A_30, %add3A_34 : vector<512x256xf32>
    %max3A_36 = arith.constant 0.000000e+00 : f32
    %max3A_37 = vector.broadcast %max3A_36 : f32 to vector<512x256xf32>
    %max3A_38 = arith.maximumf %add3A_35, %max3A_37 : vector<512x256xf32>
    %get3A_39 = arith.constant 0 : index
    %get3A_40 = arith.constant 0 : index
    %get3A_41 = vector.load %arg5[%get3A_39, %get3A_40] : memref<256x256xf32, #tpu.memory_space<vmem>>, vector<256x256xf32>
    %dot_general3A = arith.constant dense<0.000000e+00> : vector<512x256xf32>
    %dot_general3A_42 = tpu.matmul %max3A_38, %get3A_41, %dot_general3A {dimension_numbers = #tpu.dot_dimension_numbers<[1], [0], [0], [1], [0, 0, 1, 1], [], []>, precision = #tpu.contract_precision<fp32>, transpose_lhs_hint = false} : vector<512x256xf32>, vector<256x256xf32>, vector<512x256xf32> -> vector<512x256xf32>
    %mul3A_43 = vector.broadcast %rsqrt3A : vector<512x1xf32> to vector<512x256xf32>
    %mul3A_44 = arith.mulf %dot_general3A_42, %mul3A_43 : vector<512x256xf32>
    %slice3A = vector.extract_strided_slice %mul3A_44 {offsets = [0, 0], sizes = [512, 128], strides = [1, 1]} : vector<512x256xf32> to vector<512x128xf32>
    %swap3A = arith.constant 0 : index
    %swap3A_45 = arith.constant 0 : index
    %swap3A_46 = arith.constant 0 : index
    %swap3A_47 = vector.load %arg6[%swap3A, %swap3A_45, %swap3A_46] : memref<2x512x128xf32, #tpu.memory_space<vmem>>, vector<1x512x128xf32>
    %swap3A_48 = vector.shape_cast %swap3A_47 : vector<1x512x128xf32> to vector<512x128xf32>
    %swap3A_49 = vector.shape_cast %slice3A : vector<512x128xf32> to vector<1x512x128xf32>
    tpu.vector_store %arg6[%swap3A, %swap3A_45, %swap3A_46], %swap3A_49 {strides = array<i32>} : memref<2x512x128xf32, #tpu.memory_space<vmem>>, vector<1x512x128xf32>,
    %slice3A_50 = vector.extract_strided_slice %mul3A_44 {offsets = [0, 128], sizes = [512, 128], strides = [1, 1]} : vector<512x256xf32> to vector<512x128xf32>
    %swap3A_51 = arith.constant 1 : index
    %swap3A_52 = arith.constant 0 : index
    %swap3A_53 = arith.constant 0 : index
    %swap3A_54 = vector.load %arg6[%swap3A_51, %swap3A_52, %swap3A_53] : memref<2x512x128xf32, #tpu.memory_space<vmem>>, vector<1x512x128xf32>
    %swap3A_55 = vector.shape_cast %swap3A_54 : vector<1x512x128xf32> to vector<512x128xf32>
    %swap3A_56 = vector.shape_cast %slice3A_50 : vector<512x128xf32> to vector<1x512x128xf32>
    tpu.vector_store %arg6[%swap3A_51, %swap3A_52, %swap3A_53], %swap3A_56 {strides = array<i32>} : memref<2x512x128xf32, #tpu.memory_space<vmem>>, vector<1x512x128xf32>,
    return
  }
  func.func @transform_0(%arg0: i32) -> (i32, i32, i32) {
    %c0_i32 = arith.constant 0 : i32
    %c0_i32_0 = arith.constant 0 : i32
    %c0_i32_1 = arith.constant 0 : i32
    return %c0_i32, %arg0, %c0_i32_0 : i32, i32, i32
  }
  func.func @transform_1(%arg0: i32) -> (i32, i32, i32) {
    %c0_i32 = arith.constant 0 : i32
    %c0_i32_0 = arith.constant 0 : i32
    %c0_i32_1 = arith.constant 0 : i32
    return %c0_i32, %arg0, %c0_i32_0 : i32, i32, i32
  }
  func.func @transform_2(%arg0: i32) -> (i32, i32, i32) {
    %c0_i32 = arith.constant 0 : i32
    %c0_i32_0 = arith.constant 0 : i32
    %c0_i32_1 = arith.constant 0 : i32
    return %c0_i32, %arg0, %c0_i32_0 : i32, i32, i32
  }
  func.func @transform_3(%arg0: i32) -> (i32, i32) {
    %c0_i32 = arith.constant 0 : i32
    %c0_i32_0 = arith.constant 0 : i32
    %c0_i32_1 = arith.constant 0 : i32
    return %c0_i32, %c0_i32_0 : i32, i32
  }
  func.func @transform_4(%arg0: i32) -> (i32, i32) {
    %c0_i32 = arith.constant 0 : i32
    %c0_i32_0 = arith.constant 0 : i32
    %c0_i32_1 = arith.constant 0 : i32
    return %c0_i32, %c0_i32_0 : i32, i32
  }
  func.func @transform_5(%arg0: i32) -> (i32, i32, i32) {
    %c0_i32 = arith.constant 0 : i32
    %c0_i32_0 = arith.constant 0 : i32
    %c0_i32_1 = arith.constant 0 : i32
    return %c0_i32, %arg0, %c0_i32_0 : i32, i32, i32
  }
}

module attributes {stable_mosaic.version = 14 : i64} {
  func.func @_tail_body(%arg0: i32, %arg1: memref<2x512x128xf32, #tpu.memory_space<vmem>>, %arg2: memref<2x512x128xf32, #tpu.memory_space<vmem>>, %arg3: memref<2x512x128xf32, #tpu.memory_space<vmem>>, %arg4: memref<1x256xf32, #tpu.memory_space<vmem>>, %arg5: memref<1x1x512xi32, #tpu.memory_space<vmem>>, %arg6: memref<256x128xf32, #tpu.memory_space<vmem>>, %arg7: memref<1x128xf32, #tpu.memory_space<vmem>>, %arg8: memref<128x1xf32, #tpu.memory_space<vmem>>, %arg9: memref<1x1xf32, #tpu.memory_space<vmem>>, %arg10: memref<256x1xf32, #tpu.memory_space<vmem>>, %arg11: memref<256x256xf32, #tpu.memory_space<vmem>>, %arg12: memref<256x1xf32, #tpu.memory_space<vmem>>) attributes {dimension_semantics = [#tpu.dimension_semantics<arbitrary>], iteration_bounds = array<i64: 20>, scalar_prefetch = 0 : i64, scratch_operands = 2 : i64, tpu.core_type = #tpu.core_type<tc>, window_params = [{transform_indices = @transform_0, window_bounds = array<i64: 2, 512, 128>}, {transform_indices = @transform_1, window_bounds = array<i64: 2, 512, 128>}, {transform_indices = @transform_2, window_bounds = array<i64: 2, 512, 128>}, {pipeline_mode = #tpu.pipeline_mode<synchronous>, transform_indices = @transform_3, window_bounds = array<i64: 1, 256>}, {transform_indices = @transform_4, window_bounds = array<i64: 1, 1, 512>}, {pipeline_mode = #tpu.pipeline_mode<synchronous>, transform_indices = @transform_5, window_bounds = array<i64: 256, 128>}, {pipeline_mode = #tpu.pipeline_mode<synchronous>, transform_indices = @transform_6, window_bounds = array<i64: 1, 128>}, {pipeline_mode = #tpu.pipeline_mode<synchronous>, transform_indices = @transform_7, window_bounds = array<i64: 128, 1>}, {pipeline_mode = #tpu.pipeline_mode<synchronous>, transform_indices = @transform_8, window_bounds = array<i64: 1, 1>}, {pipeline_mode = #tpu.pipeline_mode<synchronous>, transform_indices = @transform_9, window_bounds = array<i64: 256, 1>}]} {
    %eq3A = arith.constant 0 : i32
    %eq3A_0 = arith.cmpi eq, %arg0, %eq3A : i32
    %convert_element_type3A = arith.extui %eq3A_0 : i1 to i32
    %cond3A = arith.constant 0 : i32
    %cond3A_1 = arith.cmpi ne, %convert_element_type3A, %cond3A : i32
    scf.if %cond3A_1 {
      %broadcast_in_dim3A_68 = arith.constant 0.000000e+00 : f32
      %broadcast_in_dim3A_69 = vector.broadcast %broadcast_in_dim3A_68 : f32 to vector<256x256xf32>
      %swap3A_70 = arith.constant 0 : index
      %swap3A_71 = arith.constant 0 : index
      %swap3A_72 = vector.load %arg11[%swap3A_70, %swap3A_71] : memref<256x256xf32, #tpu.memory_space<vmem>>, vector<256x256xf32>
      tpu.vector_store %arg11[%swap3A_70, %swap3A_71], %broadcast_in_dim3A_69 {strides = array<i32>} : memref<256x256xf32, #tpu.memory_space<vmem>>, vector<256x256xf32>,
      %broadcast_in_dim3A_73 = arith.constant 0.000000e+00 : f32
      %broadcast_in_dim3A_74 = vector.broadcast %broadcast_in_dim3A_73 : f32 to vector<256x1xf32>
      %swap3A_75 = arith.constant 0 : index
      %swap3A_76 = arith.constant 0 : index
      %swap3A_77 = vector.load %arg12[%swap3A_75, %swap3A_76] : memref<256x1xf32, #tpu.memory_space<vmem>>, vector<256x1xf32>
      tpu.vector_store %arg12[%swap3A_75, %swap3A_76], %broadcast_in_dim3A_74 {strides = array<i32>} : memref<256x1xf32, #tpu.memory_space<vmem>>, vector<256x1xf32>,
    } else {
    }
    %get3A = arith.constant 0 : index
    %get3A_2 = arith.constant 0 : index
    %get3A_3 = arith.constant 0 : index
    %get3A_4 = vector.load %arg3[%get3A, %get3A_2, %get3A_3] : memref<2x512x128xf32, #tpu.memory_space<vmem>>, vector<2x512x1xf32>
    %reduce_sum3A = arith.constant dense<0.000000e+00> : vector<512x1xf32>
    %reduce_sum3A_5 = vector.multi_reduction <add>, %get3A_4, %reduce_sum3A [0] : vector<2x512x1xf32> to vector<512x1xf32>
    %add3A = arith.constant 1.000000e+00 : f32
    %add3A_6 = vector.broadcast %add3A : f32 to vector<512x1xf32>
    %add3A_7 = arith.addf %add3A_6, %reduce_sum3A_5 : vector<512x1xf32>
    %max3A = arith.constant 1.000000e+00 : f32
    %max3A_8 = vector.broadcast %max3A : f32 to vector<512x1xf32>
    %max3A_9 = arith.maximumf %add3A_7, %max3A_8 : vector<512x1xf32>
    %rsqrt3A = math.rsqrt %max3A_9 : vector<512x1xf32>
    %get3A_10 = arith.constant 0 : index
    %get3A_11 = arith.constant 0 : index
    %get3A_12 = arith.constant 0 : index
    %get3A_13 = vector.load %arg1[%get3A_10, %get3A_11, %get3A_12] : memref<2x512x128xf32, #tpu.memory_space<vmem>>, vector<1x512x128xf32>
    %get3A_14 = vector.shape_cast %get3A_13 : vector<1x512x128xf32> to vector<512x128xf32>
    %get3A_15 = arith.constant 0 : index
    %get3A_16 = arith.constant 0 : index
    %get3A_17 = arith.constant 0 : index
    %get3A_18 = vector.load %arg2[%get3A_15, %get3A_16, %get3A_17] : memref<2x512x128xf32, #tpu.memory_space<vmem>>, vector<1x512x128xf32>
    %get3A_19 = vector.shape_cast %get3A_18 : vector<1x512x128xf32> to vector<512x128xf32>
    %add3A_20 = arith.addf %get3A_14, %get3A_19 : vector<512x128xf32>
    %get3A_21 = arith.constant 1 : index
    %get3A_22 = arith.constant 0 : index
    %get3A_23 = arith.constant 0 : index
    %get3A_24 = vector.load %arg1[%get3A_21, %get3A_22, %get3A_23] : memref<2x512x128xf32, #tpu.memory_space<vmem>>, vector<1x512x128xf32>
    %get3A_25 = vector.shape_cast %get3A_24 : vector<1x512x128xf32> to vector<512x128xf32>
    %get3A_26 = arith.constant 1 : index
    %get3A_27 = arith.constant 0 : index
    %get3A_28 = arith.constant 0 : index
    %get3A_29 = vector.load %arg2[%get3A_26, %get3A_27, %get3A_28] : memref<2x512x128xf32, #tpu.memory_space<vmem>>, vector<1x512x128xf32>
    %get3A_30 = vector.shape_cast %get3A_29 : vector<1x512x128xf32> to vector<512x128xf32>
    %add3A_31 = arith.addf %get3A_25, %get3A_30 : vector<512x128xf32>
    %concatenate3A = tpu.concatenate %add3A_20, %add3A_31 in 1 : vector<512x128xf32>, vector<512x128xf32> -> vector<512x256xf32>
    %mul3A = vector.broadcast %rsqrt3A : vector<512x1xf32> to vector<512x256xf32>
    %mul3A_32 = arith.mulf %concatenate3A, %mul3A : vector<512x256xf32>
    %get3A_33 = arith.constant 0 : index
    %get3A_34 = arith.constant 0 : index
    %get3A_35 = vector.load %arg4[%get3A_33, %get3A_34] : memref<1x256xf32, #tpu.memory_space<vmem>>, vector<1x256xf32>
    %add3A_36 = vector.broadcast %get3A_35 : vector<1x256xf32> to vector<512x256xf32>
    %add3A_37 = arith.addf %mul3A_32, %add3A_36 : vector<512x256xf32>
    %iota3A = tpu.iota {dimensions = array<i32: 0>} : vector<256x512xi32>
    %get3A_38 = arith.constant 0 : index
    %get3A_39 = arith.constant 0 : index
    %get3A_40 = arith.constant 0 : index
    %get3A_41 = vector.load %arg5[%get3A_38, %get3A_39, %get3A_40] : memref<1x1x512xi32, #tpu.memory_space<vmem>>, vector<1x1x512xi32>
    %get3A_42 = vector.shape_cast %get3A_41 : vector<1x1x512xi32> to vector<1x512xi32>
    %eq3A_43 = vector.broadcast %get3A_42 : vector<1x512xi32> to vector<256x512xi32>
    %eq3A_44 = arith.cmpi eq, %iota3A, %eq3A_43 : vector<256x512xi32>
    %convert_element_type3A_45 = arith.extui %eq3A_44 : vector<256x512xi1> to vector<256x512xi32>
    %convert_element_type3A_46 = arith.sitofp %convert_element_type3A_45 : vector<256x512xi32> to vector<256x512xf32>
    %get3A_47 = arith.constant 0 : index
    %get3A_48 = arith.constant 0 : index
    %get3A_49 = vector.load %arg11[%get3A_47, %get3A_48] : memref<256x256xf32, #tpu.memory_space<vmem>>, vector<256x256xf32>
    %dot_general3A = arith.constant dense<0.000000e+00> : vector<256x256xf32>
    %dot_general3A_50 = tpu.matmul %convert_element_type3A_46, %add3A_37, %dot_general3A {dimension_numbers = #tpu.dot_dimension_numbers<[1], [0], [0], [1], [0, 0, 1, 1], [], []>, precision = #tpu.contract_precision<fp32>, transpose_lhs_hint = false} : vector<256x512xf32>, vector<512x256xf32>, vector<256x256xf32> -> vector<256x256xf32>
    %add3A_51 = arith.addf %get3A_49, %dot_general3A_50 : vector<256x256xf32>
    %swap3A = arith.constant 0 : index
    %swap3A_52 = arith.constant 0 : index
    %swap3A_53 = vector.load %arg11[%swap3A, %swap3A_52] : memref<256x256xf32, #tpu.memory_space<vmem>>, vector<256x256xf32>
    tpu.vector_store %arg11[%swap3A, %swap3A_52], %add3A_51 {strides = array<i32>} : memref<256x256xf32, #tpu.memory_space<vmem>>, vector<256x256xf32>,
    %get3A_54 = arith.constant 0 : index
    %get3A_55 = arith.constant 0 : index
    %get3A_56 = vector.load %arg12[%get3A_54, %get3A_55] : memref<256x1xf32, #tpu.memory_space<vmem>>, vector<256x1xf32>
    %reduce_sum3A_57 = arith.constant dense<0.000000e+00> : vector<256xf32>
    %reduce_sum3A_58 = vector.multi_reduction <add>, %convert_element_type3A_46, %reduce_sum3A_57 [1] : vector<256x512xf32> to vector<256xf32>
    %broadcast_in_dim3A = vector.shape_cast %reduce_sum3A_58 : vector<256xf32> to vector<256x1xf32>
    %add3A_59 = arith.addf %get3A_56, %broadcast_in_dim3A : vector<256x1xf32>
    %swap3A_60 = arith.constant 0 : index
    %swap3A_61 = arith.constant 0 : index
    %swap3A_62 = vector.load %arg12[%swap3A_60, %swap3A_61] : memref<256x1xf32, #tpu.memory_space<vmem>>, vector<256x1xf32>
    tpu.vector_store %arg12[%swap3A_60, %swap3A_61], %add3A_59 {strides = array<i32>} : memref<256x1xf32, #tpu.memory_space<vmem>>, vector<256x1xf32>,
    %eq3A_63 = arith.constant 19 : i32
    %eq3A_64 = arith.cmpi eq, %arg0, %eq3A_63 : i32
    %convert_element_type3A_65 = arith.extui %eq3A_64 : i1 to i32
    %cond3A_66 = arith.constant 0 : i32
    %cond3A_67 = arith.cmpi ne, %convert_element_type3A_65, %cond3A_66 : i32
    scf.if %cond3A_67 {
      %get3A_68 = arith.constant 0 : index
      %get3A_69 = arith.constant 0 : index
      %get3A_70 = vector.load %arg11[%get3A_68, %get3A_69] : memref<256x256xf32, #tpu.memory_space<vmem>>, vector<256x256xf32>
      %get3A_71 = arith.constant 0 : index
      %get3A_72 = arith.constant 0 : index
      %get3A_73 = vector.load %arg12[%get3A_71, %get3A_72] : memref<256x1xf32, #tpu.memory_space<vmem>>, vector<256x1xf32>
      %max3A_74 = arith.constant 1.000000e+00 : f32
      %max3A_75 = vector.broadcast %max3A_74 : f32 to vector<256x1xf32>
      %max3A_76 = arith.maximumf %get3A_73, %max3A_75 : vector<256x1xf32>
      %div3A = vector.broadcast %max3A_76 : vector<256x1xf32> to vector<256x256xf32>
      %div3A_77 = arith.divf %get3A_70, %div3A : vector<256x256xf32>
      %get3A_78 = arith.constant 0 : index
      %get3A_79 = arith.constant 0 : index
      %get3A_80 = vector.load %arg6[%get3A_78, %get3A_79] : memref<256x128xf32, #tpu.memory_space<vmem>>, vector<256x128xf32>
      %dot_general3A_81 = arith.constant dense<0.000000e+00> : vector<256x128xf32>
      %dot_general3A_82 = tpu.matmul %div3A_77, %get3A_80, %dot_general3A_81 {dimension_numbers = #tpu.dot_dimension_numbers<[1], [0], [0], [1], [0, 0, 1, 1], [], []>, precision = #tpu.contract_precision<fp32>, transpose_lhs_hint = false} : vector<256x256xf32>, vector<256x128xf32>, vector<256x128xf32> -> vector<256x128xf32>
      %get3A_83 = arith.constant 0 : index
      %get3A_84 = arith.constant 0 : index
      %get3A_85 = vector.load %arg7[%get3A_83, %get3A_84] : memref<1x128xf32, #tpu.memory_space<vmem>>, vector<1x128xf32>
      %add3A_86 = vector.broadcast %get3A_85 : vector<1x128xf32> to vector<256x128xf32>
      %add3A_87 = arith.addf %dot_general3A_82, %add3A_86 : vector<256x128xf32>
      %max3A_88 = arith.constant 0.000000e+00 : f32
      %max3A_89 = vector.broadcast %max3A_88 : f32 to vector<256x128xf32>
      %max3A_90 = arith.maximumf %add3A_87, %max3A_89 : vector<256x128xf32>
      %get3A_91 = arith.constant 0 : index
      %get3A_92 = arith.constant 0 : index
      %get3A_93 = vector.load %arg8[%get3A_91, %get3A_92] : memref<128x1xf32, #tpu.memory_space<vmem>>, vector<128x1xf32>
      %dot_general3A_94 = arith.constant dense<0.000000e+00> : vector<256x1xf32>
      %dot_general3A_95 = tpu.matmul %max3A_90, %get3A_93, %dot_general3A_94 {dimension_numbers = #tpu.dot_dimension_numbers<[1], [0], [0], [1], [0, 0, 1, 1], [], []>, precision = #tpu.contract_precision<fp32>, transpose_lhs_hint = false} : vector<256x128xf32>, vector<128x1xf32>, vector<256x1xf32> -> vector<256x1xf32>
      %get3A_96 = arith.constant 0 : index
      %get3A_97 = arith.constant 0 : index
      %get3A_98 = vector.load %arg9[%get3A_96, %get3A_97] : memref<1x1xf32, #tpu.memory_space<vmem>>, vector<1x1xf32>
      %add3A_99 = vector.broadcast %get3A_98 : vector<1x1xf32> to vector<256x1xf32>
      %add3A_100 = arith.addf %dot_general3A_95, %add3A_99 : vector<256x1xf32>
      %swap3A_101 = arith.constant 0 : index
      %swap3A_102 = arith.constant 0 : index
      %swap3A_103 = vector.load %arg10[%swap3A_101, %swap3A_102] : memref<256x1xf32, #tpu.memory_space<vmem>>, vector<256x1xf32>
      tpu.vector_store %arg10[%swap3A_101, %swap3A_102], %add3A_100 {strides = array<i32>} : memref<256x1xf32, #tpu.memory_space<vmem>>, vector<256x1xf32>,
    } else {
    }
    return
  }
  func.func @transform_0(%arg0: i32) -> (i32, i32, i32) {
    %c0_i32 = arith.constant 0 : i32
    %c0_i32_0 = arith.constant 0 : i32
    %c0_i32_1 = arith.constant 0 : i32
    return %c0_i32, %arg0, %c0_i32_0 : i32, i32, i32
  }
  func.func @transform_1(%arg0: i32) -> (i32, i32, i32) {
    %c0_i32 = arith.constant 0 : i32
    %c0_i32_0 = arith.constant 0 : i32
    %c0_i32_1 = arith.constant 0 : i32
    return %c0_i32, %arg0, %c0_i32_0 : i32, i32, i32
  }
  func.func @transform_2(%arg0: i32) -> (i32, i32, i32) {
    %c0_i32 = arith.constant 0 : i32
    %c0_i32_0 = arith.constant 0 : i32
    %c0_i32_1 = arith.constant 0 : i32
    return %c0_i32, %arg0, %c0_i32_0 : i32, i32, i32
  }
  func.func @transform_3(%arg0: i32) -> (i32, i32) {
    %c0_i32 = arith.constant 0 : i32
    %c0_i32_0 = arith.constant 0 : i32
    %c0_i32_1 = arith.constant 0 : i32
    return %c0_i32, %c0_i32_0 : i32, i32
  }
  func.func @transform_4(%arg0: i32) -> (i32, i32, i32) {
    %c0_i32 = arith.constant 0 : i32
    %c0_i32_0 = arith.constant 0 : i32
    %c0_i32_1 = arith.constant 0 : i32
    return %arg0, %c0_i32, %c0_i32_0 : i32, i32, i32
  }
  func.func @transform_5(%arg0: i32) -> (i32, i32) {
    %c0_i32 = arith.constant 0 : i32
    %c0_i32_0 = arith.constant 0 : i32
    %c0_i32_1 = arith.constant 0 : i32
    return %c0_i32, %c0_i32_0 : i32, i32
  }
  func.func @transform_6(%arg0: i32) -> (i32, i32) {
    %c0_i32 = arith.constant 0 : i32
    %c0_i32_0 = arith.constant 0 : i32
    %c0_i32_1 = arith.constant 0 : i32
    return %c0_i32, %c0_i32_0 : i32, i32
  }
  func.func @transform_7(%arg0: i32) -> (i32, i32) {
    %c0_i32 = arith.constant 0 : i32
    %c0_i32_0 = arith.constant 0 : i32
    %c0_i32_1 = arith.constant 0 : i32
    return %c0_i32, %c0_i32_0 : i32, i32
  }
  func.func @transform_8(%arg0: i32) -> (i32, i32) {
    %c0_i32 = arith.constant 0 : i32
    %c0_i32_0 = arith.constant 0 : i32
    %c0_i32_1 = arith.constant 0 : i32
    return %c0_i32, %c0_i32_0 : i32, i32
  }
  func.func @transform_9(%arg0: i32) -> (i32, i32) {
    %c0_i32 = arith.constant 0 : i32
    %c0_i32_0 = arith.constant 0 : i32
    %c0_i32_1 = arith.constant 0 : i32
    return %c0_i32, %c0_i32_0 : i32, i32
  }
}

</mosaic_0001>

<sc_bundles>
// kernel: kernel.10.cloned.1.call-start
scs
__scs_entry_jumppad:
0x0: {  	(pc) =	sbr.rel $0x88, $3  }
0x1: {  	(tag) =	ssettag $0x0;
	lr =	simm.s32 $0x1  }
0x2: {  	[smem:$0x3F92] =	sst lr;
	_ =	strace $0xD0000000  }
0x3: {  	_ = 	snop  }
0x4: {  	_ = 	snop  }
0x5: {  	_ = 	snop  }
0x6: {  	_ = 	snop  }
0x7: {  	_ = 	snop  }
__scs_overlays_trampoline_lowered:
0x8: {  	[smem:$0x3FA1] =	sst s0  }
0x9: {  	[smem:$0x3FA2] =	sst s1  }
0xa: {  	[smem:$0x3FA3] =	sst s2  }
0xb: {  	[smem:$0x3FA4] =	sst s3  }
0xc: {  	[smem:$0x3FA5] =	sst s4  }
0xd: {  	[smem:$0x3FA6] =	sst s5  }
0xe: {  	[smem:$0x3FA7] =	sst s6  }
0xf: {  	[smem:$0x3FA8] =	sst s7  }
0x10: {  	[smem:$0x3FA9] =	sst s8  }
0x11: {  	[smem:$0x3FAA] =	sst s9;
	s0 =	simm.s32 @!p0 $0x0  }
0x12: {  	s1 =	sld [smem:$0x3F90];
	s0 =	simm.s32 @p0 $0x1  }
0x13: {  	[smem:$0x3FAB] =	sst s0;
	s0 =	simm.s32 @!p1 $0x0  }
0x14: {  	s2 =	sld [smem:$0x3F8F];
	s0 =	simm.s32 @p1 $0x1  }
0x15: {  	[smem:$0x3FAC] =	sst s0;
	s0 =	simm.s32 @!p2 $0x0  }
0x16: {  	s3 =	sld [smem:$0x3FDB];
	s0 =	simm.s32 @p2 $0x1  }
0x17: {  	s4 =	simm.s32 $0x1BF5;
	[smem:$0x3FAE] =	sst s0  }
0x18: {  	s0 =	sld [smem:$0x3F91];
	_ =	swait.ge [sflag:s4], $0x0  }
0x19: {  	s7 =	sld [smem:$0x3F92]  }
0x1a: {  	s8 =	sadd.s32 $0xFFFFE003, lr  }
0x1b: {  	s9 =	sadd.s32 $0xFFFFFEF7, lr;
	s5 =	simm.s32 $0xFFFFFFFF;
	p2 =	slt.u32 s8, $0xFFFFF086  }
0x1c: {  	p1 =	slt.u32 s9, $0xF7A;
	s5 =	simm.s32 @!p2 $0x0  }
0x1d: {  	s5 =	simm.s32 @p1 $0x1;
	p0 =	seq.s32 s7, s2  }
0x1e: {  	s7 =	smul.u32 @!p0 $0xF7A, s2;
	p2 =	seq.s32 @!p0 s5, $0x0  }
0x1f: {  	s9 =	smul.u32 $0xF7A, s1;
	s8 =	simm.s32 @!p0 $0x1BF5;
	p2 =	por !p2, p0  }
0x20: {  	[sflag:s8] =	ssyncset.s32 @!p0 $0xFFFFF086;
	s6 =	sadd.s32 @!p0 s3, s7;
	s7 =	simm.s32 @!p0 $0x108  }
0x21: {  	s3 =	sadd.s32 s3, s9;
	s6 =	sadd.s32 @!p0 $0x88, s6;
	s7 =	simm.s32 @p2 $0x1082  }
0x22: {  	[simem:s7], [sflag:s8] =	dma.local @!p0 [hbm:s6], $0xF7A  }
0x23: {  	s9 =	sor.u32 $0xD0000000, s2;
	s6 =	simm.s32 $0x108;
	_ =	swait.ge @!p0 [sflag:s8], $0x0  }
0x24: {  	s3 =	sadd.s32 $0x88, s3;
	s6 =	simm.s32 @!p1 $0x1082;
	[sflag:s4] =	ssyncset.s32 $0xFFFFF086  }
0x25: {  	[simem:s6], [sflag:s4] =	dma.local [hbm:s3], $0xF7A  }
0x26: {  	[smem:$0x3F92] =	sst s1;
	(tag) =	ssettag s2;
	_ =	strace s9  }
0x27: {  	s1 =	sld [smem:$0x3FA2]  }
0x28: {  	s2 =	sld [smem:$0x3FA3]  }
0x29: {  	s4 =	sld [smem:$0x3FA5]  }
0x2a: {  	p0 =	seq.s32 s5, $0x0;
	s5 =	sld [smem:$0x3FA6]  }
0x2b: {  	s6 =	sld [smem:$0x3FA7]  }
0x2c: {  	s7 =	sld [smem:$0x3FA8]  }
0x2d: {  	s3 =	simm.s32 $0x108;
	s8 =	sld [smem:$0x3FA9]  }
0x2e: {  	s3 =	simm.s32 @!p0 $0x1082;
	s9 =	sld [smem:$0x3FAA]  }
0x2f: {  	lr =	sadd.s32 s0, s3;
	s0 =	sld [smem:$0x3FA1]  }
0x30: {  	s3 =	sld [smem:$0x3FA4]  }
0x31: {  	[smem:$0x3FAD] =	sst s10  }
0x32: {  	s10 =	sld [smem:$0x3FAB];
	_ =	sdelay $0x3  }
0x33: {  	p0 =	seq.s32 s10, $0x1;
	s10 =	sld [smem:$0x3FAD];
	_ =	sdelay $0x3  }
0x34: {  	[smem:$0x3FAD] =	sst s10  }
0x35: {  	s10 =	sld [smem:$0x3FAC];
	_ =	sdelay $0x3  }
0x36: {  	p1 =	seq.s32 s10, $0x1;
	s10 =	sld [smem:$0x3FAD];
	_ =	sdelay $0x3  }
0x37: {  	[smem:$0x3FAD] =	sst s10  }
0x38: {  	s10 =	sld [smem:$0x3FAE]  }
0x39: {  	_ = 	snop;
	(pc) =	sbr.ind lr, $3  }
0x3a: {  	_ = 	snop  }
0x3b: {  	_ = 	snop  }
0x3c: {  	p2 =	seq.s32 s10, $0x1;
	s10 =	sld [smem:$0x3FAD]  }
0x3d: {  	_ =	shalt  }
0x3e: {  	_ =	shalt  }
0x3f: {  	_ =	shalt  }
0x40: {  	_ =	shalt  }
0x41: {  	_ =	shalt  }
0x42: {  	_ =	shalt  }
0x43: {  	_ =	shalt  }
0x44: {  	_ =	shalt  }
0x45: {  	_ =	shalt  }
0x46: {  	_ =	shalt  }
0x47: {  	_ =	shalt  }
0x48: {  	_ =	shalt  }
0x49: {  	_ =	shalt  }
0x4a: {  	_ =	shalt  }
0x4b: {  	_ =	shalt  }
0x4c: {  	_ =	shalt  }
0x4d: {  	_ =	shalt  }
0x4e: {  	_ =	shalt  }
0x4f: {  	_ =	shalt  }
0x50: {  	_ =	shalt  }
0x51: {  	_ =	shalt  }
0x52: {  	_ =	shalt  }
0x53: {  	_ =	shalt  }
0x54: {  	_ =	shalt  }
0x55: {  	_ =	shalt  }
0x56: {  	_ =	shalt  }
0x57: {  	_ =	shalt  }
0x58: {  	_ =	shalt  }
0x59: {  	_ =	shalt  }
0x5a: {  	_ =	shalt  }
0x5b: {  	_ =	shalt  }
0x5c: {  	_ =	shalt  }
0x5d: {  	_ =	shalt  }
0x5e: {  	_ =	shalt  }
0x5f: {  	_ =	shalt  }
0x60: {  	_ =	shalt  }
0x61: {  	_ =	shalt  }
0x62: {  	_ =	shalt  }
0x63: {  	_ =	shalt  }
0x64: {  	_ =	shalt  }
0x65: {  	_ =	shalt  }
0x66: {  	_ =	shalt  }
0x67: {  	_ =	shalt  }
0x68: {  	_ =	shalt  }
0x69: {  	_ =	shalt  }
0x6a: {  	_ =	shalt  }
0x6b: {  	_ =	shalt  }
0x6c: {  	_ =	shalt  }
0x6d: {  	_ =	shalt  }
0x6e: {  	_ =	shalt  }
0x6f: {  	_ =	shalt  }
0x70: {  	_ =	shalt  }
0x71: {  	_ =	shalt  }
0x72: {  	_ =	shalt  }
0x73: {  	_ =	shalt  }
0x74: {  	_ =	shalt  }
0x75: {  	_ =	shalt  }
0x76: {  	_ =	shalt  }
0x77: {  	_ =	shalt  }
0x78: {  	_ =	shalt  }
0x79: {  	_ =	shalt  }
0x7a: {  	_ =	shalt  }
0x7b: {  	_ =	shalt  }
0x7c: {  	_ =	shalt  }
0x7d: {  	_ =	shalt  }
0x7e: {  	_ =	shalt  }
0x7f: {  	_ =	shalt  }
0x80: {  	_ =	shalt  }
0x81: {  	_ =	shalt  }
0x82: {  	_ =	shalt  }
0x83: {  	_ =	shalt  }
0x84: {  	_ =	shalt  }
0x85: {  	_ =	shalt  }
0x86: {  	_ =	shalt  }
0x87: {  	_ =	shalt  }
.Lfunc_end0:
.L_simem_size_0:
called_computation_lowered:
.L_overlay_start_0:
0x88: {  	s2 =	sld [smem:$0x3FD9]  }
0x89: {  	s3 =	sld [smem:$0x3FFE];
	_ =	sdelay $0x1  }
0x8a: {  	s1 =	srdreg.scid  }
0x8b: {  	s0 =	sand.u32 $0x1, s1  }
0x8c: {  	s16 =	sshll.u32 s0, $0xA;
	s2 =	sadd.s32 s3, s2  }
0x8d: {  	s2 =	sadd.s32 s2, s16  }
0x8e: {  	[smem:$0x3FB9] =	sst s2  }
0x8f: {  	_ = 	snop  }
0x90: {  	(tm) =	ssettm $0x1  }
0x91: {  	s17 =	sld [smem:$0x3FFB];
	_ =	sdelay $0x3  }
0x92: {  	_ =	strace s17  }
0x93: {  	s2 =	sld [smem:$0x3FFC];
	_ =	sdelay $0x3  }
0x94: {  	_ =	strace s2  }
0x95: {  	s2 =	sld [smem:$0x3FFD];
	_ =	sdelay $0x3  }
0x96: {  	_ =	strace s2  }
0x97: {  	_ =	strace $0x8FFFFFFF  }
0x98: {  	s18 =	sld [smem:$0x3FDB];
	_ =	sdelay $0x1  }
0x99: {  	s19 =	simm.s32 $_scs_section_size  }
0x9a: {  	s4 =	simm.s32 $_size__tile_overlayer_lowered;
	s5 =	simm.s32 $_tile_overlayer_lowered  }
0x9b: {  	s22 =	simm.s32 $0x1BFF;
	s21 =	sshll.u32 s5, $0x1;
	s2 =	sadd.s32 s19, s18  }
0x9c: {  	s6 =	simm.s32 $0x0;
	s20 =	sshll.u32 s4, $0x1;
	s4 =	sadd.s32 s21, s2  }
0x9d: {  	[timem:s6], [sflag:s22] =	dma.local [hbm:s4], s20  }
0x9e: {  	_ =	swait.ge [sflag:s22], s20  }
0x9f: {  	s3 =	ssub.s32 $0x0, s20;
	[sflag:s22] =	ssyncset.done $0x0  }
0xa0: {  	[sflag:s22] =	ssyncadd.s32 s3;
	_ =	sdelay $0x1  }
0xa1: {  	s23 =	simm.s32 $0x1B8B  }
0xa2: {  	_ =	swait.ge [sflag:s23], $0x1  }
0xa3: {  	[sflag:s23] =	ssyncset.done $0x0  }
0xa4: {  	s25 =	simm.s32 $0x1B8E;
	s24 =	sld [smem:$0x3FFE];
	[sflag:s23] =	ssyncadd.s32 $0xFFFFFFFF  }
0xa5: {  	s26 =	simm.s32 $execute0_lowered;
	[smem:$0x3FD2] =	sst s25  }
0xa6: {  	s4 =	sshll.u32 s26, $0x1;
	_ =	strace $0x80000046;
	[dreg:$0x1] =	wrdreg $0xFFFFFFFF  }
0xa7: {  	s28 =	simm.s32 $_size_execute0_lowered;
	s2 =	sadd.s32 s2, s4;
	[dreg:$0x0] =	wrdreg $0x0  }
0xa8: {  	s4 =	sshll.u32 s28, $0x1;
	[dreg:$0x2] =	wrdreg s2  }
0xa9: {  	[dreg:$0x3] =	wrdreg s4  }
0xaa: {  	[dreg:$0x4] =	wrdreg $0xC0  }
0xab: {  	_ =	task [dreg:s6], $0x5FFFF  }
0xac: {  	[dreg:$0x1] =	wrdreg $0xFFFFFFFF  }
0xad: {  	[dreg:$0x0] =	wrdreg $0x60  }
0xae: {  	[dreg:$0x2] =	wrdreg s24  }
0xaf: {  	[dreg:$0x3] =	wrdreg $0xA8000  }
0xb0: {  	[dreg:$0x4] =	wrdreg $0x9  }
0xb1: {  	_ =	task.clear_ibuf [dreg:s6], $0x5FFFF;
	_ =	strace $0x90000046  }
0xb2: {  	s29 =	simm.s32 $0x9;
	_ =	strace $0x80000048  }
0xb3: {  	_ =	swait.ge [sflag:s29], $0x1  }
0xb4: {  	[sflag:s29] =	ssyncadd.s32 $0xFFFFFFFF  }
0xb5: {  	_ =	strace $0x90000048  }
0xb6: {  	_ =	sfence  }
0xb7: {  	s30 =	sld [smem:$0x0];
	_ =	sdelay $0x2  }
0xb8: {  	s31 =	sshll.u32 s1, $0xD;
	s1 =	sshrl.u32 s1, $0x2  }
0xb9: {  	s3 =	sand.u32 $0x4000, s31;
	s1 =	sadd.s32 s1, s30  }
0xba: {  	s0 =	sor.u32 s3, s0;
	s1 =	sshll.u32 s1, $0x11  }
0xbb: {  	s0 =	sor.u32 s1, s0  }
0xbc: {  	s0 =	sadd.s32 $0x8F2B, s0  }
0xbd: {  	[sflag:s0] =	ssyncadd.remote.s32 $0x1  }
0xbe: {  	_ =	sfence.sel $0xFFFF  }
0xbf: {  	[dreg:$0x0] =	wrdreg $0xFFFFFFFF;
	(pc) =	sbr.abs _section_cstart, $3  }
0xc0: {  	[dreg:$0x1] =	wrdreg $0xFFFFFFFF  }
0xc1: {  	_ =	task.clear_ibuf [dreg:s6], $0x2FFFF;
	_ =	strace $0x9FFFFFFF  }
0xc2: {  	(tm) =	ssettm $0x7FFFFFFF  }
0xc3: {  	_ =	shalt  }
tec
execute0_lowered:
.L_overlay_start_1:
0x0: {  	(tag) =	ssettag $0x1  }
0x1: {  	s5 =	rddreg [dreg:$0x0]  }
0x2: {  	s0 =	srdreg.scid;
	s2 =	rddreg [dreg:$0x1];
	s3 =	simm.s32 $0x0  }
0x3: {  	s13 =	simm.s32 $0x1;
	s4 =	sand.u32 $0x1, s0;
	s0 =	stileid.u32  }
0x4: {  	s14 =	simm.s32 $0x80;
	s15 =	simm.s32 $0x2800;
	s7 =	smul.u32 $0x2800, s0  }
0x5: {  	[smem:$0x7FF] =	sst s3;
	s1 =	sshll.u32 s4, $0x4;
	s8 =	smul.u32 $0x28000, s4  }
0x6: {  	s9 =	smul.u32 $0x50000, s0;
	s29 =	ssub.s32 $0x2, s4;
	s16 =	sshll.u32 s0, $0x6  }
0x7: {  	s1 =	sor.u32 s0, s1;
	s31 =	sshrl.u32 s29, $0x1;
	s16 =	sor.u32 $0x1C01, s16  }
0x8: {  	s6 =	smul.u32 $0x500, s1;
	s1 =	rddreg [dreg:$0x2];
	_ =	strace $0x80000047  }
0x9: {  	s28 =	sadd.s32 s7, s8;
	s30 =	sshrl.u32 s9, $0x2;
	s12 =	ssub.s32 s29, s31  }
0xa: {  	s11 =	sadd.s32 s28, s5;
	s4 =	sadd.s32 s30, s2;
	s10 =	sadd.s32 s6, s5  }
0xb: {  	s5 =	sadd.s32 $0x4000, s4;
	s6 =	sadd.s32 $0x8000, s4;
	s7 =	sadd.s32 $0xC000, s4  }
0xc: {  	s8 =	sadd.s32 $0x10000, s4;
	s17 =	sshrl.u32 s4, $0x3;
	s9 =	sadd.s32 $0x4000, s10  }
0xd: {  	v0 =	vimm.f32 $1.000000000e+00;
	v1 =	vimm.f32 $0.0e+00;
	s10 =	sadd.s32 $0xE000, s11;
	s11 =	smax.u32 s12, $0x1;
	s12 =	simm.s32 $0x6800  }
.LBB2_1:
0xe: {  	s18 =	simm.s32 $0x0;
	s19 =	simm.s32 $0x200  }
.LBB2_2:
0xf: {  	p0 =	sne.s32 s19, $0xFE00;
	[tilespmem:s18+$0x2870] =	vst v0  }
0x10: {  	[tilespmem:s18+$0x2800] =	vst v0  }
0x11: {  	[tilespmem:s18+$0x2810] =	vst v0  }
.Ltmp0:
0x12: {  	[tilespmem:s18+$0x2820] =	vst v0;
	(pc) =	sbr.rel @p0 .LBB2_2-.Ltmp0, $4  }
0x13: {  	[tilespmem:s18+$0x2830] =	vst v0  }
0x14: {  	[tilespmem:s18+$0x2840] =	vst v0  }
0x15: {  	[tilespmem:s18+$0x2850] =	vst v0  }
0x16: {  	[tilespmem:s18+$0x2860] =	vst v0;
	s18 =	sshra.s32 s19, $0x2;
	s19 =	sadd.s32 $0x200, s19  }
0x17: {  	[tilespmem:s18+$0x2870] =	vst v0  }
0x18: {  	[tilespmem:s18+$0x2800] =	vst v0  }
0x19: {  	[tilespmem:s18+$0x2810] =	vst v0  }
0x1a: {  	[tilespmem:s18+$0x2820] =	vst v0  }
0x1b: {  	[tilespmem:s18+$0x2830] =	vst v0  }
0x1c: {  	[tilespmem:s18+$0x2840] =	vst v0  }
0x1d: {  	[tilespmem:s18+$0x2850] =	vst v0  }
0x1e: {  	[tilespmem:s18+$0x2860] =	vst v0;
	s18 =	simm.s32 $0x0;
	s19 =	simm.s32 $0x200  }
.LBB2_4:
0x1f: {  	p0 =	sne.s32 s19, $0xFE00;
	[tilespmem:s18+$0x6870] =	vst v1  }
0x20: {  	[tilespmem:s18+$0x6800] =	vst v1  }
0x21: {  	[tilespmem:s18+$0x6810] =	vst v1  }
.Ltmp1:
0x22: {  	[tilespmem:s18+$0x6820] =	vst v1;
	(pc) =	sbr.rel @p0 .LBB2_4-.Ltmp1, $4  }
0x23: {  	[tilespmem:s18+$0x6830] =	vst v1  }
0x24: {  	[tilespmem:s18+$0x6840] =	vst v1  }
0x25: {  	[tilespmem:s18+$0x6850] =	vst v1  }
0x26: {  	[tilespmem:s18+$0x6860] =	vst v1;
	s18 =	sshra.s32 s19, $0x2;
	s19 =	sadd.s32 $0x200, s19  }
0x27: {  	[tilespmem:s18+$0x6870] =	vst v1  }
0x28: {  	[tilespmem:s18+$0x6800] =	vst v1  }
0x29: {  	[tilespmem:s18+$0x6810] =	vst v1  }
0x2a: {  	[tilespmem:s18+$0x6820] =	vst v1  }
0x2b: {  	[tilespmem:s18+$0x6830] =	vst v1  }
0x2c: {  	[tilespmem:s18+$0x6840] =	vst v1  }
0x2d: {  	[tilespmem:s18+$0x6850] =	vst v1  }
0x2e: {  	[tilespmem:s18+$0x6860] =	vst v1  }
0x2f: {  	[spmem:s4] =	stream.linear.scatter [tilespmem:s12], [sflag:$0x1], $0x4000, $0x38;
	[tilespmem:$0x1E800] =	vst v63  }
0x30: {  	_ =	swait.ge [sflag:s13], $0x4000  }
0x31: {  	[sflag:s13] =	ssyncset.done $0x0  }
0x32: {  	[sflag:s13] =	ssyncadd.s32 $0xFFFFC000  }
0x33: {  	[spmem:s5] =	stream.linear.scatter [tilespmem:s12], [sflag:$0x1], $0x4000, $0x38;
	[tilespmem:$0x1E800] =	vst v63  }
0x34: {  	_ =	swait.ge [sflag:s13], $0x4000  }
0x35: {  	[sflag:s13] =	ssyncset.done $0x0  }
0x36: {  	[sflag:s13] =	ssyncadd.s32 $0xFFFFC000  }
0x37: {  	[spmem:s6] =	stream.linear.scatter [tilespmem:s12], [sflag:$0x1], $0x4000, $0x38;
	[tilespmem:$0x1E800] =	vst v63  }
0x38: {  	_ =	swait.ge [sflag:s13], $0x4000  }
0x39: {  	[sflag:s13] =	ssyncset.done $0x0  }
0x3a: {  	[sflag:s13] =	ssyncadd.s32 $0xFFFFC000  }
0x3b: {  	[spmem:s7] =	stream.linear.scatter [tilespmem:s12], [sflag:$0x1], $0x4000, $0x38;
	[tilespmem:$0x1E800] =	vst v63  }
0x3c: {  	_ =	swait.ge [sflag:s13], $0x4000  }
0x3d: {  	[sflag:s13] =	ssyncset.done $0x0  }
0x3e: {  	[sflag:s13] =	ssyncadd.s32 $0xFFFFC000  }
0x3f: {  	[spmem:s8] =	stream.linear.scatter [tilespmem:s12], [sflag:$0x1], $0x4000, $0x38;
	[tilespmem:$0x1E800] =	vst v63  }
0x40: {  	_ =	swait.ge [sflag:s13], $0x4000  }
0x41: {  	[sflag:s13] =	ssyncset.done $0x0  }
0x42: {  	[sflag:s13] =	ssyncadd.s32 $0xFFFFC000  }
0x43: {  	s30 =	simm.s32 $0x0;
	[bflag:$0x0] =	sbarrier.arrive $0xFFFF  }
0x44: {  	[tilespmem:s30], [sflag:$0x1] =	stream.linear.gather [hbm4b:s9+s30], $0x2800, $0x38;
	[tilespmem:$0x1E800] =	vst v63  }
0x45: {  	_ =	swait.ge [sflag:s13], $0x2800  }
0x46: {  	[sflag:s13] =	ssyncset.done $0x0  }
0x47: {  	s31 =	simm.s32 $0x0;
	[sflag:s13] =	ssyncadd.s32 $0xFFFFD800  }
0x48: {  	[spmem:s2] =	stream.indirect.scatter.add.f32 [tilespmem:s15], [sflag:$0x1], $0x80, s31, s14, $0xb8;
	[tilespmem:$0x1E800] =	vst v63  }
0x49: {  	_ =	swait.ge [sflag:s13], $0x4000  }
0x4a: {  	s18 =	simm.s32 $0x200;
	[sflag:s13] =	ssyncset.done $0x0  }
.LBB2_6:
0x4b: {  	s19 =	sshra.s32 s18, $0x2;
	[sflag:s13] =	ssyncadd.s32 $0xFFFFC000;
	p0 =	sne.s32 s18, $0x9E00  }
0x4c: {  	[spmem:s2] =	stream.indirect.scatter.add.f32 [tilespmem:s15], [sflag:$0x1], $0x80, s19, s14, $0xb8;
	[tilespmem:$0x1E800] =	vst v63  }
.Ltmp2:
0x4d: {  	_ = 	snop;
	(pc) =	sbr.rel @p0 .LBB2_6-.Ltmp2, $4  }
0x4e: {  	_ = 	snop  }
0x4f: {  	s18 =	sadd.s32 $0x200, s18  }
0x50: {  	_ =	swait.ge [sflag:s13], $0x4000  }
0x51: {  	[sflag:s13] =	ssyncset.done $0x0  }
0x52: {  	s3 =	sadd.s32 $0x1, s3  }
0x53: {  	[sflag:s13] =	ssyncadd.s32 $0xFFFFC000;
	p0 =	sne.s32 s3, s11  }
.Ltmp3:
0x54: {  	[bflag:$0x0] =	sbarrier.arrive $0xFFFF;
	(pc) =	sbr.rel @p0 .LBB2_1-.Ltmp3, $4  }
0x55: {  	[hbm:s10], [sflag:s16] =	dma.local [spmem:s17], $0x2800  }
0x56: {  	_ =	swait.ge [sflag:s13], $0x2800  }
0x57: {  	[sflag:s13] =	ssyncset.done $0x0  }
0x58: {  	[sflag:s13] =	ssyncadd.s32 $0xFFFFD800  }
0x59: {  	_ =	sfence.sel $0x180000  }
0x5a: {  	[bflag:$0x0] =	sbarrier.arrive $0xFFFF  }
0x5b: {  	p0 =	sne.s32 s0, $0x0;
	_ =	strace $0x90000047  }
0x5c: {  	s0 =	sadd.s32 @!p0 $0x100000, s1;
	[bflag:$0x2] =	sbarrier.arrive $0xFFFF  }
0x5d: {  	[sflag:s0] =	ssyncadd.tile.s32 @!p0 $0x1;
	_ =	shalt  }
.Lfunc_end2:
_tile_overlayer_lowered:
.L_overlay_start_2:
0x5e: {  	(tag) =	ssettag $0x2  }
0x5f: {  	s0 =	rddreg [dreg:$0x0];
	s2 =	stileid.u32  }
0x60: {  	s1 =	rddreg [dreg:$0x1];
	p0 =	sne.s32 s2, $0x0  }
0x61: {  	s3 =	rddreg [dreg:$0x2];
	[bflag:$0x3] =	sbarrier.arrive $0xFFFF;
	s2 =	simm.s32 @!p0 $0x1C01  }
0x62: {  	[timem:s3], [sflag:s2] =	dma.local @!p0 [hbm:s0], s1  }
0x63: {  	s0 =	simm.s32 @!p0 $0x1  }
0x64: {  	_ =	swait.ge @!p0 [sflag:s0], s1  }
0x65: {  	s1 =	ssub.s32 @!p0 $0x0, s1;
	[sflag:s0] =	ssyncset.done @!p0 $0x0  }
0x66: {  	[sflag:s0] =	ssyncadd.s32 @!p0 s1  }
0x67: {  	[bflag:$0x3] =	sbarrier.arrive $0xFFFF  }
0x68: {  	_ =	shalt  }

// kernel: kernel.13.cloned.1.call-start
scs
__scs_entry_jumppad:
0x0: {  	(pc) =	sbr.rel $0x88, $3  }
0x1: {  	(tag) =	ssettag $0x0;
	lr =	simm.s32 $0x1  }
0x2: {  	[smem:$0x3F92] =	sst lr;
	_ =	strace $0xD0000000  }
0x3: {  	_ = 	snop  }
0x4: {  	_ = 	snop  }
0x5: {  	_ = 	snop  }
0x6: {  	_ = 	snop  }
0x7: {  	_ = 	snop  }
__scs_overlays_trampoline_lowered:
0x8: {  	[smem:$0x3FA1] =	sst s0  }
0x9: {  	[smem:$0x3FA2] =	sst s1  }
0xa: {  	[smem:$0x3FA3] =	sst s2  }
0xb: {  	[smem:$0x3FA4] =	sst s3  }
0xc: {  	[smem:$0x3FA5] =	sst s4  }
0xd: {  	[smem:$0x3FA6] =	sst s5  }
0xe: {  	[smem:$0x3FA7] =	sst s6  }
0xf: {  	[smem:$0x3FA8] =	sst s7  }
0x10: {  	[smem:$0x3FA9] =	sst s8  }
0x11: {  	[smem:$0x3FAA] =	sst s9;
	s0 =	simm.s32 @!p0 $0x0  }
0x12: {  	s1 =	sld [smem:$0x3F90];
	s0 =	simm.s32 @p0 $0x1  }
0x13: {  	[smem:$0x3FAB] =	sst s0;
	s0 =	simm.s32 @!p1 $0x0  }
0x14: {  	s2 =	sld [smem:$0x3F8F];
	s0 =	simm.s32 @p1 $0x1  }
0x15: {  	[smem:$0x3FAC] =	sst s0;
	s0 =	simm.s32 @!p2 $0x0  }
0x16: {  	s3 =	sld [smem:$0x3FDB];
	s0 =	simm.s32 @p2 $0x1  }
0x17: {  	s4 =	simm.s32 $0x1BF5;
	[smem:$0x3FAE] =	sst s0  }
0x18: {  	s0 =	sld [smem:$0x3F91];
	_ =	swait.ge [sflag:s4], $0x0  }
0x19: {  	s7 =	sld [smem:$0x3F92]  }
0x1a: {  	s8 =	sadd.s32 $0xFFFFE003, lr  }
0x1b: {  	s9 =	sadd.s32 $0xFFFFFEF7, lr;
	s5 =	simm.s32 $0xFFFFFFFF;
	p2 =	slt.u32 s8, $0xFFFFF086  }
0x1c: {  	p1 =	slt.u32 s9, $0xF7A;
	s5 =	simm.s32 @!p2 $0x0  }
0x1d: {  	s5 =	simm.s32 @p1 $0x1;
	p0 =	seq.s32 s7, s2  }
0x1e: {  	s7 =	smul.u32 @!p0 $0xF7A, s2;
	p2 =	seq.s32 @!p0 s5, $0x0  }
0x1f: {  	s9 =	smul.u32 $0xF7A, s1;
	s8 =	simm.s32 @!p0 $0x1BF5;
	p2 =	por !p2, p0  }
0x20: {  	[sflag:s8] =	ssyncset.s32 @!p0 $0xFFFFF086;
	s6 =	sadd.s32 @!p0 s3, s7;
	s7 =	simm.s32 @!p0 $0x108  }
0x21: {  	s3 =	sadd.s32 s3, s9;
	s6 =	sadd.s32 @!p0 $0x88, s6;
	s7 =	simm.s32 @p2 $0x1082  }
0x22: {  	[simem:s7], [sflag:s8] =	dma.local @!p0 [hbm:s6], $0xF7A  }
0x23: {  	s9 =	sor.u32 $0xD0000000, s2;
	s6 =	simm.s32 $0x108;
	_ =	swait.ge @!p0 [sflag:s8], $0x0  }
0x24: {  	s3 =	sadd.s32 $0x88, s3;
	s6 =	simm.s32 @!p1 $0x1082;
	[sflag:s4] =	ssyncset.s32 $0xFFFFF086  }
0x25: {  	[simem:s6], [sflag:s4] =	dma.local [hbm:s3], $0xF7A  }
0x26: {  	[smem:$0x3F92] =	sst s1;
	(tag) =	ssettag s2;
	_ =	strace s9  }
0x27: {  	s1 =	sld [smem:$0x3FA2]  }
0x28: {  	s2 =	sld [smem:$0x3FA3]  }
0x29: {  	s4 =	sld [smem:$0x3FA5]  }
0x2a: {  	p0 =	seq.s32 s5, $0x0;
	s5 =	sld [smem:$0x3FA6]  }
0x2b: {  	s6 =	sld [smem:$0x3FA7]  }
0x2c: {  	s7 =	sld [smem:$0x3FA8]  }
0x2d: {  	s3 =	simm.s32 $0x108;
	s8 =	sld [smem:$0x3FA9]  }
0x2e: {  	s3 =	simm.s32 @!p0 $0x1082;
	s9 =	sld [smem:$0x3FAA]  }
0x2f: {  	lr =	sadd.s32 s0, s3;
	s0 =	sld [smem:$0x3FA1]  }
0x30: {  	s3 =	sld [smem:$0x3FA4]  }
0x31: {  	[smem:$0x3FAD] =	sst s10  }
0x32: {  	s10 =	sld [smem:$0x3FAB];
	_ =	sdelay $0x3  }
0x33: {  	p0 =	seq.s32 s10, $0x1;
	s10 =	sld [smem:$0x3FAD];
	_ =	sdelay $0x3  }
0x34: {  	[smem:$0x3FAD] =	sst s10  }
0x35: {  	s10 =	sld [smem:$0x3FAC];
	_ =	sdelay $0x3  }
0x36: {  	p1 =	seq.s32 s10, $0x1;
	s10 =	sld [smem:$0x3FAD];
	_ =	sdelay $0x3  }
0x37: {  	[smem:$0x3FAD] =	sst s10  }
0x38: {  	s10 =	sld [smem:$0x3FAE]  }
0x39: {  	_ = 	snop;
	(pc) =	sbr.ind lr, $3  }
0x3a: {  	_ = 	snop  }
0x3b: {  	_ = 	snop  }
0x3c: {  	p2 =	seq.s32 s10, $0x1;
	s10 =	sld [smem:$0x3FAD]  }
0x3d: {  	_ =	shalt  }
0x3e: {  	_ =	shalt  }
0x3f: {  	_ =	shalt  }
0x40: {  	_ =	shalt  }
0x41: {  	_ =	shalt  }
0x42: {  	_ =	shalt  }
0x43: {  	_ =	shalt  }
0x44: {  	_ =	shalt  }
0x45: {  	_ =	shalt  }
0x46: {  	_ =	shalt  }
0x47: {  	_ =	shalt  }
0x48: {  	_ =	shalt  }
0x49: {  	_ =	shalt  }
0x4a: {  	_ =	shalt  }
0x4b: {  	_ =	shalt  }
0x4c: {  	_ =	shalt  }
0x4d: {  	_ =	shalt  }
0x4e: {  	_ =	shalt  }
0x4f: {  	_ =	shalt  }
0x50: {  	_ =	shalt  }
0x51: {  	_ =	shalt  }
0x52: {  	_ =	shalt  }
0x53: {  	_ =	shalt  }
0x54: {  	_ =	shalt  }
0x55: {  	_ =	shalt  }
0x56: {  	_ =	shalt  }
0x57: {  	_ =	shalt  }
0x58: {  	_ =	shalt  }
0x59: {  	_ =	shalt  }
0x5a: {  	_ =	shalt  }
0x5b: {  	_ =	shalt  }
0x5c: {  	_ =	shalt  }
0x5d: {  	_ =	shalt  }
0x5e: {  	_ =	shalt  }
0x5f: {  	_ =	shalt  }
0x60: {  	_ =	shalt  }
0x61: {  	_ =	shalt  }
0x62: {  	_ =	shalt  }
0x63: {  	_ =	shalt  }
0x64: {  	_ =	shalt  }
0x65: {  	_ =	shalt  }
0x66: {  	_ =	shalt  }
0x67: {  	_ =	shalt  }
0x68: {  	_ =	shalt  }
0x69: {  	_ =	shalt  }
0x6a: {  	_ =	shalt  }
0x6b: {  	_ =	shalt  }
0x6c: {  	_ =	shalt  }
0x6d: {  	_ =	shalt  }
0x6e: {  	_ =	shalt  }
0x6f: {  	_ =	shalt  }
0x70: {  	_ =	shalt  }
0x71: {  	_ =	shalt  }
0x72: {  	_ =	shalt  }
0x73: {  	_ =	shalt  }
0x74: {  	_ =	shalt  }
0x75: {  	_ =	shalt  }
0x76: {  	_ =	shalt  }
0x77: {  	_ =	shalt  }
0x78: {  	_ =	shalt  }
0x79: {  	_ =	shalt  }
0x7a: {  	_ =	shalt  }
0x7b: {  	_ =	shalt  }
0x7c: {  	_ =	shalt  }
0x7d: {  	_ =	shalt  }
0x7e: {  	_ =	shalt  }
0x7f: {  	_ =	shalt  }
0x80: {  	_ =	shalt  }
0x81: {  	_ =	shalt  }
0x82: {  	_ =	shalt  }
0x83: {  	_ =	shalt  }
0x84: {  	_ =	shalt  }
0x85: {  	_ =	shalt  }
0x86: {  	_ =	shalt  }
0x87: {  	_ =	shalt  }
.Lfunc_end0:
.L_simem_size_0:
called_computation.1_lowered:
.L_overlay_start_0:
0x88: {  	s2 =	sld [smem:$0x3FD9]  }
0x89: {  	s3 =	sld [smem:$0x3FFE];
	_ =	sdelay $0x1  }
0x8a: {  	s1 =	srdreg.scid  }
0x8b: {  	s0 =	sand.u32 $0x1, s1  }
0x8c: {  	s16 =	sshll.u32 s0, $0xA;
	s2 =	sadd.s32 s3, s2  }
0x8d: {  	s2 =	sadd.s32 s2, s16  }
0x8e: {  	[smem:$0x3FB9] =	sst s2  }
0x8f: {  	_ = 	snop  }
0x90: {  	(tm) =	ssettm $0x1  }
0x91: {  	s17 =	sld [smem:$0x3FFB];
	_ =	sdelay $0x3  }
0x92: {  	_ =	strace s17  }
0x93: {  	s2 =	sld [smem:$0x3FFC];
	_ =	sdelay $0x3  }
0x94: {  	_ =	strace s2  }
0x95: {  	s2 =	sld [smem:$0x3FFD];
	_ =	sdelay $0x3  }
0x96: {  	_ =	strace s2  }
0x97: {  	_ =	strace $0x8FFFFFFF  }
0x98: {  	s18 =	sld [smem:$0x3FDB];
	_ =	sdelay $0x1  }
0x99: {  	s19 =	simm.s32 $_scs_section_size  }
0x9a: {  	s4 =	simm.s32 $_size__tile_overlayer_lowered;
	s5 =	simm.s32 $_tile_overlayer_lowered  }
0x9b: {  	s22 =	simm.s32 $0x1BFF;
	s21 =	sshll.u32 s5, $0x1;
	s2 =	sadd.s32 s19, s18  }
0x9c: {  	s6 =	simm.s32 $0x0;
	s20 =	sshll.u32 s4, $0x1;
	s4 =	sadd.s32 s21, s2  }
0x9d: {  	[timem:s6], [sflag:s22] =	dma.local [hbm:s4], s20  }
0x9e: {  	_ =	swait.ge [sflag:s22], s20  }
0x9f: {  	s3 =	ssub.s32 $0x0, s20;
	[sflag:s22] =	ssyncset.done $0x0  }
0xa0: {  	[sflag:s22] =	ssyncadd.s32 s3;
	_ =	sdelay $0x1  }
0xa1: {  	s23 =	simm.s32 $0x1B8B  }
0xa2: {  	_ =	swait.ge [sflag:s23], $0x1  }
0xa3: {  	[sflag:s23] =	ssyncset.done $0x0  }
0xa4: {  	s25 =	simm.s32 $0x1B8E;
	s24 =	sld [smem:$0x3FFE];
	[sflag:s23] =	ssyncadd.s32 $0xFFFFFFFF  }
0xa5: {  	s26 =	simm.s32 $execute0_lowered;
	[smem:$0x3FD2] =	sst s25  }
0xa6: {  	s4 =	sshll.u32 s26, $0x1;
	_ =	strace $0x80000049;
	[dreg:$0x1] =	wrdreg $0xFFFFFFFF  }
0xa7: {  	s28 =	simm.s32 $_size_execute0_lowered;
	s2 =	sadd.s32 s2, s4;
	[dreg:$0x0] =	wrdreg $0x0  }
0xa8: {  	s4 =	sshll.u32 s28, $0x1;
	[dreg:$0x2] =	wrdreg s2  }
0xa9: {  	[dreg:$0x3] =	wrdreg s4  }
0xaa: {  	[dreg:$0x4] =	wrdreg $0xC0  }
0xab: {  	_ =	task [dreg:s6], $0x5FFFF  }
0xac: {  	[dreg:$0x1] =	wrdreg $0xFFFFFFFF  }
0xad: {  	[dreg:$0x0] =	wrdreg $0x60  }
0xae: {  	[dreg:$0x2] =	wrdreg s24  }
0xaf: {  	[dreg:$0x3] =	wrdreg $0x68000  }
0xb0: {  	[dreg:$0x4] =	wrdreg $0x9  }
0xb1: {  	_ =	task.clear_ibuf [dreg:s6], $0x5FFFF;
	_ =	strace $0x90000049  }
0xb2: {  	s29 =	simm.s32 $0x9;
	_ =	strace $0x8000004B  }
0xb3: {  	_ =	swait.ge [sflag:s29], $0x1  }
0xb4: {  	[sflag:s29] =	ssyncadd.s32 $0xFFFFFFFF  }
0xb5: {  	_ =	strace $0x9000004B  }
0xb6: {  	_ =	sfence  }
0xb7: {  	s30 =	sld [smem:$0x0];
	_ =	sdelay $0x2  }
0xb8: {  	s31 =	sshll.u32 s1, $0xD;
	s1 =	sshrl.u32 s1, $0x2  }
0xb9: {  	s3 =	sand.u32 $0x4000, s31;
	s1 =	sadd.s32 s1, s30  }
0xba: {  	s0 =	sor.u32 s3, s0;
	s1 =	sshll.u32 s1, $0x11  }
0xbb: {  	s0 =	sor.u32 s1, s0  }
0xbc: {  	s0 =	sadd.s32 $0x8F2B, s0  }
0xbd: {  	[sflag:s0] =	ssyncadd.remote.s32 $0x1  }
0xbe: {  	_ =	sfence.sel $0xFFFF  }
0xbf: {  	[dreg:$0x0] =	wrdreg $0xFFFFFFFF;
	(pc) =	sbr.abs _section_cstart, $3  }
0xc0: {  	[dreg:$0x1] =	wrdreg $0xFFFFFFFF  }
0xc1: {  	_ =	task.clear_ibuf [dreg:s6], $0x2FFFF;
	_ =	strace $0x9FFFFFFF  }
0xc2: {  	(tm) =	ssettm $0x7FFFFFFF  }
0xc3: {  	_ =	shalt  }
tec
execute0_lowered:
.L_overlay_start_1:
0x0: {  	(tag) =	ssettag $0x1  }
0x1: {  	s7 =	rddreg [dreg:$0x0]  }
0x2: {  	s2 =	rddreg [dreg:$0x1]  }
0x3: {  	s0 =	rddreg [dreg:$0x2];
	s4 =	srdreg.scid  }
0x4: {  	s1 =	stileid.u32;
	s3 =	simm.s32 $0x0;
	s16 =	simm.s32 $0x2800  }
0x5: {  	s17 =	simm.s32 $0x2;
	s18 =	simm.s32 $0x1400;
	s19 =	simm.s32 $0x80  }
0x6: {  	s20 =	simm.s32 $0x1;
	s8 =	sand.u32 $0x1, s4;
	s9 =	smul.u32 $0x2800, s1  }
0x7: {  	[smem:$0x7FF] =	sst s3;
	s4 =	sadd.s32 $0x72000, s7;
	s11 =	smul.u32 $0x50000, s1  }
0x8: {  	s5 =	sadd.s32 $0x5E000, s7;
	s6 =	sadd.s32 $0x4000, s7;
	s13 =	smul.u32 $0x5000, s1  }
0x9: {  	s21 =	sshll.u32 s1, $0x6;
	s10 =	smul.u32 $0x28000, s8;
	_ =	strace $0x8000004A  }
0xa: {  	s28 =	ssub.s32 $0x2, s8;
	s8 =	sshll.u32 s8, $0x4;
	s21 =	sor.u32 $0x1C02, s21  }
0xb: {  	s29 =	sshrl.u32 s11, $0x2;
	s30 =	sshrl.u32 s28, $0x1;
	s31 =	sor.u32 s1, s8  }
0xc: {  	s9 =	sadd.s32 s9, s10;
	s15 =	ssub.s32 s28, s30;
	s11 =	smul.u32 $0x5000, s31  }
0xd: {  	s14 =	sadd.s32 s9, s7;
	s7 =	sadd.s32 s29, s2;
	s15 =	smax.u32 s15, $0x1  }
0xe: {  	s8 =	sadd.s32 $0x4000, s7;
	s9 =	sadd.s32 $0x8000, s7;
	s10 =	sadd.s32 $0xC000, s7  }
0xf: {  	v0 =	vimm.f32 $0.0e+00;
	s12 =	sadd.s32 $0x10000, s7;
	s14 =	sadd.s32 $0xC2000, s14;
	s22 =	sshrl.u32 s7, $0x3  }
.LBB2_1:
0x10: {  	s23 =	simm.s32 $0x0;
	s24 =	simm.s32 $0x200  }
.LBB2_2:
0x11: {  	p0 =	sne.s32 s24, $0xFE00;
	[tilespmem:s23+$0x2870] =	vst v0  }
0x12: {  	[tilespmem:s23+$0x2800] =	vst v0  }
0x13: {  	[tilespmem:s23+$0x2810] =	vst v0  }
.Ltmp0:
0x14: {  	[tilespmem:s23+$0x2820] =	vst v0;
	(pc) =	sbr.rel @p0 .LBB2_2-.Ltmp0, $4  }
0x15: {  	[tilespmem:s23+$0x2830] =	vst v0  }
0x16: {  	[tilespmem:s23+$0x2840] =	vst v0  }
0x17: {  	[tilespmem:s23+$0x2850] =	vst v0  }
0x18: {  	[tilespmem:s23+$0x2860] =	vst v0;
	s23 =	sshra.s32 s24, $0x2;
	s24 =	sadd.s32 $0x200, s24  }
0x19: {  	[tilespmem:s23+$0x2870] =	vst v0  }
0x1a: {  	[tilespmem:s23+$0x2800] =	vst v0  }
0x1b: {  	[tilespmem:s23+$0x2810] =	vst v0  }
0x1c: {  	[tilespmem:s23+$0x2820] =	vst v0  }
0x1d: {  	[tilespmem:s23+$0x2830] =	vst v0  }
0x1e: {  	[tilespmem:s23+$0x2840] =	vst v0  }
0x1f: {  	[tilespmem:s23+$0x2850] =	vst v0  }
0x20: {  	[tilespmem:s23+$0x2860] =	vst v0  }
0x21: {  	[spmem:s7] =	stream.linear.scatter [tilespmem:s16], [sflag:$0x2], $0x4000, $0x38;
	[tilespmem:$0x1A800] =	vst v63  }
0x22: {  	_ =	swait.ge [sflag:s17], $0x4000  }
0x23: {  	[sflag:s17] =	ssyncset.done $0x0  }
0x24: {  	[sflag:s17] =	ssyncadd.s32 $0xFFFFC000  }
0x25: {  	[spmem:s8] =	stream.linear.scatter [tilespmem:s16], [sflag:$0x2], $0x4000, $0x38;
	[tilespmem:$0x1A800] =	vst v63  }
0x26: {  	_ =	swait.ge [sflag:s17], $0x4000  }
0x27: {  	[sflag:s17] =	ssyncset.done $0x0  }
0x28: {  	[sflag:s17] =	ssyncadd.s32 $0xFFFFC000  }
0x29: {  	[spmem:s9] =	stream.linear.scatter [tilespmem:s16], [sflag:$0x2], $0x4000, $0x38;
	[tilespmem:$0x1A800] =	vst v63  }
0x2a: {  	_ =	swait.ge [sflag:s17], $0x4000  }
0x2b: {  	[sflag:s17] =	ssyncset.done $0x0  }
0x2c: {  	[sflag:s17] =	ssyncadd.s32 $0xFFFFC000  }
0x2d: {  	[spmem:s10] =	stream.linear.scatter [tilespmem:s16], [sflag:$0x2], $0x4000, $0x38;
	[tilespmem:$0x1A800] =	vst v63  }
0x2e: {  	_ =	swait.ge [sflag:s17], $0x4000  }
0x2f: {  	[sflag:s17] =	ssyncset.done $0x0  }
0x30: {  	[sflag:s17] =	ssyncadd.s32 $0xFFFFC000  }
0x31: {  	[spmem:s12] =	stream.linear.scatter [tilespmem:s16], [sflag:$0x2], $0x4000, $0x38;
	[tilespmem:$0x1A800] =	vst v63  }
0x32: {  	_ =	swait.ge [sflag:s17], $0x4000  }
0x33: {  	[sflag:s17] =	ssyncset.done $0x0  }
0x34: {  	[sflag:s17] =	ssyncadd.s32 $0xFFFFC000  }
0x35: {  	s23 =	simm.s32 $0x0;
	s24 =	simm.s32 $0x0;
	[bflag:$0x0] =	sbarrier.arrive $0xFFFF  }
.LBB2_4:
0x36: {  	s25 =	smul.u32 $0x1400, s24;
	_ =	sdelay $0x1  }
0x37: {  	s26 =	sadd.s32 s11, s25  }
0x38: {  	s26 =	sshrl.u32 s26, $0x3  }
0x39: {  	s26 =	sadd.s32 s5, s26  }
0x3a: {  	[tilespmem:s23], [sflag:$0x2] =	stream.linear.gather [hbm4b:s26+s23], $0x1400, $0x38;
	[tilespmem:$0x1A800] =	vst v63  }
0x3b: {  	s25 =	sadd.s32 s13, s25;
	_ =	swait.ge [sflag:s17], $0x1400  }
0x3c: {  	s25 =	sshrl.u32 s25, $0x3;
	[sflag:s17] =	ssyncset.done $0x0  }
0x3d: {  	s25 =	sadd.s32 s6, s25;
	[sflag:s17] =	ssyncadd.s32 $0xFFFFEC00  }
0x3e: {  	[tilespmem:s18], [sflag:$0x2] =	stream.linear.gather [hbm4b:s25+s23], $0x1400, $0x38;
	[tilespmem:$0x1A800] =	vst v63  }
0x3f: {  	_ =	swait.ge [sflag:s17], $0x1400  }
0x40: {  	[sflag:s17] =	ssyncset.done $0x0  }
0x41: {  	s30 =	simm.s32 $0x0;
	[sflag:s17] =	ssyncadd.s32 $0xFFFFEC00  }
0x42: {  	[tilespmem:s16], [sflag:$0x1] =	stream.indirect.gather [hbm4b:s4+s19], $0x80, s30, s19, $0xb8;
	[tilespmem:$0x1A800] =	vst v63  }
0x43: {  	_ =	swait.ge [sflag:s20], $0x4000  }
0x44: {  	[sflag:s20] =	ssyncset.done $0x0  }
0x45: {  	s31 =	simm.s32 $0x1400;
	[sflag:s20] =	ssyncadd.s32 $0xFFFFC000  }
0x46: {  	[spmem:s2] =	stream.indirect.scatter.add.f32 [tilespmem:s16], [sflag:$0x2], $0x80, s31, s19, $0xb8;
	[tilespmem:$0x1A800] =	vst v63  }
0x47: {  	_ =	swait.ge [sflag:s17], $0x4000  }
0x48: {  	s26 =	simm.s32 $0x400;
	s25 =	simm.s32 $0x200;
	[sflag:s17] =	ssyncset.done $0x0  }
.LBB2_5:
0x49: {  	s28 =	sshra.s32 s25, $0x2  }
0x4a: {  	[sflag:s17] =	ssyncadd.s32 $0xFFFFC000;
	s25 =	smov.u32 s26;
	s29 =	sadd.s32 $0x200, s26  }
0x4b: {  	[tilespmem:s16], [sflag:$0x1] =	stream.indirect.gather [hbm4b:s4+s19], $0x80, s28, s19, $0xb8;
	[tilespmem:$0x1A800] =	vst v63  }
0x4c: {  	p0 =	sne.s32 s26, $0x4E00;
	_ =	swait.ge [sflag:s20], $0x4000  }
.Ltmp1:
0x4d: {  	[sflag:s20] =	ssyncset.done $0x0;
	(pc) =	sbr.rel @p0 .LBB2_5-.Ltmp1, $4  }
0x4e: {  	s26 =	sadd.s32 $0x1400, s28;
	[sflag:s20] =	ssyncadd.s32 $0xFFFFC000  }
0x4f: {  	[spmem:s2] =	stream.indirect.scatter.add.f32 [tilespmem:s16], [sflag:$0x2], $0x80, s26, s19, $0xb8;
	[tilespmem:$0x1A800] =	vst v63  }
0x50: {  	_ =	swait.ge [sflag:s17], $0x4000  }
0x51: {  	s26 =	smov.u32 s29;
	[sflag:s17] =	ssyncset.done $0x0  }
0x52: {  	s25 =	sshra.s32 s25, $0x2;
	[sflag:s17] =	ssyncadd.s32 $0xFFFFC000  }
0x53: {  	[tilespmem:s16], [sflag:$0x1] =	stream.indirect.gather [hbm4b:s4+s19], $0x80, s25, s19, $0xb8;
	[tilespmem:$0x1A800] =	vst v63  }
0x54: {  	s24 =	sadd.s32 $0x1, s24;
	_ =	swait.ge [sflag:s20], $0x4000  }
0x55: {  	p0 =	sne.s32 s24, $0x4;
	[sflag:s20] =	ssyncset.done $0x0  }
.Ltmp2:
0x56: {  	s25 =	sadd.s32 $0x1400, s25;
	[sflag:s20] =	ssyncadd.s32 $0xFFFFC000;
	(pc) =	sbr.rel @p0 .LBB2_4-.Ltmp2, $4  }
0x57: {  	[spmem:s2] =	stream.indirect.scatter.add.f32 [tilespmem:s16], [sflag:$0x2], $0x80, s25, s19, $0xb8;
	[tilespmem:$0x1A800] =	vst v63  }
0x58: {  	_ =	swait.ge [sflag:s17], $0x4000  }
0x59: {  	[sflag:s17] =	ssyncset.done $0x0  }
0x5a: {  	[sflag:s17] =	ssyncadd.s32 $0xFFFFC000  }
0x5b: {  	s3 =	sadd.s32 $0x1, s3  }
0x5c: {  	p0 =	sne.s32 s3, s15  }
.Ltmp3:
0x5d: {  	[bflag:$0x0] =	sbarrier.arrive $0xFFFF;
	(pc) =	sbr.rel @p0 .LBB2_1-.Ltmp3, $4  }
0x5e: {  	[hbm:s14], [sflag:s21] =	dma.local [spmem:s22], $0x2800  }
0x5f: {  	_ =	swait.ge [sflag:s17], $0x2800  }
0x60: {  	[sflag:s17] =	ssyncset.done $0x0  }
0x61: {  	[sflag:s17] =	ssyncadd.s32 $0xFFFFD800  }
0x62: {  	_ =	sfence.sel $0x180000  }
0x63: {  	[bflag:$0x0] =	sbarrier.arrive $0xFFFF  }
0x64: {  	p0 =	sne.s32 s1, $0x0;
	_ =	strace $0x9000004A  }
0x65: {  	s0 =	sadd.s32 @!p0 $0x100000, s0;
	[bflag:$0x2] =	sbarrier.arrive $0xFFFF  }
0x66: {  	[sflag:s0] =	ssyncadd.tile.s32 @!p0 $0x1;
	_ =	shalt  }
.Lfunc_end2:
_tile_overlayer_lowered:
.L_overlay_start_2:
0x67: {  	(tag) =	ssettag $0x2  }
0x68: {  	s0 =	rddreg [dreg:$0x0];
	s2 =	stileid.u32  }
0x69: {  	s1 =	rddreg [dreg:$0x1];
	p0 =	sne.s32 s2, $0x0  }
0x6a: {  	s3 =	rddreg [dreg:$0x2];
	[bflag:$0x3] =	sbarrier.arrive $0xFFFF;
	s2 =	simm.s32 @!p0 $0x1C02  }
0x6b: {  	[timem:s3], [sflag:s2] =	dma.local @!p0 [hbm:s0], s1  }
0x6c: {  	s0 =	simm.s32 @!p0 $0x2  }
0x6d: {  	_ =	swait.ge @!p0 [sflag:s0], s1  }
0x6e: {  	s1 =	ssub.s32 @!p0 $0x0, s1;
	[sflag:s0] =	ssyncset.done @!p0 $0x0  }
0x6f: {  	[sflag:s0] =	ssyncadd.s32 @!p0 s1  }
0x70: {  	[bflag:$0x3] =	sbarrier.arrive $0xFFFF  }
0x71: {  	_ =	shalt  }

// kernel: kernel.16.cloned.1.call-start
scs
__scs_entry_jumppad:
0x0: {  	(pc) =	sbr.rel $0x88, $3  }
0x1: {  	(tag) =	ssettag $0x0;
	lr =	simm.s32 $0x1  }
0x2: {  	[smem:$0x3F92] =	sst lr;
	_ =	strace $0xD0000000  }
0x3: {  	_ = 	snop  }
0x4: {  	_ = 	snop  }
0x5: {  	_ = 	snop  }
0x6: {  	_ = 	snop  }
0x7: {  	_ = 	snop  }
__scs_overlays_trampoline_lowered:
0x8: {  	[smem:$0x3FA1] =	sst s0  }
0x9: {  	[smem:$0x3FA2] =	sst s1  }
0xa: {  	[smem:$0x3FA3] =	sst s2  }
0xb: {  	[smem:$0x3FA4] =	sst s3  }
0xc: {  	[smem:$0x3FA5] =	sst s4  }
0xd: {  	[smem:$0x3FA6] =	sst s5  }
0xe: {  	[smem:$0x3FA7] =	sst s6  }
0xf: {  	[smem:$0x3FA8] =	sst s7  }
0x10: {  	[smem:$0x3FA9] =	sst s8  }
0x11: {  	[smem:$0x3FAA] =	sst s9;
	s0 =	simm.s32 @!p0 $0x0  }
0x12: {  	s1 =	sld [smem:$0x3F90];
	s0 =	simm.s32 @p0 $0x1  }
0x13: {  	[smem:$0x3FAB] =	sst s0;
	s0 =	simm.s32 @!p1 $0x0  }
0x14: {  	s2 =	sld [smem:$0x3F8F];
	s0 =	simm.s32 @p1 $0x1  }
0x15: {  	[smem:$0x3FAC] =	sst s0;
	s0 =	simm.s32 @!p2 $0x0  }
0x16: {  	s3 =	sld [smem:$0x3FDB];
	s0 =	simm.s32 @p2 $0x1  }
0x17: {  	s4 =	simm.s32 $0x1BF5;
	[smem:$0x3FAE] =	sst s0  }
0x18: {  	s0 =	sld [smem:$0x3F91];
	_ =	swait.ge [sflag:s4], $0x0  }
0x19: {  	s7 =	sld [smem:$0x3F92]  }
0x1a: {  	s8 =	sadd.s32 $0xFFFFE003, lr  }
0x1b: {  	s9 =	sadd.s32 $0xFFFFFEF7, lr;
	s5 =	simm.s32 $0xFFFFFFFF;
	p2 =	slt.u32 s8, $0xFFFFF086  }
0x1c: {  	p1 =	slt.u32 s9, $0xF7A;
	s5 =	simm.s32 @!p2 $0x0  }
0x1d: {  	s5 =	simm.s32 @p1 $0x1;
	p0 =	seq.s32 s7, s2  }
0x1e: {  	s7 =	smul.u32 @!p0 $0xF7A, s2;
	p2 =	seq.s32 @!p0 s5, $0x0  }
0x1f: {  	s9 =	smul.u32 $0xF7A, s1;
	s8 =	simm.s32 @!p0 $0x1BF5;
	p2 =	por !p2, p0  }
0x20: {  	[sflag:s8] =	ssyncset.s32 @!p0 $0xFFFFF086;
	s6 =	sadd.s32 @!p0 s3, s7;
	s7 =	simm.s32 @!p0 $0x108  }
0x21: {  	s3 =	sadd.s32 s3, s9;
	s6 =	sadd.s32 @!p0 $0x88, s6;
	s7 =	simm.s32 @p2 $0x1082  }
0x22: {  	[simem:s7], [sflag:s8] =	dma.local @!p0 [hbm:s6], $0xF7A  }
0x23: {  	s9 =	sor.u32 $0xD0000000, s2;
	s6 =	simm.s32 $0x108;
	_ =	swait.ge @!p0 [sflag:s8], $0x0  }
0x24: {  	s3 =	sadd.s32 $0x88, s3;
	s6 =	simm.s32 @!p1 $0x1082;
	[sflag:s4] =	ssyncset.s32 $0xFFFFF086  }
0x25: {  	[simem:s6], [sflag:s4] =	dma.local [hbm:s3], $0xF7A  }
0x26: {  	[smem:$0x3F92] =	sst s1;
	(tag) =	ssettag s2;
	_ =	strace s9  }
0x27: {  	s1 =	sld [smem:$0x3FA2]  }
0x28: {  	s2 =	sld [smem:$0x3FA3]  }
0x29: {  	s4 =	sld [smem:$0x3FA5]  }
0x2a: {  	p0 =	seq.s32 s5, $0x0;
	s5 =	sld [smem:$0x3FA6]  }
0x2b: {  	s6 =	sld [smem:$0x3FA7]  }
0x2c: {  	s7 =	sld [smem:$0x3FA8]  }
0x2d: {  	s3 =	simm.s32 $0x108;
	s8 =	sld [smem:$0x3FA9]  }
0x2e: {  	s3 =	simm.s32 @!p0 $0x1082;
	s9 =	sld [smem:$0x3FAA]  }
0x2f: {  	lr =	sadd.s32 s0, s3;
	s0 =	sld [smem:$0x3FA1]  }
0x30: {  	s3 =	sld [smem:$0x3FA4]  }
0x31: {  	[smem:$0x3FAD] =	sst s10  }
0x32: {  	s10 =	sld [smem:$0x3FAB];
	_ =	sdelay $0x3  }
0x33: {  	p0 =	seq.s32 s10, $0x1;
	s10 =	sld [smem:$0x3FAD];
	_ =	sdelay $0x3  }
0x34: {  	[smem:$0x3FAD] =	sst s10  }
0x35: {  	s10 =	sld [smem:$0x3FAC];
	_ =	sdelay $0x3  }
0x36: {  	p1 =	seq.s32 s10, $0x1;
	s10 =	sld [smem:$0x3FAD];
	_ =	sdelay $0x3  }
0x37: {  	[smem:$0x3FAD] =	sst s10  }
0x38: {  	s10 =	sld [smem:$0x3FAE]  }
0x39: {  	_ = 	snop;
	(pc) =	sbr.ind lr, $3  }
0x3a: {  	_ = 	snop  }
0x3b: {  	_ = 	snop  }
0x3c: {  	p2 =	seq.s32 s10, $0x1;
	s10 =	sld [smem:$0x3FAD]  }
0x3d: {  	_ =	shalt  }
0x3e: {  	_ =	shalt  }
0x3f: {  	_ =	shalt  }
0x40: {  	_ =	shalt  }
0x41: {  	_ =	shalt  }
0x42: {  	_ =	shalt  }
0x43: {  	_ =	shalt  }
0x44: {  	_ =	shalt  }
0x45: {  	_ =	shalt  }
0x46: {  	_ =	shalt  }
0x47: {  	_ =	shalt  }
0x48: {  	_ =	shalt  }
0x49: {  	_ =	shalt  }
0x4a: {  	_ =	shalt  }
0x4b: {  	_ =	shalt  }
0x4c: {  	_ =	shalt  }
0x4d: {  	_ =	shalt  }
0x4e: {  	_ =	shalt  }
0x4f: {  	_ =	shalt  }
0x50: {  	_ =	shalt  }
0x51: {  	_ =	shalt  }
0x52: {  	_ =	shalt  }
0x53: {  	_ =	shalt  }
0x54: {  	_ =	shalt  }
0x55: {  	_ =	shalt  }
0x56: {  	_ =	shalt  }
0x57: {  	_ =	shalt  }
0x58: {  	_ =	shalt  }
0x59: {  	_ =	shalt  }
0x5a: {  	_ =	shalt  }
0x5b: {  	_ =	shalt  }
0x5c: {  	_ =	shalt  }
0x5d: {  	_ =	shalt  }
0x5e: {  	_ =	shalt  }
0x5f: {  	_ =	shalt  }
0x60: {  	_ =	shalt  }
0x61: {  	_ =	shalt  }
0x62: {  	_ =	shalt  }
0x63: {  	_ =	shalt  }
0x64: {  	_ =	shalt  }
0x65: {  	_ =	shalt  }
0x66: {  	_ =	shalt  }
0x67: {  	_ =	shalt  }
0x68: {  	_ =	shalt  }
0x69: {  	_ =	shalt  }
0x6a: {  	_ =	shalt  }
0x6b: {  	_ =	shalt  }
0x6c: {  	_ =	shalt  }
0x6d: {  	_ =	shalt  }
0x6e: {  	_ =	shalt  }
0x6f: {  	_ =	shalt  }
0x70: {  	_ =	shalt  }
0x71: {  	_ =	shalt  }
0x72: {  	_ =	shalt  }
0x73: {  	_ =	shalt  }
0x74: {  	_ =	shalt  }
0x75: {  	_ =	shalt  }
0x76: {  	_ =	shalt  }
0x77: {  	_ =	shalt  }
0x78: {  	_ =	shalt  }
0x79: {  	_ =	shalt  }
0x7a: {  	_ =	shalt  }
0x7b: {  	_ =	shalt  }
0x7c: {  	_ =	shalt  }
0x7d: {  	_ =	shalt  }
0x7e: {  	_ =	shalt  }
0x7f: {  	_ =	shalt  }
0x80: {  	_ =	shalt  }
0x81: {  	_ =	shalt  }
0x82: {  	_ =	shalt  }
0x83: {  	_ =	shalt  }
0x84: {  	_ =	shalt  }
0x85: {  	_ =	shalt  }
0x86: {  	_ =	shalt  }
0x87: {  	_ =	shalt  }
.Lfunc_end0:
.L_simem_size_0:
called_computation.2_lowered:
.L_overlay_start_0:
0x88: {  	s2 =	sld [smem:$0x3FD9]  }
0x89: {  	s3 =	sld [smem:$0x3FFE];
	_ =	sdelay $0x1  }
0x8a: {  	s1 =	srdreg.scid  }
0x8b: {  	s0 =	sand.u32 $0x1, s1  }
0x8c: {  	s16 =	sshll.u32 s0, $0xA;
	s2 =	sadd.s32 s3, s2  }
0x8d: {  	s2 =	sadd.s32 s2, s16  }
0x8e: {  	[smem:$0x3FB9] =	sst s2  }
0x8f: {  	_ = 	snop  }
0x90: {  	(tm) =	ssettm $0x1  }
0x91: {  	s17 =	sld [smem:$0x3FFB];
	_ =	sdelay $0x3  }
0x92: {  	_ =	strace s17  }
0x93: {  	s2 =	sld [smem:$0x3FFC];
	_ =	sdelay $0x3  }
0x94: {  	_ =	strace s2  }
0x95: {  	s2 =	sld [smem:$0x3FFD];
	_ =	sdelay $0x3  }
0x96: {  	_ =	strace s2  }
0x97: {  	_ =	strace $0x8FFFFFFF  }
0x98: {  	s18 =	sld [smem:$0x3FDB];
	_ =	sdelay $0x1  }
0x99: {  	s19 =	simm.s32 $_scs_section_size  }
0x9a: {  	s4 =	simm.s32 $_size__tile_overlayer_lowered;
	s5 =	simm.s32 $_tile_overlayer_lowered  }
0x9b: {  	s22 =	simm.s32 $0x1BFF;
	s21 =	sshll.u32 s5, $0x1;
	s2 =	sadd.s32 s19, s18  }
0x9c: {  	s6 =	simm.s32 $0x0;
	s20 =	sshll.u32 s4, $0x1;
	s4 =	sadd.s32 s21, s2  }
0x9d: {  	[timem:s6], [sflag:s22] =	dma.local [hbm:s4], s20  }
0x9e: {  	_ =	swait.ge [sflag:s22], s20  }
0x9f: {  	s3 =	ssub.s32 $0x0, s20;
	[sflag:s22] =	ssyncset.done $0x0  }
0xa0: {  	[sflag:s22] =	ssyncadd.s32 s3;
	_ =	sdelay $0x1  }
0xa1: {  	s23 =	simm.s32 $0x1B8B  }
0xa2: {  	_ =	swait.ge [sflag:s23], $0x1  }
0xa3: {  	[sflag:s23] =	ssyncset.done $0x0  }
0xa4: {  	s25 =	simm.s32 $0x1B8E;
	s24 =	sld [smem:$0x3FFE];
	[sflag:s23] =	ssyncadd.s32 $0xFFFFFFFF  }
0xa5: {  	s26 =	simm.s32 $execute0_lowered;
	[smem:$0x3FD2] =	sst s25  }
0xa6: {  	s4 =	sshll.u32 s26, $0x1;
	_ =	strace $0x8000004C;
	[dreg:$0x1] =	wrdreg $0xFFFFFFFF  }
0xa7: {  	s28 =	simm.s32 $_size_execute0_lowered;
	s2 =	sadd.s32 s2, s4;
	[dreg:$0x0] =	wrdreg $0x0  }
0xa8: {  	s4 =	sshll.u32 s28, $0x1;
	[dreg:$0x2] =	wrdreg s2  }
0xa9: {  	[dreg:$0x3] =	wrdreg s4  }
0xaa: {  	[dreg:$0x4] =	wrdreg $0xC0  }
0xab: {  	_ =	task [dreg:s6], $0x5FFFF  }
0xac: {  	[dreg:$0x1] =	wrdreg $0xFFFFFFFF  }
0xad: {  	[dreg:$0x0] =	wrdreg $0x60  }
0xae: {  	[dreg:$0x2] =	wrdreg s24  }
0xaf: {  	[dreg:$0x3] =	wrdreg $0x68000  }
0xb0: {  	[dreg:$0x4] =	wrdreg $0x9  }
0xb1: {  	_ =	task.clear_ibuf [dreg:s6], $0x5FFFF;
	_ =	strace $0x9000004C  }
0xb2: {  	s29 =	simm.s32 $0x9;
	_ =	strace $0x8000004E  }
0xb3: {  	_ =	swait.ge [sflag:s29], $0x1  }
0xb4: {  	[sflag:s29] =	ssyncadd.s32 $0xFFFFFFFF  }
0xb5: {  	_ =	strace $0x9000004E  }
0xb6: {  	_ =	sfence  }
0xb7: {  	s30 =	sld [smem:$0x0];
	_ =	sdelay $0x2  }
0xb8: {  	s31 =	sshll.u32 s1, $0xD;
	s1 =	sshrl.u32 s1, $0x2  }
0xb9: {  	s3 =	sand.u32 $0x4000, s31;
	s1 =	sadd.s32 s1, s30  }
0xba: {  	s0 =	sor.u32 s3, s0;
	s1 =	sshll.u32 s1, $0x11  }
0xbb: {  	s0 =	sor.u32 s1, s0  }
0xbc: {  	s0 =	sadd.s32 $0x8F2B, s0  }
0xbd: {  	[sflag:s0] =	ssyncadd.remote.s32 $0x1  }
0xbe: {  	_ =	sfence.sel $0xFFFF  }
0xbf: {  	[dreg:$0x0] =	wrdreg $0xFFFFFFFF;
	(pc) =	sbr.abs _section_cstart, $3  }
0xc0: {  	[dreg:$0x1] =	wrdreg $0xFFFFFFFF  }
0xc1: {  	_ =	task.clear_ibuf [dreg:s6], $0x2FFFF;
	_ =	strace $0x9FFFFFFF  }
0xc2: {  	(tm) =	ssettm $0x7FFFFFFF  }
0xc3: {  	_ =	shalt  }
tec
execute0_lowered:
.L_overlay_start_1:
0x0: {  	(tag) =	ssettag $0x1  }
0x1: {  	s7 =	rddreg [dreg:$0x0]  }
0x2: {  	s2 =	rddreg [dreg:$0x1]  }
0x3: {  	s0 =	rddreg [dreg:$0x2];
	s4 =	srdreg.scid  }
0x4: {  	s1 =	stileid.u32;
	s3 =	simm.s32 $0x0;
	s16 =	simm.s32 $0x2800  }
0x5: {  	s17 =	simm.s32 $0x2;
	s18 =	simm.s32 $0x1400;
	s19 =	simm.s32 $0x80  }
0x6: {  	s20 =	simm.s32 $0x1;
	s8 =	sand.u32 $0x1, s4;
	s9 =	smul.u32 $0x2800, s1  }
0x7: {  	[smem:$0x7FF] =	sst s3;
	s4 =	sadd.s32 $0x72000, s7;
	s11 =	smul.u32 $0x50000, s1  }
0x8: {  	s5 =	sadd.s32 $0x5E000, s7;
	s6 =	sadd.s32 $0x4000, s7;
	s13 =	smul.u32 $0x5000, s1  }
0x9: {  	s21 =	sshll.u32 s1, $0x6;
	s10 =	smul.u32 $0x28000, s8;
	_ =	strace $0x8000004D  }
0xa: {  	s28 =	ssub.s32 $0x2, s8;
	s8 =	sshll.u32 s8, $0x4;
	s21 =	sor.u32 $0x1C02, s21  }
0xb: {  	s29 =	sshrl.u32 s11, $0x2;
	s30 =	sshrl.u32 s28, $0x1;
	s31 =	sor.u32 s1, s8  }
0xc: {  	s9 =	sadd.s32 s9, s10;
	s15 =	ssub.s32 s28, s30;
	s11 =	smul.u32 $0x5000, s31  }
0xd: {  	s14 =	sadd.s32 s9, s7;
	s7 =	sadd.s32 s29, s2;
	s15 =	smax.u32 s15, $0x1  }
0xe: {  	s8 =	sadd.s32 $0x4000, s7;
	s9 =	sadd.s32 $0x8000, s7;
	s10 =	sadd.s32 $0xC000, s7  }
0xf: {  	v0 =	vimm.f32 $0.0e+00;
	s12 =	sadd.s32 $0x10000, s7;
	s14 =	sadd.s32 $0xC2000, s14;
	s22 =	sshrl.u32 s7, $0x3  }
.LBB2_1:
0x10: {  	s23 =	simm.s32 $0x0;
	s24 =	simm.s32 $0x200  }
.LBB2_2:
0x11: {  	p0 =	sne.s32 s24, $0xFE00;
	[tilespmem:s23+$0x2870] =	vst v0  }
0x12: {  	[tilespmem:s23+$0x2800] =	vst v0  }
0x13: {  	[tilespmem:s23+$0x2810] =	vst v0  }
.Ltmp0:
0x14: {  	[tilespmem:s23+$0x2820] =	vst v0;
	(pc) =	sbr.rel @p0 .LBB2_2-.Ltmp0, $4  }
0x15: {  	[tilespmem:s23+$0x2830] =	vst v0  }
0x16: {  	[tilespmem:s23+$0x2840] =	vst v0  }
0x17: {  	[tilespmem:s23+$0x2850] =	vst v0  }
0x18: {  	[tilespmem:s23+$0x2860] =	vst v0;
	s23 =	sshra.s32 s24, $0x2;
	s24 =	sadd.s32 $0x200, s24  }
0x19: {  	[tilespmem:s23+$0x2870] =	vst v0  }
0x1a: {  	[tilespmem:s23+$0x2800] =	vst v0  }
0x1b: {  	[tilespmem:s23+$0x2810] =	vst v0  }
0x1c: {  	[tilespmem:s23+$0x2820] =	vst v0  }
0x1d: {  	[tilespmem:s23+$0x2830] =	vst v0  }
0x1e: {  	[tilespmem:s23+$0x2840] =	vst v0  }
0x1f: {  	[tilespmem:s23+$0x2850] =	vst v0  }
0x20: {  	[tilespmem:s23+$0x2860] =	vst v0  }
0x21: {  	[spmem:s7] =	stream.linear.scatter [tilespmem:s16], [sflag:$0x2], $0x4000, $0x38;
	[tilespmem:$0x1A800] =	vst v63  }
0x22: {  	_ =	swait.ge [sflag:s17], $0x4000  }
0x23: {  	[sflag:s17] =	ssyncset.done $0x0  }
0x24: {  	[sflag:s17] =	ssyncadd.s32 $0xFFFFC000  }
0x25: {  	[spmem:s8] =	stream.linear.scatter [tilespmem:s16], [sflag:$0x2], $0x4000, $0x38;
	[tilespmem:$0x1A800] =	vst v63  }
0x26: {  	_ =	swait.ge [sflag:s17], $0x4000  }
0x27: {  	[sflag:s17] =	ssyncset.done $0x0  }
0x28: {  	[sflag:s17] =	ssyncadd.s32 $0xFFFFC000  }
0x29: {  	[spmem:s9] =	stream.linear.scatter [tilespmem:s16], [sflag:$0x2], $0x4000, $0x38;
	[tilespmem:$0x1A800] =	vst v63  }
0x2a: {  	_ =	swait.ge [sflag:s17], $0x4000  }
0x2b: {  	[sflag:s17] =	ssyncset.done $0x0  }
0x2c: {  	[sflag:s17] =	ssyncadd.s32 $0xFFFFC000  }
0x2d: {  	[spmem:s10] =	stream.linear.scatter [tilespmem:s16], [sflag:$0x2], $0x4000, $0x38;
	[tilespmem:$0x1A800] =	vst v63  }
0x2e: {  	_ =	swait.ge [sflag:s17], $0x4000  }
0x2f: {  	[sflag:s17] =	ssyncset.done $0x0  }
0x30: {  	[sflag:s17] =	ssyncadd.s32 $0xFFFFC000  }
0x31: {  	[spmem:s12] =	stream.linear.scatter [tilespmem:s16], [sflag:$0x2], $0x4000, $0x38;
	[tilespmem:$0x1A800] =	vst v63  }
0x32: {  	_ =	swait.ge [sflag:s17], $0x4000  }
0x33: {  	[sflag:s17] =	ssyncset.done $0x0  }
0x34: {  	[sflag:s17] =	ssyncadd.s32 $0xFFFFC000  }
0x35: {  	s23 =	simm.s32 $0x0;
	s24 =	simm.s32 $0x0;
	[bflag:$0x0] =	sbarrier.arrive $0xFFFF  }
.LBB2_4:
0x36: {  	s25 =	smul.u32 $0x1400, s24;
	_ =	sdelay $0x1  }
0x37: {  	s26 =	sadd.s32 s11, s25  }
0x38: {  	s26 =	sshrl.u32 s26, $0x3  }
0x39: {  	s26 =	sadd.s32 s5, s26  }
0x3a: {  	[tilespmem:s23], [sflag:$0x2] =	stream.linear.gather [hbm4b:s26+s23], $0x1400, $0x38;
	[tilespmem:$0x1A800] =	vst v63  }
0x3b: {  	s25 =	sadd.s32 s13, s25;
	_ =	swait.ge [sflag:s17], $0x1400  }
0x3c: {  	s25 =	sshrl.u32 s25, $0x3;
	[sflag:s17] =	ssyncset.done $0x0  }
0x3d: {  	s25 =	sadd.s32 s6, s25;
	[sflag:s17] =	ssyncadd.s32 $0xFFFFEC00  }
0x3e: {  	[tilespmem:s18], [sflag:$0x2] =	stream.linear.gather [hbm4b:s25+s23], $0x1400, $0x38;
	[tilespmem:$0x1A800] =	vst v63  }
0x3f: {  	_ =	swait.ge [sflag:s17], $0x1400  }
0x40: {  	[sflag:s17] =	ssyncset.done $0x0  }
0x41: {  	s30 =	simm.s32 $0x0;
	[sflag:s17] =	ssyncadd.s32 $0xFFFFEC00  }
0x42: {  	[tilespmem:s16], [sflag:$0x1] =	stream.indirect.gather [hbm4b:s4+s19], $0x80, s30, s19, $0xb8;
	[tilespmem:$0x1A800] =	vst v63  }
0x43: {  	_ =	swait.ge [sflag:s20], $0x4000  }
0x44: {  	[sflag:s20] =	ssyncset.done $0x0  }
0x45: {  	s31 =	simm.s32 $0x1400;
	[sflag:s20] =	ssyncadd.s32 $0xFFFFC000  }
0x46: {  	[spmem:s2] =	stream.indirect.scatter.add.f32 [tilespmem:s16], [sflag:$0x2], $0x80, s31, s19, $0xb8;
	[tilespmem:$0x1A800] =	vst v63  }
0x47: {  	_ =	swait.ge [sflag:s17], $0x4000  }
0x48: {  	s26 =	simm.s32 $0x400;
	s25 =	simm.s32 $0x200;
	[sflag:s17] =	ssyncset.done $0x0  }
.LBB2_5:
0x49: {  	s28 =	sshra.s32 s25, $0x2  }
0x4a: {  	[sflag:s17] =	ssyncadd.s32 $0xFFFFC000;
	s25 =	smov.u32 s26;
	s29 =	sadd.s32 $0x200, s26  }
0x4b: {  	[tilespmem:s16], [sflag:$0x1] =	stream.indirect.gather [hbm4b:s4+s19], $0x80, s28, s19, $0xb8;
	[tilespmem:$0x1A800] =	vst v63  }
0x4c: {  	p0 =	sne.s32 s26, $0x4E00;
	_ =	swait.ge [sflag:s20], $0x4000  }
.Ltmp1:
0x4d: {  	[sflag:s20] =	ssyncset.done $0x0;
	(pc) =	sbr.rel @p0 .LBB2_5-.Ltmp1, $4  }
0x4e: {  	s26 =	sadd.s32 $0x1400, s28;
	[sflag:s20] =	ssyncadd.s32 $0xFFFFC000  }
0x4f: {  	[spmem:s2] =	stream.indirect.scatter.add.f32 [tilespmem:s16], [sflag:$0x2], $0x80, s26, s19, $0xb8;
	[tilespmem:$0x1A800] =	vst v63  }
0x50: {  	_ =	swait.ge [sflag:s17], $0x4000  }
0x51: {  	s26 =	smov.u32 s29;
	[sflag:s17] =	ssyncset.done $0x0  }
0x52: {  	s25 =	sshra.s32 s25, $0x2;
	[sflag:s17] =	ssyncadd.s32 $0xFFFFC000  }
0x53: {  	[tilespmem:s16], [sflag:$0x1] =	stream.indirect.gather [hbm4b:s4+s19], $0x80, s25, s19, $0xb8;
	[tilespmem:$0x1A800] =	vst v63  }
0x54: {  	s24 =	sadd.s32 $0x1, s24;
	_ =	swait.ge [sflag:s20], $0x4000  }
0x55: {  	p0 =	sne.s32 s24, $0x4;
	[sflag:s20] =	ssyncset.done $0x0  }
.Ltmp2:
0x56: {  	s25 =	sadd.s32 $0x1400, s25;
	[sflag:s20] =	ssyncadd.s32 $0xFFFFC000;
	(pc) =	sbr.rel @p0 .LBB2_4-.Ltmp2, $4  }
0x57: {  	[spmem:s2] =	stream.indirect.scatter.add.f32 [tilespmem:s16], [sflag:$0x2], $0x80, s25, s19, $0xb8;
	[tilespmem:$0x1A800] =	vst v63  }
0x58: {  	_ =	swait.ge [sflag:s17], $0x4000  }
0x59: {  	[sflag:s17] =	ssyncset.done $0x0  }
0x5a: {  	[sflag:s17] =	ssyncadd.s32 $0xFFFFC000  }
0x5b: {  	s3 =	sadd.s32 $0x1, s3  }
0x5c: {  	p0 =	sne.s32 s3, s15  }
.Ltmp3:
0x5d: {  	[bflag:$0x0] =	sbarrier.arrive $0xFFFF;
	(pc) =	sbr.rel @p0 .LBB2_1-.Ltmp3, $4  }
0x5e: {  	[hbm:s14], [sflag:s21] =	dma.local [spmem:s22], $0x2800  }
0x5f: {  	_ =	swait.ge [sflag:s17], $0x2800  }
0x60: {  	[sflag:s17] =	ssyncset.done $0x0  }
0x61: {  	[sflag:s17] =	ssyncadd.s32 $0xFFFFD800  }
0x62: {  	_ =	sfence.sel $0x180000  }
0x63: {  	[bflag:$0x0] =	sbarrier.arrive $0xFFFF  }
0x64: {  	p0 =	sne.s32 s1, $0x0;
	_ =	strace $0x9000004D  }
0x65: {  	s0 =	sadd.s32 @!p0 $0x100000, s0;
	[bflag:$0x2] =	sbarrier.arrive $0xFFFF  }
0x66: {  	[sflag:s0] =	ssyncadd.tile.s32 @!p0 $0x1;
	_ =	shalt  }
.Lfunc_end2:
_tile_overlayer_lowered:
.L_overlay_start_2:
0x67: {  	(tag) =	ssettag $0x2  }
0x68: {  	s0 =	rddreg [dreg:$0x0];
	s2 =	stileid.u32  }
0x69: {  	s1 =	rddreg [dreg:$0x1];
	p0 =	sne.s32 s2, $0x0  }
0x6a: {  	s3 =	rddreg [dreg:$0x2];
	[bflag:$0x3] =	sbarrier.arrive $0xFFFF;
	s2 =	simm.s32 @!p0 $0x1C02  }
0x6b: {  	[timem:s3], [sflag:s2] =	dma.local @!p0 [hbm:s0], s1  }
0x6c: {  	s0 =	simm.s32 @!p0 $0x2  }
0x6d: {  	_ =	swait.ge @!p0 [sflag:s0], s1  }
0x6e: {  	s1 =	ssub.s32 @!p0 $0x0, s1;
	[sflag:s0] =	ssyncset.done @!p0 $0x0  }
0x6f: {  	[sflag:s0] =	ssyncadd.s32 @!p0 s1  }
0x70: {  	[bflag:$0x3] =	sbarrier.arrive $0xFFFF  }
0x71: {  	_ =	shalt  }

// kernel: kernel.19.cloned.1.call-start
scs
__scs_entry_jumppad:
0x0: {  	(pc) =	sbr.rel $0x88, $3  }
0x1: {  	(tag) =	ssettag $0x0;
	lr =	simm.s32 $0x1  }
0x2: {  	[smem:$0x3F92] =	sst lr;
	_ =	strace $0xD0000000  }
0x3: {  	_ = 	snop  }
0x4: {  	_ = 	snop  }
0x5: {  	_ = 	snop  }
0x6: {  	_ = 	snop  }
0x7: {  	_ = 	snop  }
__scs_overlays_trampoline_lowered:
0x8: {  	[smem:$0x3FA1] =	sst s0  }
0x9: {  	[smem:$0x3FA2] =	sst s1  }
0xa: {  	[smem:$0x3FA3] =	sst s2  }
0xb: {  	[smem:$0x3FA4] =	sst s3  }
0xc: {  	[smem:$0x3FA5] =	sst s4  }
0xd: {  	[smem:$0x3FA6] =	sst s5  }
0xe: {  	[smem:$0x3FA7] =	sst s6  }
0xf: {  	[smem:$0x3FA8] =	sst s7  }
0x10: {  	[smem:$0x3FA9] =	sst s8  }
0x11: {  	[smem:$0x3FAA] =	sst s9;
	s0 =	simm.s32 @!p0 $0x0  }
0x12: {  	s1 =	sld [smem:$0x3F90];
	s0 =	simm.s32 @p0 $0x1  }
0x13: {  	[smem:$0x3FAB] =	sst s0;
	s0 =	simm.s32 @!p1 $0x0  }
0x14: {  	s2 =	sld [smem:$0x3F8F];
	s0 =	simm.s32 @p1 $0x1  }
0x15: {  	[smem:$0x3FAC] =	sst s0;
	s0 =	simm.s32 @!p2 $0x0  }
0x16: {  	s3 =	sld [smem:$0x3FDB];
	s0 =	simm.s32 @p2 $0x1  }
0x17: {  	s4 =	simm.s32 $0x1BF5;
	[smem:$0x3FAE] =	sst s0  }
0x18: {  	s0 =	sld [smem:$0x3F91];
	_ =	swait.ge [sflag:s4], $0x0  }
0x19: {  	s7 =	sld [smem:$0x3F92]  }
0x1a: {  	s8 =	sadd.s32 $0xFFFFE003, lr  }
0x1b: {  	s9 =	sadd.s32 $0xFFFFFEF7, lr;
	s5 =	simm.s32 $0xFFFFFFFF;
	p2 =	slt.u32 s8, $0xFFFFF086  }
0x1c: {  	p1 =	slt.u32 s9, $0xF7A;
	s5 =	simm.s32 @!p2 $0x0  }
0x1d: {  	s5 =	simm.s32 @p1 $0x1;
	p0 =	seq.s32 s7, s2  }
0x1e: {  	s7 =	smul.u32 @!p0 $0xF7A, s2;
	p2 =	seq.s32 @!p0 s5, $0x0  }
0x1f: {  	s9 =	smul.u32 $0xF7A, s1;
	s8 =	simm.s32 @!p0 $0x1BF5;
	p2 =	por !p2, p0  }
0x20: {  	[sflag:s8] =	ssyncset.s32 @!p0 $0xFFFFF086;
	s6 =	sadd.s32 @!p0 s3, s7;
	s7 =	simm.s32 @!p0 $0x108  }
0x21: {  	s3 =	sadd.s32 s3, s9;
	s6 =	sadd.s32 @!p0 $0x88, s6;
	s7 =	simm.s32 @p2 $0x1082  }
0x22: {  	[simem:s7], [sflag:s8] =	dma.local @!p0 [hbm:s6], $0xF7A  }
0x23: {  	s9 =	sor.u32 $0xD0000000, s2;
	s6 =	simm.s32 $0x108;
	_ =	swait.ge @!p0 [sflag:s8], $0x0  }
0x24: {  	s3 =	sadd.s32 $0x88, s3;
	s6 =	simm.s32 @!p1 $0x1082;
	[sflag:s4] =	ssyncset.s32 $0xFFFFF086  }
0x25: {  	[simem:s6], [sflag:s4] =	dma.local [hbm:s3], $0xF7A  }
0x26: {  	[smem:$0x3F92] =	sst s1;
	(tag) =	ssettag s2;
	_ =	strace s9  }
0x27: {  	s1 =	sld [smem:$0x3FA2]  }
0x28: {  	s2 =	sld [smem:$0x3FA3]  }
0x29: {  	s4 =	sld [smem:$0x3FA5]  }
0x2a: {  	p0 =	seq.s32 s5, $0x0;
	s5 =	sld [smem:$0x3FA6]  }
0x2b: {  	s6 =	sld [smem:$0x3FA7]  }
0x2c: {  	s7 =	sld [smem:$0x3FA8]  }
0x2d: {  	s3 =	simm.s32 $0x108;
	s8 =	sld [smem:$0x3FA9]  }
0x2e: {  	s3 =	simm.s32 @!p0 $0x1082;
	s9 =	sld [smem:$0x3FAA]  }
0x2f: {  	lr =	sadd.s32 s0, s3;
	s0 =	sld [smem:$0x3FA1]  }
0x30: {  	s3 =	sld [smem:$0x3FA4]  }
0x31: {  	[smem:$0x3FAD] =	sst s10  }
0x32: {  	s10 =	sld [smem:$0x3FAB];
	_ =	sdelay $0x3  }
0x33: {  	p0 =	seq.s32 s10, $0x1;
	s10 =	sld [smem:$0x3FAD];
	_ =	sdelay $0x3  }
0x34: {  	[smem:$0x3FAD] =	sst s10  }
0x35: {  	s10 =	sld [smem:$0x3FAC];
	_ =	sdelay $0x3  }
0x36: {  	p1 =	seq.s32 s10, $0x1;
	s10 =	sld [smem:$0x3FAD];
	_ =	sdelay $0x3  }
0x37: {  	[smem:$0x3FAD] =	sst s10  }
0x38: {  	s10 =	sld [smem:$0x3FAE]  }
0x39: {  	_ = 	snop;
	(pc) =	sbr.ind lr, $3  }
0x3a: {  	_ = 	snop  }
0x3b: {  	_ = 	snop  }
0x3c: {  	p2 =	seq.s32 s10, $0x1;
	s10 =	sld [smem:$0x3FAD]  }
0x3d: {  	_ =	shalt  }
0x3e: {  	_ =	shalt  }
0x3f: {  	_ =	shalt  }
0x40: {  	_ =	shalt  }
0x41: {  	_ =	shalt  }
0x42: {  	_ =	shalt  }
0x43: {  	_ =	shalt  }
0x44: {  	_ =	shalt  }
0x45: {  	_ =	shalt  }
0x46: {  	_ =	shalt  }
0x47: {  	_ =	shalt  }
0x48: {  	_ =	shalt  }
0x49: {  	_ =	shalt  }
0x4a: {  	_ =	shalt  }
0x4b: {  	_ =	shalt  }
0x4c: {  	_ =	shalt  }
0x4d: {  	_ =	shalt  }
0x4e: {  	_ =	shalt  }
0x4f: {  	_ =	shalt  }
0x50: {  	_ =	shalt  }
0x51: {  	_ =	shalt  }
0x52: {  	_ =	shalt  }
0x53: {  	_ =	shalt  }
0x54: {  	_ =	shalt  }
0x55: {  	_ =	shalt  }
0x56: {  	_ =	shalt  }
0x57: {  	_ =	shalt  }
0x58: {  	_ =	shalt  }
0x59: {  	_ =	shalt  }
0x5a: {  	_ =	shalt  }
0x5b: {  	_ =	shalt  }
0x5c: {  	_ =	shalt  }
0x5d: {  	_ =	shalt  }
0x5e: {  	_ =	shalt  }
0x5f: {  	_ =	shalt  }
0x60: {  	_ =	shalt  }
0x61: {  	_ =	shalt  }
0x62: {  	_ =	shalt  }
0x63: {  	_ =	shalt  }
0x64: {  	_ =	shalt  }
0x65: {  	_ =	shalt  }
0x66: {  	_ =	shalt  }
0x67: {  	_ =	shalt  }
0x68: {  	_ =	shalt  }
0x69: {  	_ =	shalt  }
0x6a: {  	_ =	shalt  }
0x6b: {  	_ =	shalt  }
0x6c: {  	_ =	shalt  }
0x6d: {  	_ =	shalt  }
0x6e: {  	_ =	shalt  }
0x6f: {  	_ =	shalt  }
0x70: {  	_ =	shalt  }
0x71: {  	_ =	shalt  }
0x72: {  	_ =	shalt  }
0x73: {  	_ =	shalt  }
0x74: {  	_ =	shalt  }
0x75: {  	_ =	shalt  }
0x76: {  	_ =	shalt  }
0x77: {  	_ =	shalt  }
0x78: {  	_ =	shalt  }
0x79: {  	_ =	shalt  }
0x7a: {  	_ =	shalt  }
0x7b: {  	_ =	shalt  }
0x7c: {  	_ =	shalt  }
0x7d: {  	_ =	shalt  }
0x7e: {  	_ =	shalt  }
0x7f: {  	_ =	shalt  }
0x80: {  	_ =	shalt  }
0x81: {  	_ =	shalt  }
0x82: {  	_ =	shalt  }
0x83: {  	_ =	shalt  }
0x84: {  	_ =	shalt  }
0x85: {  	_ =	shalt  }
0x86: {  	_ =	shalt  }
0x87: {  	_ =	shalt  }
.Lfunc_end0:
.L_simem_size_0:
called_computation.3_lowered:
.L_overlay_start_0:
0x88: {  	s2 =	sld [smem:$0x3FD9]  }
0x89: {  	s3 =	sld [smem:$0x3FFE];
	_ =	sdelay $0x1  }
0x8a: {  	s1 =	srdreg.scid  }
0x8b: {  	s0 =	sand.u32 $0x1, s1  }
0x8c: {  	s16 =	sshll.u32 s0, $0xA;
	s2 =	sadd.s32 s3, s2  }
0x8d: {  	s2 =	sadd.s32 s2, s16  }
0x8e: {  	[smem:$0x3FB9] =	sst s2  }
0x8f: {  	_ = 	snop  }
0x90: {  	(tm) =	ssettm $0x1  }
0x91: {  	s17 =	sld [smem:$0x3FFB];
	_ =	sdelay $0x3  }
0x92: {  	_ =	strace s17  }
0x93: {  	s2 =	sld [smem:$0x3FFC];
	_ =	sdelay $0x3  }
0x94: {  	_ =	strace s2  }
0x95: {  	s2 =	sld [smem:$0x3FFD];
	_ =	sdelay $0x3  }
0x96: {  	_ =	strace s2  }
0x97: {  	_ =	strace $0x8FFFFFFF  }
0x98: {  	s18 =	sld [smem:$0x3FDB];
	_ =	sdelay $0x1  }
0x99: {  	s19 =	simm.s32 $_scs_section_size  }
0x9a: {  	s4 =	simm.s32 $_size__tile_overlayer_lowered;
	s5 =	simm.s32 $_tile_overlayer_lowered  }
0x9b: {  	s22 =	simm.s32 $0x1BFF;
	s21 =	sshll.u32 s5, $0x1;
	s2 =	sadd.s32 s19, s18  }
0x9c: {  	s6 =	simm.s32 $0x0;
	s20 =	sshll.u32 s4, $0x1;
	s4 =	sadd.s32 s21, s2  }
0x9d: {  	[timem:s6], [sflag:s22] =	dma.local [hbm:s4], s20  }
0x9e: {  	_ =	swait.ge [sflag:s22], s20  }
0x9f: {  	s3 =	ssub.s32 $0x0, s20;
	[sflag:s22] =	ssyncset.done $0x0  }
0xa0: {  	[sflag:s22] =	ssyncadd.s32 s3;
	_ =	sdelay $0x1  }
0xa1: {  	s23 =	simm.s32 $0x1B8B  }
0xa2: {  	_ =	swait.ge [sflag:s23], $0x1  }
0xa3: {  	[sflag:s23] =	ssyncset.done $0x0  }
0xa4: {  	s25 =	simm.s32 $0x1B8E;
	s24 =	sld [smem:$0x3FFE];
	[sflag:s23] =	ssyncadd.s32 $0xFFFFFFFF  }
0xa5: {  	s26 =	simm.s32 $execute0_lowered;
	[smem:$0x3FD2] =	sst s25  }
0xa6: {  	s4 =	sshll.u32 s26, $0x1;
	_ =	strace $0x8000004F;
	[dreg:$0x1] =	wrdreg $0xFFFFFFFF  }
0xa7: {  	s28 =	simm.s32 $_size_execute0_lowered;
	s2 =	sadd.s32 s2, s4;
	[dreg:$0x0] =	wrdreg $0x0  }
0xa8: {  	s4 =	sshll.u32 s28, $0x1;
	[dreg:$0x2] =	wrdreg s2  }
0xa9: {  	[dreg:$0x3] =	wrdreg s4  }
0xaa: {  	[dreg:$0x4] =	wrdreg $0xC0  }
0xab: {  	_ =	task [dreg:s6], $0x5FFFF  }
0xac: {  	[dreg:$0x1] =	wrdreg $0xFFFFFFFF  }
0xad: {  	[dreg:$0x0] =	wrdreg $0x60  }
0xae: {  	[dreg:$0x2] =	wrdreg s24  }
0xaf: {  	[dreg:$0x3] =	wrdreg $0x68000  }
0xb0: {  	[dreg:$0x4] =	wrdreg $0x9  }
0xb1: {  	_ =	task.clear_ibuf [dreg:s6], $0x5FFFF;
	_ =	strace $0x9000004F  }
0xb2: {  	s29 =	simm.s32 $0x9;
	_ =	strace $0x80000051  }
0xb3: {  	_ =	swait.ge [sflag:s29], $0x1  }
0xb4: {  	[sflag:s29] =	ssyncadd.s32 $0xFFFFFFFF  }
0xb5: {  	_ =	strace $0x90000051  }
0xb6: {  	_ =	sfence  }
0xb7: {  	s30 =	sld [smem:$0x0];
	_ =	sdelay $0x2  }
0xb8: {  	s31 =	sshll.u32 s1, $0xD;
	s1 =	sshrl.u32 s1, $0x2  }
0xb9: {  	s3 =	sand.u32 $0x4000, s31;
	s1 =	sadd.s32 s1, s30  }
0xba: {  	s0 =	sor.u32 s3, s0;
	s1 =	sshll.u32 s1, $0x11  }
0xbb: {  	s0 =	sor.u32 s1, s0  }
0xbc: {  	s0 =	sadd.s32 $0x8F2B, s0  }
0xbd: {  	[sflag:s0] =	ssyncadd.remote.s32 $0x1  }
0xbe: {  	_ =	sfence.sel $0xFFFF  }
0xbf: {  	[dreg:$0x0] =	wrdreg $0xFFFFFFFF;
	(pc) =	sbr.abs _section_cstart, $3  }
0xc0: {  	[dreg:$0x1] =	wrdreg $0xFFFFFFFF  }
0xc1: {  	_ =	task.clear_ibuf [dreg:s6], $0x2FFFF;
	_ =	strace $0x9FFFFFFF  }
0xc2: {  	(tm) =	ssettm $0x7FFFFFFF  }
0xc3: {  	_ =	shalt  }
tec
execute0_lowered:
.L_overlay_start_1:
0x0: {  	(tag) =	ssettag $0x1  }
0x1: {  	s7 =	rddreg [dreg:$0x0]  }
0x2: {  	s2 =	rddreg [dreg:$0x1]  }
0x3: {  	s0 =	rddreg [dreg:$0x2];
	s4 =	srdreg.scid  }
0x4: {  	s1 =	stileid.u32;
	s3 =	simm.s32 $0x0;
	s16 =	simm.s32 $0x2800  }
0x5: {  	s17 =	simm.s32 $0x2;
	s18 =	simm.s32 $0x1400;
	s19 =	simm.s32 $0x80  }
0x6: {  	s20 =	simm.s32 $0x1;
	s8 =	sand.u32 $0x1, s4;
	s9 =	smul.u32 $0x2800, s1  }
0x7: {  	[smem:$0x7FF] =	sst s3;
	s4 =	sadd.s32 $0x72000, s7;
	s11 =	smul.u32 $0x50000, s1  }
0x8: {  	s5 =	sadd.s32 $0x5E000, s7;
	s6 =	sadd.s32 $0x4000, s7;
	s13 =	smul.u32 $0x5000, s1  }
0x9: {  	s21 =	sshll.u32 s1, $0x6;
	s10 =	smul.u32 $0x28000, s8;
	_ =	strace $0x80000050  }
0xa: {  	s28 =	ssub.s32 $0x2, s8;
	s8 =	sshll.u32 s8, $0x4;
	s21 =	sor.u32 $0x1C02, s21  }
0xb: {  	s29 =	sshrl.u32 s11, $0x2;
	s30 =	sshrl.u32 s28, $0x1;
	s31 =	sor.u32 s1, s8  }
0xc: {  	s9 =	sadd.s32 s9, s10;
	s15 =	ssub.s32 s28, s30;
	s11 =	smul.u32 $0x5000, s31  }
0xd: {  	s14 =	sadd.s32 s9, s7;
	s7 =	sadd.s32 s29, s2;
	s15 =	smax.u32 s15, $0x1  }
0xe: {  	s8 =	sadd.s32 $0x4000, s7;
	s9 =	sadd.s32 $0x8000, s7;
	s10 =	sadd.s32 $0xC000, s7  }
0xf: {  	v0 =	vimm.f32 $0.0e+00;
	s12 =	sadd.s32 $0x10000, s7;
	s14 =	sadd.s32 $0xC2000, s14;
	s22 =	sshrl.u32 s7, $0x3  }
.LBB2_1:
0x10: {  	s23 =	simm.s32 $0x0;
	s24 =	simm.s32 $0x200  }
.LBB2_2:
0x11: {  	p0 =	sne.s32 s24, $0xFE00;
	[tilespmem:s23+$0x2870] =	vst v0  }
0x12: {  	[tilespmem:s23+$0x2800] =	vst v0  }
0x13: {  	[tilespmem:s23+$0x2810] =	vst v0  }
.Ltmp0:
0x14: {  	[tilespmem:s23+$0x2820] =	vst v0;
	(pc) =	sbr.rel @p0 .LBB2_2-.Ltmp0, $4  }
0x15: {  	[tilespmem:s23+$0x2830] =	vst v0  }
0x16: {  	[tilespmem:s23+$0x2840] =	vst v0  }
0x17: {  	[tilespmem:s23+$0x2850] =	vst v0  }
0x18: {  	[tilespmem:s23+$0x2860] =	vst v0;
	s23 =	sshra.s32 s24, $0x2;
	s24 =	sadd.s32 $0x200, s24  }
0x19: {  	[tilespmem:s23+$0x2870] =	vst v0  }
0x1a: {  	[tilespmem:s23+$0x2800] =	vst v0  }
0x1b: {  	[tilespmem:s23+$0x2810] =	vst v0  }
0x1c: {  	[tilespmem:s23+$0x2820] =	vst v0  }
0x1d: {  	[tilespmem:s23+$0x2830] =	vst v0  }
0x1e: {  	[tilespmem:s23+$0x2840] =	vst v0  }
0x1f: {  	[tilespmem:s23+$0x2850] =	vst v0  }
0x20: {  	[tilespmem:s23+$0x2860] =	vst v0  }
0x21: {  	[spmem:s7] =	stream.linear.scatter [tilespmem:s16], [sflag:$0x2], $0x4000, $0x38;
	[tilespmem:$0x1A800] =	vst v63  }
0x22: {  	_ =	swait.ge [sflag:s17], $0x4000  }
0x23: {  	[sflag:s17] =	ssyncset.done $0x0  }
0x24: {  	[sflag:s17] =	ssyncadd.s32 $0xFFFFC000  }
0x25: {  	[spmem:s8] =	stream.linear.scatter [tilespmem:s16], [sflag:$0x2], $0x4000, $0x38;
	[tilespmem:$0x1A800] =	vst v63  }
0x26: {  	_ =	swait.ge [sflag:s17], $0x4000  }
0x27: {  	[sflag:s17] =	ssyncset.done $0x0  }
0x28: {  	[sflag:s17] =	ssyncadd.s32 $0xFFFFC000  }
0x29: {  	[spmem:s9] =	stream.linear.scatter [tilespmem:s16], [sflag:$0x2], $0x4000, $0x38;
	[tilespmem:$0x1A800] =	vst v63  }
0x2a: {  	_ =	swait.ge [sflag:s17], $0x4000  }
0x2b: {  	[sflag:s17] =	ssyncset.done $0x0  }
0x2c: {  	[sflag:s17] =	ssyncadd.s32 $0xFFFFC000  }
0x2d: {  	[spmem:s10] =	stream.linear.scatter [tilespmem:s16], [sflag:$0x2], $0x4000, $0x38;
	[tilespmem:$0x1A800] =	vst v63  }
0x2e: {  	_ =	swait.ge [sflag:s17], $0x4000  }
0x2f: {  	[sflag:s17] =	ssyncset.done $0x0  }
0x30: {  	[sflag:s17] =	ssyncadd.s32 $0xFFFFC000  }
0x31: {  	[spmem:s12] =	stream.linear.scatter [tilespmem:s16], [sflag:$0x2], $0x4000, $0x38;
	[tilespmem:$0x1A800] =	vst v63  }
0x32: {  	_ =	swait.ge [sflag:s17], $0x4000  }
0x33: {  	[sflag:s17] =	ssyncset.done $0x0  }
0x34: {  	[sflag:s17] =	ssyncadd.s32 $0xFFFFC000  }
0x35: {  	s23 =	simm.s32 $0x0;
	s24 =	simm.s32 $0x0;
	[bflag:$0x0] =	sbarrier.arrive $0xFFFF  }
.LBB2_4:
0x36: {  	s25 =	smul.u32 $0x1400, s24;
	_ =	sdelay $0x1  }
0x37: {  	s26 =	sadd.s32 s11, s25  }
0x38: {  	s26 =	sshrl.u32 s26, $0x3  }
0x39: {  	s26 =	sadd.s32 s5, s26  }
0x3a: {  	[tilespmem:s23], [sflag:$0x2] =	stream.linear.gather [hbm4b:s26+s23], $0x1400, $0x38;
	[tilespmem:$0x1A800] =	vst v63  }
0x3b: {  	s25 =	sadd.s32 s13, s25;
	_ =	swait.ge [sflag:s17], $0x1400  }
0x3c: {  	s25 =	sshrl.u32 s25, $0x3;
	[sflag:s17] =	ssyncset.done $0x0  }
0x3d: {  	s25 =	sadd.s32 s6, s25;
	[sflag:s17] =	ssyncadd.s32 $0xFFFFEC00  }
0x3e: {  	[tilespmem:s18], [sflag:$0x2] =	stream.linear.gather [hbm4b:s25+s23], $0x1400, $0x38;
	[tilespmem:$0x1A800] =	vst v63  }
0x3f: {  	_ =	swait.ge [sflag:s17], $0x1400  }
0x40: {  	[sflag:s17] =	ssyncset.done $0x0  }
0x41: {  	s30 =	simm.s32 $0x0;
	[sflag:s17] =	ssyncadd.s32 $0xFFFFEC00  }
0x42: {  	[tilespmem:s16], [sflag:$0x1] =	stream.indirect.gather [hbm4b:s4+s19], $0x80, s30, s19, $0xb8;
	[tilespmem:$0x1A800] =	vst v63  }
0x43: {  	_ =	swait.ge [sflag:s20], $0x4000  }
0x44: {  	[sflag:s20] =	ssyncset.done $0x0  }
0x45: {  	s31 =	simm.s32 $0x1400;
	[sflag:s20] =	ssyncadd.s32 $0xFFFFC000  }
0x46: {  	[spmem:s2] =	stream.indirect.scatter.add.f32 [tilespmem:s16], [sflag:$0x2], $0x80, s31, s19, $0xb8;
	[tilespmem:$0x1A800] =	vst v63  }
0x47: {  	_ =	swait.ge [sflag:s17], $0x4000  }
0x48: {  	s26 =	simm.s32 $0x400;
	s25 =	simm.s32 $0x200;
	[sflag:s17] =	ssyncset.done $0x0  }
.LBB2_5:
0x49: {  	s28 =	sshra.s32 s25, $0x2  }
0x4a: {  	[sflag:s17] =	ssyncadd.s32 $0xFFFFC000;
	s25 =	smov.u32 s26;
	s29 =	sadd.s32 $0x200, s26  }
0x4b: {  	[tilespmem:s16], [sflag:$0x1] =	stream.indirect.gather [hbm4b:s4+s19], $0x80, s28, s19, $0xb8;
	[tilespmem:$0x1A800] =	vst v63  }
0x4c: {  	p0 =	sne.s32 s26, $0x4E00;
	_ =	swait.ge [sflag:s20], $0x4000  }
.Ltmp1:
0x4d: {  	[sflag:s20] =	ssyncset.done $0x0;
	(pc) =	sbr.rel @p0 .LBB2_5-.Ltmp1, $4  }
0x4e: {  	s26 =	sadd.s32 $0x1400, s28;
	[sflag:s20] =	ssyncadd.s32 $0xFFFFC000  }
0x4f: {  	[spmem:s2] =	stream.indirect.scatter.add.f32 [tilespmem:s16], [sflag:$0x2], $0x80, s26, s19, $0xb8;
	[tilespmem:$0x1A800] =	vst v63  }
0x50: {  	_ =	swait.ge [sflag:s17], $0x4000  }
0x51: {  	s26 =	smov.u32 s29;
	[sflag:s17] =	ssyncset.done $0x0  }
0x52: {  	s25 =	sshra.s32 s25, $0x2;
	[sflag:s17] =	ssyncadd.s32 $0xFFFFC000  }
0x53: {  	[tilespmem:s16], [sflag:$0x1] =	stream.indirect.gather [hbm4b:s4+s19], $0x80, s25, s19, $0xb8;
	[tilespmem:$0x1A800] =	vst v63  }
0x54: {  	s24 =	sadd.s32 $0x1, s24;
	_ =	swait.ge [sflag:s20], $0x4000  }
0x55: {  	p0 =	sne.s32 s24, $0x4;
	[sflag:s20] =	ssyncset.done $0x0  }
.Ltmp2:
0x56: {  	s25 =	sadd.s32 $0x1400, s25;
	[sflag:s20] =	ssyncadd.s32 $0xFFFFC000;
	(pc) =	sbr.rel @p0 .LBB2_4-.Ltmp2, $4  }
0x57: {  	[spmem:s2] =	stream.indirect.scatter.add.f32 [tilespmem:s16], [sflag:$0x2], $0x80, s25, s19, $0xb8;
	[tilespmem:$0x1A800] =	vst v63  }
0x58: {  	_ =	swait.ge [sflag:s17], $0x4000  }
0x59: {  	[sflag:s17] =	ssyncset.done $0x0  }
0x5a: {  	[sflag:s17] =	ssyncadd.s32 $0xFFFFC000  }
0x5b: {  	s3 =	sadd.s32 $0x1, s3  }
0x5c: {  	p0 =	sne.s32 s3, s15  }
.Ltmp3:
0x5d: {  	[bflag:$0x0] =	sbarrier.arrive $0xFFFF;
	(pc) =	sbr.rel @p0 .LBB2_1-.Ltmp3, $4  }
0x5e: {  	[hbm:s14], [sflag:s21] =	dma.local [spmem:s22], $0x2800  }
0x5f: {  	_ =	swait.ge [sflag:s17], $0x2800  }
0x60: {  	[sflag:s17] =	ssyncset.done $0x0  }
0x61: {  	[sflag:s17] =	ssyncadd.s32 $0xFFFFD800  }
0x62: {  	_ =	sfence.sel $0x180000  }
0x63: {  	[bflag:$0x0] =	sbarrier.arrive $0xFFFF  }
0x64: {  	p0 =	sne.s32 s1, $0x0;
	_ =	strace $0x90000050  }
0x65: {  	s0 =	sadd.s32 @!p0 $0x100000, s0;
	[bflag:$0x2] =	sbarrier.arrive $0xFFFF  }
0x66: {  	[sflag:s0] =	ssyncadd.tile.s32 @!p0 $0x1;
	_ =	shalt  }
.Lfunc_end2:
_tile_overlayer_lowered:
.L_overlay_start_2:
0x67: {  	(tag) =	ssettag $0x2  }
0x68: {  	s0 =	rddreg [dreg:$0x0];
	s2 =	stileid.u32  }
0x69: {  	s1 =	rddreg [dreg:$0x1];
	p0 =	sne.s32 s2, $0x0  }
0x6a: {  	s3 =	rddreg [dreg:$0x2];
	[bflag:$0x3] =	sbarrier.arrive $0xFFFF;
	s2 =	simm.s32 @!p0 $0x1C02  }
0x6b: {  	[timem:s3], [sflag:s2] =	dma.local @!p0 [hbm:s0], s1  }
0x6c: {  	s0 =	simm.s32 @!p0 $0x2  }
0x6d: {  	_ =	swait.ge @!p0 [sflag:s0], s1  }
0x6e: {  	s1 =	ssub.s32 @!p0 $0x0, s1;
	[sflag:s0] =	ssyncset.done @!p0 $0x0  }
0x6f: {  	[sflag:s0] =	ssyncadd.s32 @!p0 s1  }
0x70: {  	[bflag:$0x3] =	sbarrier.arrive $0xFFFF  }
0x71: {  	_ =	shalt  }

</sc_bundles>
